<compile_context>
chip_gen: v7x
topology: tpu7x:2x2x1
jax: 0.10.2.dev20260603
libtpu: 0.0.44.dev20260713+nightly
codegen_flags: <defaults>
</compile_context>

<pallas_src>
import functools

import jax
import jax.numpy as jnp
from jax import lax
from jax.experimental import pallas as pl
from jax.experimental.pallas import tpu as pltpu
from jax.experimental.pallas import tpu_sc as plsc

BN = 10000
BE = 320000
B = 16
ND = 128
ED = 16
GD = 16
EH = 2 * ND + ED + GD
NH = ND + ED + GD

NW = 32
C = 80
KPW = BE // (NW * C)
NBUF = 5
EC = 2000
BNP = 10240

_SQRT_HALF = 0.7071067811865476


def _gelu(x):
    return 0.5 * x * (1.0 + lax.erf(x * _SQRT_HALF))



def _prep_body(na_ref, batch_ref, ga_ref, t_ref):
    na = na_ref[...]
    bids = batch_ref[0]
    onehot = (bids == lax.broadcasted_iota(jnp.int32, (1, B), 1)
              ).astype(jnp.float32)
    gpn = jnp.dot(onehot, ga_ref[...], preferred_element_type=jnp.float32)
    t_ref[...] = jnp.concatenate([na, gpn], axis=1)


def _prep_call(node_attr, batch3d, glob_attr):
    blk = 1000
    grid = BN // blk
    return pl.pallas_call(
        _prep_body,
        grid=(grid,),
        in_specs=[
            pl.BlockSpec((blk, ND), lambda i: (i, 0)),
            pl.BlockSpec((1, blk, 1), lambda i: (i, 0, 0)),
            pl.BlockSpec((B, GD), lambda i: (0, 0)),
        ],
        out_specs=pl.BlockSpec((blk, ND + GD), lambda i: (i, 0)),
        out_shape=jax.ShapeDtypeStruct((BN, ND + GD), jnp.float32),
    )(node_attr, batch3d, glob_attr)



@functools.cache
def _sc_mesh():
    return plsc.VectorSubcoreMesh(core_axis_name="c", subcore_axis_name="s")


@functools.cache
def _build_sc_gather():
    @functools.partial(
        pl.kernel,
        mesh=_sc_mesh(),
        out_type=(
            jax.ShapeDtypeStruct((BE, ND + GD), jnp.float32),
            jax.ShapeDtypeStruct((BE, ND), jnp.float32),
        ),
        scratch_types=[
            pltpu.VMEM((KPW, C), jnp.int32),
            pltpu.VMEM((KPW, C), jnp.int32),
            pltpu.VMEM((NBUF, C, ND + GD), jnp.float32),
            pltpu.VMEM((NBUF, C, ND), jnp.float32),
            pltpu.SemaphoreType.DMA((NBUF,)),
            pltpu.SemaphoreType.DMA((NBUF,)),
            pltpu.SemaphoreType.DMA((NBUF,)),
            pltpu.SemaphoreType.DMA((NBUF,)),
        ],
        compiler_params=pltpu.CompilerParams(use_tc_tiling_on_sc=False),
    )
    def _sc_gather(t_hbm, na_hbm, src_hbm, tgt_hbm, gs_hbm, gt_hbm,
                   src_v, tgt_v, buf_t, buf_n, sem_gt, sem_gn, sem_wt, sem_wn):
        cid = lax.axis_index("c")
        sid = lax.axis_index("s")
        wid = sid * 2 + cid
        pltpu.sync_copy(src_hbm.at[wid], src_v)
        pltpu.sync_copy(tgt_hbm.at[wid], tgt_v)

        def gather_start(i, b):
            pltpu.async_copy(t_hbm.at[src_v.at[i]], buf_t.at[b], sem_gt.at[b])
            pltpu.async_copy(na_hbm.at[tgt_v.at[i]], buf_n.at[b], sem_gn.at[b])

        def finish(j, b):
            pltpu.make_async_copy(t_hbm.at[src_v.at[j]], buf_t.at[b],
                                  sem_gt.at[b]).wait()
            pltpu.make_async_copy(na_hbm.at[tgt_v.at[j]], buf_n.at[b],
                                  sem_gn.at[b]).wait()
            base = (wid * KPW + j) * C
            pltpu.async_copy(buf_t.at[b], gs_hbm.at[pl.ds(base, C)],
                             sem_wt.at[b])
            pltpu.async_copy(buf_n.at[b], gt_hbm.at[pl.ds(base, C)],
                             sem_wn.at[b])

        def wb_wait(b):
            pltpu.make_async_copy(buf_t.at[b], gs_hbm.at[pl.ds(0, C)],
                                  sem_wt.at[b]).wait()
            pltpu.make_async_copy(buf_n.at[b], gt_hbm.at[pl.ds(0, C)],
                                  sem_wn.at[b]).wait()

        def round_(g, carry):
            for b in range(NBUF):
                i = g * NBUF + b

                @pl.when(i >= NBUF)
                def _():
                    wb_wait(b)

                gather_start(i, b)
                bp = (b - 1) % NBUF

                @pl.when(i >= 1)
                def _():
                    finish(i - 1, bp)

            return carry

        lax.fori_loop(0, KPW // NBUF, round_, 0)
        finish(KPW - 1, (KPW - 1) % NBUF)
        for b in range(NBUF):
            wb_wait(b)

    return _sc_gather



def _edge_body(gs_ref, gt_ref, ea_ref, w1s_ref, w1t_ref, w1c_ref, b1_ref,
               w2_ref, b2_ref, out_ref):
    h = jnp.dot(gs_ref[...], w1s_ref[...], preferred_element_type=jnp.float32)
    h = h + jnp.dot(gt_ref[...], w1t_ref[...], preferred_element_type=jnp.float32)
    h = h + jnp.dot(ea_ref[...], w1c_ref[...], preferred_element_type=jnp.float32)
    h = _gelu(h + b1_ref[...])
    o = jnp.dot(h, w2_ref[...], preferred_element_type=jnp.float32) + b2_ref[...]
    out_ref[...] = _gelu(o)


def _edge_call(gs, gt, edge_attr, w1s, w1t, w1c, b1e, w2e, b2e):
    blk = 1280
    grid = BE // blk
    full = lambda r, c: pl.BlockSpec((r, c), lambda i: (0, 0))
    return pl.pallas_call(
        _edge_body,
        grid=(grid,),
        in_specs=[
            pl.BlockSpec((blk, ND + GD), lambda i: (i, 0)),
            pl.BlockSpec((blk, ND), lambda i: (i, 0)),
            pl.BlockSpec((blk, ED), lambda i: (i, 0)),
            full(ND + GD, EH),
            full(ND, EH),
            full(ED, EH),
            full(1, EH),
            full(EH, ED),
            full(1, ED),
        ],
        out_specs=pl.BlockSpec((blk, ED), lambda i: (i, 0)),
        out_shape=jax.ShapeDtypeStruct((BE, ED), jnp.float32),
    )(gs, gt, edge_attr, w1s, w1t, w1c, b1e, w2e, b2e)



@functools.cache
def _build_sc_scatter():
    @functools.partial(
        pl.kernel,
        mesh=_sc_mesh(),
        out_type=jax.ShapeDtypeStruct((2, BNP, ED), jnp.float32),
        scratch_types=[
            pltpu.VMEM((KPW, C), jnp.int32),
            pltpu.VMEM((2, EC, ED), jnp.float32),
            pltpu.VMEM((BNP // 16, ED), jnp.float32),
            pltpu.VMEM_SHARED((BNP, ED), jnp.float32),
            pltpu.SemaphoreType.DMA((2,)),
            pltpu.SemaphoreType.DMA((2,)),
        ],
        compiler_params=pltpu.CompilerParams(use_tc_tiling_on_sc=False),
    )
    def _sc_scatter(e_hbm, tgt_hbm, p_hbm, tgt_v, buf_e, zbuf, acc,
                    sem_l, sem_s):
        cid = lax.axis_index("c")
        sid = lax.axis_index("s")
        wid = sid * 2 + cid
        rows = BNP // 16
        cpe = EC // C
        nsc = (KPW * C) // EC

        def zb(i, carry):
            zbuf[i, :] = jnp.zeros((ED,), jnp.float32)
            return carry

        lax.fori_loop(0, rows, zb, 0)
        pltpu.sync_copy(zbuf, acc.at[pl.ds(sid * rows, rows)])

        pltpu.sync_copy(tgt_hbm.at[wid], tgt_v)
        plsc.subcore_barrier()

        def load_start(s, b):
            base = wid * KPW * C + s * EC
            pltpu.async_copy(e_hbm.at[pl.ds(base, EC)], buf_e.at[b],
                             sem_l.at[b])

        def scat(s, b):
            pltpu.make_async_copy(e_hbm.at[pl.ds(0, EC)], buf_e.at[b],
                                  sem_l.at[b]).wait()

            def one(j, carry):
                idx = tgt_v.at[s * cpe + j]
                pltpu.async_copy(buf_e.at[b].at[pl.ds(j * C, C)],
                                 acc.at[idx], sem_s.at[b], add=True)
                return carry

            lax.fori_loop(0, cpe, one, 0)

        def drain(b):
            def one(j, carry):
                pltpu.make_async_copy(buf_e.at[b].at[pl.ds(0, C)],
                                      acc.at[tgt_v.at[0]], sem_s.at[b]).wait()
                return carry

            lax.fori_loop(0, cpe, one, 0)

        load_start(0, 0)

        def body(s, carry):
            b = s % 2
            bn = (s + 1) % 2

            @pl.when(s + 1 < nsc)
            def _():
                @pl.when(s >= 1)
                def _():
                    drain(bn)

                load_start(s + 1, bn)

            scat(s, b)
            return carry

        lax.fori_loop(0, nsc, body, 0)
        drain(0)
        drain(1)
        plsc.subcore_barrier()

        @pl.when(sid == 0)
        def _():
            pltpu.sync_copy(acc, p_hbm.at[cid])

    return _sc_scatter



def _node_body(t_ref, p0_ref, p1_ref, batch_ref, w1a_ref, w1b_ref, w1c_ref,
               b1_ref, w2_ref, b2_ref, ne_ref, n2g_ref, e2g_ref):
    i = pl.program_id(0)
    t = t_ref[...]
    na = t[:, :ND]
    gpn = t[:, ND:]
    e2n = p0_ref[...] + p1_ref[...]
    h = jnp.dot(na, w1a_ref[...], preferred_element_type=jnp.float32)
    h = h + jnp.dot(e2n, w1b_ref[...], preferred_element_type=jnp.float32)
    h = h + jnp.dot(gpn, w1c_ref[...], preferred_element_type=jnp.float32)
    h = _gelu(h + b1_ref[...])
    ne = _gelu(jnp.dot(h, w2_ref[...], preferred_element_type=jnp.float32)
               + b2_ref[...])
    ne_ref[...] = ne

    inf = jnp.float32(jnp.inf)

    @pl.when(i == 0)
    def _():
        n2g_ref[...] = jnp.full((B, ND), inf, jnp.float32)
        e2g_ref[...] = jnp.full((B, ED), inf, jnp.float32)

    bids = batch_ref[0]
    nmins = []
    emins = []
    for g in range(B):
        m = bids == g
        nmins.append(jnp.min(jnp.where(m, ne, inf), axis=0))
        emins.append(jnp.min(jnp.where(m, e2n, inf), axis=0))
    n2g_ref[...] = jnp.minimum(n2g_ref[...], jnp.stack(nmins))
    e2g_ref[...] = jnp.minimum(e2g_ref[...], jnp.stack(emins))


def _node_call(t, p0, p1, batch3d, w1a, w1b, w1c, b1n, w2n, b2n):
    blk = 1000
    grid = BN // blk
    full = lambda r, c: pl.BlockSpec((r, c), lambda i: (0, 0))
    return pl.pallas_call(
        _node_body,
        grid=(grid,),
        in_specs=[
            pl.BlockSpec((blk, ND + GD), lambda i: (i, 0)),
            pl.BlockSpec((blk, ED), lambda i: (i, 0)),
            pl.BlockSpec((blk, ED), lambda i: (i, 0)),
            pl.BlockSpec((1, blk, 1), lambda i: (i, 0, 0)),
            full(ND, NH),
            full(ED, NH),
            full(GD, NH),
            full(1, NH),
            full(NH, ND),
            full(1, ND),
        ],
        out_specs=[
            pl.BlockSpec((blk, ND), lambda i: (i, 0)),
            full(B, ND),
            full(B, ED),
        ],
        out_shape=[
            jax.ShapeDtypeStruct((BN, ND), jnp.float32),
            jax.ShapeDtypeStruct((B, ND), jnp.float32),
            jax.ShapeDtypeStruct((B, ED), jnp.float32),
        ],
    )(t, p0, p1, batch3d, w1a, w1b, w1c, b1n, w2n, b2n)



def _glob_body(n2g_ref, e2g_ref, ga_ref, w1a_ref, w1b_ref, w1c_ref, b1_ref,
               w2_ref, b2_ref, out_ref):
    h = jnp.dot(n2g_ref[...], w1a_ref[...], preferred_element_type=jnp.float32)
    h = h + jnp.dot(e2g_ref[...], w1b_ref[...], preferred_element_type=jnp.float32)
    h = h + jnp.dot(ga_ref[...], w1c_ref[...], preferred_element_type=jnp.float32)
    h = _gelu(h + b1_ref[...])
    o = jnp.dot(h, w2_ref[...], preferred_element_type=jnp.float32) + b2_ref[...]
    out_ref[...] = _gelu(o)


def _glob_call(n2g, e2g, glob_attr, w1a, w1b, w1c, b1g, w2g, b2g):
    return pl.pallas_call(
        _glob_body,
        out_shape=jax.ShapeDtypeStruct((B, GD), jnp.float32),
    )(n2g, e2g, glob_attr, w1a, w1b, w1c, b1g, w2g, b2g)



def _sc_gather_call(t, node_attr, src2d, tgt2d):
    return _build_sc_gather()(t, node_attr, src2d, tgt2d)


def _sc_scatter_call(edge_emb, tgt2d):
    return _build_sc_scatter()(edge_emb, tgt2d)



def kernel(node_attr, edge_attr, glob_attr,
           W1e, b1e, W2e, b2e,
           W1n, b1n, W2n, b2n,
           W1g, b1g, W2g, b2g,
           edge_index, batch):
    src2d = edge_index[0].reshape(NW, KPW, C)
    tgt2d = edge_index[1].reshape(NW, KPW, C)
    batch3d = batch.reshape(BN // 1000, 1000, 1)

    w1s = jnp.concatenate([W1e[0:ND], W1e[2 * ND + ED:]], axis=0)
    w1t = W1e[ND:2 * ND]
    w1c = W1e[2 * ND:2 * ND + ED]

    t = _prep_call(node_attr, batch3d, glob_attr)
    gs, gt = _sc_gather_call(t, node_attr, src2d, tgt2d)
    edge_emb = _edge_call(gs, gt, edge_attr, w1s, w1t, w1c,
                          b1e.reshape(1, EH), W2e, b2e.reshape(1, ED))
    p = _sc_scatter_call(edge_emb, tgt2d)
    node_emb, n2g, e2g = _node_call(
        t, p[0, :BN], p[1, :BN], batch3d,
        W1n[0:ND], W1n[ND:ND + ED], W1n[ND + ED:], b1n.reshape(1, NH),
        W2n, b2n.reshape(1, ND))
    glob_emb = _glob_call(
        n2g, e2g, glob_attr,
        W1g[0:ND], W1g[ND:ND + ED], W1g[ND + ED:], b1g.reshape(1, NH),
        W2g, b2g.reshape(1, GD))
    return node_emb, edge_emb, glob_emb

# --- scband reference (transcript-rebuilt; emitter-appended) ---
"""Pipeline reference for scband-graph-network-layer-60584808677771 (READ-ONLY COPY).

The authoritative reference and input builder live on the scoring server;
editing this copy changes nothing except your own understanding.
"""

import jax, jax.numpy as jnp
import numpy as np

BN = 10000
BE = 320000
B = 16
ND = 128
ED = 16
GD = 16
EH = 2 * ND + ED + GD  # 288 edge-MLP hidden
NH = ND + ED + GD      # 160 node-MLP hidden
GH = ND + ED + GD      # 160 glob-MLP hidden


def _w(key, shape):
    return jax.random.normal(key, shape, dtype=jnp.float32) * 0.02


def setup_inputs(seed: int = 0) -> dict:
    key = jax.random.key(seed)
    ks = jax.random.split(key, 20)
    return {
        "node_attr": jax.random.normal(ks[0], (BN, ND), dtype=jnp.float32),
        "edge_attr": jax.random.normal(ks[1], (BE, ED), dtype=jnp.float32),
        "glob_attr": jax.random.normal(ks[2], (B, GD), dtype=jnp.float32),
        "W1e": _w(ks[3], (EH, EH)), "b1e": jnp.zeros((EH,), jnp.float32),
        "W2e": _w(ks[4], (EH, ED)), "b2e": jnp.zeros((ED,), jnp.float32),
        "W1n": _w(ks[5], (NH, NH)), "b1n": jnp.zeros((NH,), jnp.float32),
        "W2n": _w(ks[6], (NH, ND)), "b2n": jnp.zeros((ND,), jnp.float32),
        "W1g": _w(ks[7], (GH, GH)), "b1g": jnp.zeros((GH,), jnp.float32),
        "W2g": _w(ks[8], (GH, GD)), "b2g": jnp.zeros((GD,), jnp.float32),
        "edge_index": jax.random.randint(ks[9], (2, BE), 0, BN, dtype=jnp.int32),
        "batch": jnp.sort(jax.random.randint(ks[10], (BN,), 0, B, dtype=jnp.int32)),
    }


def _mlp(x, W1, b1, W2, b2):
    h = jax.nn.gelu(x @ W1 + b1, approximate=False)
    return jax.nn.gelu(h @ W2 + b2, approximate=False)


def reference(node_attr, edge_attr, glob_attr,
              W1e, b1e, W2e, b2e,
              W1n, b1n, W2n, b2n,
              W1g, b1g, W2g, b2g,
              edge_index, batch):
    src = edge_index[0]
    tgt = edge_index[1]
    num_nodes = node_attr.shape[0]
    num_graphs = glob_attr.shape[0]
    glob_per_node = glob_attr[batch]  # [BN, GD]
    e_in = jnp.concatenate([node_attr[src], node_attr[tgt], edge_attr, glob_per_node[src]], axis=1)
    edge_emb = _mlp(e_in, W1e, b1e, W2e, b2e)  # [BE, ED]
    edge2node = jax.ops.segment_sum(edge_emb, tgt, num_segments=num_nodes)  # [BN, ED]
    n_in = jnp.concatenate([node_attr, edge2node, glob_per_node], axis=1)
    node_emb = _mlp(n_in, W1n, b1n, W2n, b2n)  # [BN, ND]
    edge2glob = jax.ops.segment_min(edge2node, batch, num_segments=num_graphs)  # [B, ED]
    node2glob = jax.ops.segment_min(node_emb, batch, num_segments=num_graphs)   # [B, ND]
    g_in = jnp.concatenate([node2glob, edge2glob, glob_attr], axis=1)
    glob_emb = _mlp(g_in, W1g, b1g, W2g, b2g)  # [B, GD]
    return node_emb, edge_emb, glob_emb

if __name__ == "__main__":
    import jax
    _d = setup_inputs()
    print(jax.jit(kernel)(*tuple(_d.values())))

</pallas_src>

<mosaic_0001>
#map = affine_map<(d0, d1) -> (0, 0)>
#map1 = affine_map<(d0, d1) -> (0, 0, 0)>
module attributes {stable_mosaic.version = 14 : i64} {
  func.func @_sc_scatter(%arg0: i32, %arg1: i32, %arg2: memref<320000x16xf32, #tpu.memory_space<hbm>>, %arg3: memref<32x125x80xi32, #tpu.memory_space<hbm>>, %arg4: memref<2x10240x16xf32, #tpu.memory_space<hbm>>, %arg5: memref<125x80xi32, #tpu.memory_space<vmem>>, %arg6: memref<2x2000x16xf32, #tpu.memory_space<vmem>>, %arg7: memref<640x16xf32, #tpu.memory_space<vmem>>, %arg8: memref<10240x16xf32, #tpu.memory_space<vmem_shared>>, %arg9: memref<2x!tpu.dma_semaphore, #tpu.memory_space<semaphore_mem>>, %arg10: memref<2x!tpu.dma_semaphore, #tpu.memory_space<semaphore_mem>>) attributes {dimension_semantics = [#tpu.dimension_semantics<core_parallel>, #tpu.dimension_semantics<subcore_parallel>], iteration_bounds = array<i64: 2, 16>, scalar_prefetch = 0 : i64, scratch_operands = 6 : i64, tpu.core_type = #tpu.core_type<sc_vector_subcore>, window_params = [{transform_indices = #map}, {transform_indices = #map1}, {transform_indices = #map1}]} {
    %mul3A = arith.constant 2 : i32
    %mul3A_0 = arith.muli %arg1, %mul3A : i32
    %add3A = arith.addi %mul3A_0, %arg0 : i32
    %scan3A = arith.constant 0 : i32
    %scan3A_1 = arith.constant 0 : i32
    %scan3A_2 = arith.constant 640 : i32
    %scan3A_3 = arith.addi %scan3A_1, %scan3A_2 : i32
    %scan3A_4 = arith.constant 1 : i32
    scf.for %scan3A_50 = %scan3A_1 to %scan3A_3 step %scan3A_4  : i32 {
      %broadcast_in_dim3A = arith.constant 0.000000e+00 : f32
      %broadcast_in_dim3A_51 = vector.broadcast %broadcast_in_dim3A : f32 to vector<16xf32>
      %swap3A = arith.index_cast %scan3A_50 : i32 to index
      %swap3A_52 = arith.constant 0 : index
      %swap3A_53 = tpu.vector_load %arg7[%swap3A, %swap3A_52] {strides = array<i32>} : memref<640x16xf32, #tpu.memory_space<vmem>>, vector<1x16xf32>,
      %swap3A_54 = vector.shape_cast %swap3A_53 : vector<1x16xf32> to vector<16xf32>
      %swap3A_55 = vector.shape_cast %broadcast_in_dim3A_51 : vector<16xf32> to vector<1x16xf32>
      tpu.vector_store %arg7[%swap3A, %swap3A_52], %swap3A_55 {strides = array<i32>} : memref<640x16xf32, #tpu.memory_space<vmem>>, vector<1x16xf32>,
    }
    %scan3A_5 = arith.constant 640 : i32
    %mul3A_6 = arith.constant 640 : i32
    %mul3A_7 = arith.muli %arg1, %mul3A_6 : i32
    "tpu.region"() ({
      %run_scoped3A = tpu.sem_alloc : memref<!tpu.dma_semaphore, #tpu.memory_space<semaphore_mem>>
      %dma_start3A_50 = arith.constant 0 : i32
      %dma_start3A_51 = tpu.memref_slice %arg8[%mul3A_7, %dma_start3A_50] : memref<10240x16xf32, #tpu.memory_space<vmem_shared>> -> memref<640x16xf32, #tpu.memory_space<vmem_shared>>
      %dma_start3A_52 = arith.constant 0 : i32
      %dma_start3A_53 = tpu.memref_slice %arg8[%mul3A_7, %dma_start3A_52] : memref<10240x16xf32, #tpu.memory_space<vmem_shared>> -> memref<640x16xf32, #tpu.memory_space<vmem_shared>>
      tpu.enqueue_dma source(%arg7 : memref<640x16xf32, #tpu.memory_space<vmem>>) target(%dma_start3A_53 : memref<640x16xf32, #tpu.memory_space<vmem_shared>>) target_semaphore(%run_scoped3A : memref<!tpu.dma_semaphore, #tpu.memory_space<semaphore_mem>>)
      %dma_wait3A = arith.constant 0 : i32
      %dma_wait3A_54 = tpu.memref_slice %arg8[%mul3A_7, %dma_wait3A] : memref<10240x16xf32, #tpu.memory_space<vmem_shared>> -> memref<640x16xf32, #tpu.memory_space<vmem_shared>>
      %dma_wait3A_55 = arith.constant 0 : i32
      %dma_wait3A_56 = tpu.memref_slice %arg8[%mul3A_7, %dma_wait3A_55] : memref<10240x16xf32, #tpu.memory_space<vmem_shared>> -> memref<640x16xf32, #tpu.memory_space<vmem_shared>>
      tpu.wait_dma2 semaphore(%run_scoped3A : memref<!tpu.dma_semaphore, #tpu.memory_space<semaphore_mem>>) src(%arg7 : memref<640x16xf32, #tpu.memory_space<vmem>>) dst(%dma_wait3A_56 : memref<640x16xf32, #tpu.memory_space<vmem_shared>>)
      tpu.yield
    }) : () -> ()
    "tpu.region"() ({
      %run_scoped3A = tpu.sem_alloc : memref<!tpu.dma_semaphore, #tpu.memory_space<semaphore_mem>>
      %dma_start3A_50 = arith.constant 0 : i32
      %dma_start3A_51 = arith.constant 0 : i32
      %dma_start3A_52 = tpu.memref_slice %arg3[%add3A, %dma_start3A_50, %dma_start3A_51] : memref<32x125x80xi32, #tpu.memory_space<hbm>> -> memref<1x125x80xi32, #tpu.memory_space<hbm>>
      %dma_start3A_53 = tpu.memref_squeeze %dma_start3A_52 : memref<1x125x80xi32, #tpu.memory_space<hbm>> -> memref<125x80xi32, #tpu.memory_space<hbm>>
      %dma_start3A_54 = arith.constant 0 : i32
      %dma_start3A_55 = arith.constant 0 : i32
      %dma_start3A_56 = tpu.memref_slice %arg3[%add3A, %dma_start3A_54, %dma_start3A_55] : memref<32x125x80xi32, #tpu.memory_space<hbm>> -> memref<1x125x80xi32, #tpu.memory_space<hbm>>
      %dma_start3A_57 = tpu.memref_squeeze %dma_start3A_56 : memref<1x125x80xi32, #tpu.memory_space<hbm>> -> memref<125x80xi32, #tpu.memory_space<hbm>>
      tpu.enqueue_dma source(%dma_start3A_57 : memref<125x80xi32, #tpu.memory_space<hbm>>) target(%arg5 : memref<125x80xi32, #tpu.memory_space<vmem>>) target_semaphore(%run_scoped3A : memref<!tpu.dma_semaphore, #tpu.memory_space<semaphore_mem>>)
      %dma_wait3A = arith.constant 0 : i32
      %dma_wait3A_58 = arith.constant 0 : i32
      %dma_wait3A_59 = tpu.memref_slice %arg3[%add3A, %dma_wait3A, %dma_wait3A_58] : memref<32x125x80xi32, #tpu.memory_space<hbm>> -> memref<1x125x80xi32, #tpu.memory_space<hbm>>
      %dma_wait3A_60 = tpu.memref_squeeze %dma_wait3A_59 : memref<1x125x80xi32, #tpu.memory_space<hbm>> -> memref<125x80xi32, #tpu.memory_space<hbm>>
      %dma_wait3A_61 = arith.constant 0 : i32
      %dma_wait3A_62 = arith.constant 0 : i32
      %dma_wait3A_63 = tpu.memref_slice %arg3[%add3A, %dma_wait3A_61, %dma_wait3A_62] : memref<32x125x80xi32, #tpu.memory_space<hbm>> -> memref<1x125x80xi32, #tpu.memory_space<hbm>>
      %dma_wait3A_64 = tpu.memref_squeeze %dma_wait3A_63 : memref<1x125x80xi32, #tpu.memory_space<hbm>> -> memref<125x80xi32, #tpu.memory_space<hbm>>
      tpu.wait_dma2 semaphore(%run_scoped3A : memref<!tpu.dma_semaphore, #tpu.memory_space<semaphore_mem>>) src(%dma_wait3A_64 : memref<125x80xi32, #tpu.memory_space<hbm>>) dst(%arg5 : memref<125x80xi32, #tpu.memory_space<vmem>>)
      tpu.yield
    }) : () -> ()
    %barrier3A = arith.constant 0 : index
    tpu.barrier barrier_id(%barrier3A)
    %mul3A_8 = arith.constant 125 : i32
    %mul3A_9 = arith.muli %add3A, %mul3A_8 : i32
    %mul3A_10 = arith.constant 80 : i32
    %mul3A_11 = arith.muli %mul3A_9, %mul3A_10 : i32
    %add3A_12 = arith.constant 0 : i32
    %add3A_13 = arith.addi %mul3A_11, %add3A_12 : i32
    %dma_start3A = arith.constant 0 : i32
    %dma_start3A_14 = arith.constant 0 : i32
    %dma_start3A_15 = arith.constant 0 : i32
    %dma_start3A_16 = arith.constant 0 : i32
    %dma_start3A_17 = tpu.memref_slice %arg6[%dma_start3A, %dma_start3A_15, %dma_start3A_16] : memref<2x2000x16xf32, #tpu.memory_space<vmem>> -> memref<1x2000x16xf32, #tpu.memory_space<vmem>>
    %dma_start3A_18 = tpu.memref_squeeze %dma_start3A_17 : memref<1x2000x16xf32, #tpu.memory_space<vmem>> -> memref<2000x16xf32, #tpu.memory_space<vmem>>
    %dma_start3A_19 = arith.constant 0 : i32
    %dma_start3A_20 = tpu.memref_slice %arg2[%add3A_13, %dma_start3A_19] : memref<320000x16xf32, #tpu.memory_space<hbm>> -> memref<2000x16xf32, #tpu.memory_space<hbm>>
    %dma_start3A_21 = tpu.memref_slice %arg9[%dma_start3A_14] : memref<2x!tpu.dma_semaphore, #tpu.memory_space<semaphore_mem>> -> memref<1x!tpu.dma_semaphore, #tpu.memory_space<semaphore_mem>>
    %dma_start3A_22 = tpu.memref_squeeze %dma_start3A_21 : memref<1x!tpu.dma_semaphore, #tpu.memory_space<semaphore_mem>> -> memref<!tpu.dma_semaphore, #tpu.memory_space<semaphore_mem>>
    %dma_start3A_23 = arith.constant 0 : i32
    %dma_start3A_24 = arith.constant 0 : i32
    %dma_start3A_25 = tpu.memref_slice %arg6[%dma_start3A, %dma_start3A_23, %dma_start3A_24] : memref<2x2000x16xf32, #tpu.memory_space<vmem>> -> memref<1x2000x16xf32, #tpu.memory_space<vmem>>
    %dma_start3A_26 = tpu.memref_squeeze %dma_start3A_25 : memref<1x2000x16xf32, #tpu.memory_space<vmem>> -> memref<2000x16xf32, #tpu.memory_space<vmem>>
    %dma_start3A_27 = arith.constant 0 : i32
    %dma_start3A_28 = tpu.memref_slice %arg2[%add3A_13, %dma_start3A_27] : memref<320000x16xf32, #tpu.memory_space<hbm>> -> memref<2000x16xf32, #tpu.memory_space<hbm>>
    tpu.enqueue_dma source(%dma_start3A_28 : memref<2000x16xf32, #tpu.memory_space<hbm>>) target(%dma_start3A_26 : memref<2000x16xf32, #tpu.memory_space<vmem>>) target_semaphore(%dma_start3A_22 : memref<!tpu.dma_semaphore, #tpu.memory_space<semaphore_mem>>)
    %scan3A_29 = arith.constant 0 : i32
    %scan3A_30 = arith.constant 0 : i32
    %scan3A_31 = arith.constant 5 : i32
    %scan3A_32 = arith.addi %scan3A_30, %scan3A_31 : i32
    %scan3A_33 = arith.constant 1 : i32
    scf.for %scan3A_50 = %scan3A_30 to %scan3A_32 step %scan3A_33  : i32 {
      %jit3A = arith.constant 2 : i32
      %eq3A_51 = arith.constant 0 : i32
      %eq3A_52 = arith.cmpi eq, %jit3A, %eq3A_51 : i32
      %jit3A_53 = arith.constant 1 : i32
      %select_n3A = arith.select %eq3A_52, %jit3A_53, %jit3A : i32
      %rem3A = arith.remsi %scan3A_50, %select_n3A : i32
      %ne3A = arith.constant 0 : i32
      %ne3A_54 = arith.cmpi ne, %rem3A, %ne3A : i32
      %lt3A = arith.constant 0 : i32
      %lt3A_55 = arith.cmpi slt, %rem3A, %lt3A : i32
      %lt3A_56 = arith.constant 0 : i32
      %lt3A_57 = arith.cmpi slt, %select_n3A, %lt3A_56 : i32
      %ne3A_58 = arith.xori %lt3A_55, %lt3A_57 : i1
      %and3A = arith.andi %ne3A_58, %ne3A_54 : i1
      %add3A_59 = arith.addi %rem3A, %select_n3A : i32
      %select_n3A_60 = arith.select %and3A, %add3A_59, %rem3A : i32
      %add3A_61 = arith.constant 1 : i32
      %add3A_62 = arith.addi %scan3A_50, %add3A_61 : i32
      %jit3A_63 = arith.constant 2 : i32
      %eq3A_64 = arith.constant 0 : i32
      %eq3A_65 = arith.cmpi eq, %jit3A_63, %eq3A_64 : i32
      %jit3A_66 = arith.constant 1 : i32
      %select_n3A_67 = arith.select %eq3A_65, %jit3A_66, %jit3A_63 : i32
      %rem3A_68 = arith.remsi %add3A_62, %select_n3A_67 : i32
      %ne3A_69 = arith.constant 0 : i32
      %ne3A_70 = arith.cmpi ne, %rem3A_68, %ne3A_69 : i32
      %lt3A_71 = arith.constant 0 : i32
      %lt3A_72 = arith.cmpi slt, %rem3A_68, %lt3A_71 : i32
      %lt3A_73 = arith.constant 0 : i32
      %lt3A_74 = arith.cmpi slt, %select_n3A_67, %lt3A_73 : i32
      %ne3A_75 = arith.xori %lt3A_72, %lt3A_74 : i1
      %and3A_76 = arith.andi %ne3A_75, %ne3A_70 : i1
      %add3A_77 = arith.addi %rem3A_68, %select_n3A_67 : i32
      %select_n3A_78 = arith.select %and3A_76, %add3A_77, %rem3A_68 : i32
      %add3A_79 = arith.constant 1 : i32
      %add3A_80 = arith.addi %scan3A_50, %add3A_79 : i32
      %lt3A_81 = arith.constant 5 : i32
      %lt3A_82 = arith.cmpi slt, %add3A_80, %lt3A_81 : i32
      %convert_element_type3A_83 = arith.extui %lt3A_82 : i1 to i32
      %cond3A_84 = arith.constant 0 : i32
      %cond3A_85 = arith.cmpi ne, %convert_element_type3A_83, %cond3A_84 : i32
      scf.if %cond3A_85 {
        %ge3A = arith.constant 1 : i32
        %ge3A_107 = arith.cmpi sge, %scan3A_50, %ge3A : i32
        %convert_element_type3A_108 = arith.extui %ge3A_107 : i1 to i32
        %cond3A_109 = arith.constant 0 : i32
        %cond3A_110 = arith.cmpi ne, %convert_element_type3A_108, %cond3A_109 : i32
        scf.if %cond3A_110 {
          %scan3A_134 = arith.constant 0 : i32
          %scan3A_135 = arith.constant 0 : i32
          %scan3A_136 = arith.constant 25 : i32
          %scan3A_137 = arith.addi %scan3A_135, %scan3A_136 : i32
          %scan3A_138 = arith.constant 1 : i32
          scf.for %scan3A_140 = %scan3A_135 to %scan3A_137 step %scan3A_138  : i32 {
            %dma_wait3A_141 = arith.constant 0 : i32
            %dma_wait3A_142 = arith.constant 0 : i32
            %dma_wait3A_143 = arith.constant 0 : i32
            %dma_wait3A_144 = tpu.memref_slice %arg6[%select_n3A_78, %dma_wait3A_142, %dma_wait3A_143] : memref<2x2000x16xf32, #tpu.memory_space<vmem>> -> memref<1x2000x16xf32, #tpu.memory_space<vmem>>
            %dma_wait3A_145 = tpu.memref_squeeze %dma_wait3A_144 : memref<1x2000x16xf32, #tpu.memory_space<vmem>> -> memref<2000x16xf32, #tpu.memory_space<vmem>>
            %dma_wait3A_146 = arith.constant 0 : i32
            %dma_wait3A_147 = arith.constant 0 : i32
            %dma_wait3A_148 = tpu.memref_slice %dma_wait3A_145[%dma_wait3A_146, %dma_wait3A_147] : memref<2000x16xf32, #tpu.memory_space<vmem>> -> memref<80x16xf32, #tpu.memory_space<vmem>>
            %dma_wait3A_149 = arith.constant 0 : i32
            %dma_wait3A_150 = tpu.memref_slice %arg5[%dma_wait3A_141, %dma_wait3A_149] : memref<125x80xi32, #tpu.memory_space<vmem>> -> memref<1x80xi32, #tpu.memory_space<vmem>>
            %dma_wait3A_151 = tpu.memref_squeeze %dma_wait3A_150 : memref<1x80xi32, #tpu.memory_space<vmem>> -> memref<80xi32, #tpu.memory_space<vmem>>
            %dma_wait3A_152 = arith.constant 0 : i32
            %dma_wait3A_153 = arith.constant 0 : i32
            %dma_wait3A_154 = tpu.memref_slice %arg8[%dma_wait3A_152, %dma_wait3A_153] : memref<10240x16xf32, #tpu.memory_space<vmem_shared>> -> memref<10240x16xf32, #tpu.memory_space<vmem_shared>>
            %dma_wait3A_155 = tpu.memref_slice %arg10[%select_n3A_78] : memref<2x!tpu.dma_semaphore, #tpu.memory_space<semaphore_mem>> -> memref<1x!tpu.dma_semaphore, #tpu.memory_space<semaphore_mem>>
            %dma_wait3A_156 = tpu.memref_squeeze %dma_wait3A_155 : memref<1x!tpu.dma_semaphore, #tpu.memory_space<semaphore_mem>> -> memref<!tpu.dma_semaphore, #tpu.memory_space<semaphore_mem>>
            tpu.wait_indirect_dma semaphore(%dma_wait3A_156 : memref<!tpu.dma_semaphore, #tpu.memory_space<semaphore_mem>>) src(%dma_wait3A_148 : memref<80x16xf32, #tpu.memory_space<vmem>>) dst(%dma_wait3A_154 : memref<10240x16xf32, #tpu.memory_space<vmem_shared>>)
          }
          %scan3A_139 = arith.constant 25 : i32
        } else {
        }
        %add3A_111 = arith.constant 1 : i32
        %add3A_112 = arith.addi %scan3A_50, %add3A_111 : i32
        %mul3A_113 = arith.constant 125 : i32
        %mul3A_114 = arith.muli %add3A, %mul3A_113 : i32
        %mul3A_115 = arith.constant 80 : i32
        %mul3A_116 = arith.muli %mul3A_114, %mul3A_115 : i32
        %mul3A_117 = arith.constant 2000 : i32
        %mul3A_118 = arith.muli %add3A_112, %mul3A_117 : i32
        %add3A_119 = arith.addi %mul3A_116, %mul3A_118 : i32
        %dma_start3A_120 = arith.constant 0 : i32
        %dma_start3A_121 = arith.constant 0 : i32
        %dma_start3A_122 = tpu.memref_slice %arg6[%select_n3A_78, %dma_start3A_120, %dma_start3A_121] : memref<2x2000x16xf32, #tpu.memory_space<vmem>> -> memref<1x2000x16xf32, #tpu.memory_space<vmem>>
        %dma_start3A_123 = tpu.memref_squeeze %dma_start3A_122 : memref<1x2000x16xf32, #tpu.memory_space<vmem>> -> memref<2000x16xf32, #tpu.memory_space<vmem>>
        %dma_start3A_124 = arith.constant 0 : i32
        %dma_start3A_125 = tpu.memref_slice %arg2[%add3A_119, %dma_start3A_124] : memref<320000x16xf32, #tpu.memory_space<hbm>> -> memref<2000x16xf32, #tpu.memory_space<hbm>>
        %dma_start3A_126 = tpu.memref_slice %arg9[%select_n3A_78] : memref<2x!tpu.dma_semaphore, #tpu.memory_space<semaphore_mem>> -> memref<1x!tpu.dma_semaphore, #tpu.memory_space<semaphore_mem>>
        %dma_start3A_127 = tpu.memref_squeeze %dma_start3A_126 : memref<1x!tpu.dma_semaphore, #tpu.memory_space<semaphore_mem>> -> memref<!tpu.dma_semaphore, #tpu.memory_space<semaphore_mem>>
        %dma_start3A_128 = arith.constant 0 : i32
        %dma_start3A_129 = arith.constant 0 : i32
        %dma_start3A_130 = tpu.memref_slice %arg6[%select_n3A_78, %dma_start3A_128, %dma_start3A_129] : memref<2x2000x16xf32, #tpu.memory_space<vmem>> -> memref<1x2000x16xf32, #tpu.memory_space<vmem>>
        %dma_start3A_131 = tpu.memref_squeeze %dma_start3A_130 : memref<1x2000x16xf32, #tpu.memory_space<vmem>> -> memref<2000x16xf32, #tpu.memory_space<vmem>>
        %dma_start3A_132 = arith.constant 0 : i32
        %dma_start3A_133 = tpu.memref_slice %arg2[%add3A_119, %dma_start3A_132] : memref<320000x16xf32, #tpu.memory_space<hbm>> -> memref<2000x16xf32, #tpu.memory_space<hbm>>
        tpu.enqueue_dma source(%dma_start3A_133 : memref<2000x16xf32, #tpu.memory_space<hbm>>) target(%dma_start3A_131 : memref<2000x16xf32, #tpu.memory_space<vmem>>) target_semaphore(%dma_start3A_127 : memref<!tpu.dma_semaphore, #tpu.memory_space<semaphore_mem>>)
      } else {
      }
      %dma_wait3A = arith.constant 0 : i32
      %dma_wait3A_86 = arith.constant 0 : i32
      %dma_wait3A_87 = tpu.memref_slice %arg6[%select_n3A_60, %dma_wait3A, %dma_wait3A_86] : memref<2x2000x16xf32, #tpu.memory_space<vmem>> -> memref<1x2000x16xf32, #tpu.memory_space<vmem>>
      %dma_wait3A_88 = tpu.memref_squeeze %dma_wait3A_87 : memref<1x2000x16xf32, #tpu.memory_space<vmem>> -> memref<2000x16xf32, #tpu.memory_space<vmem>>
      %dma_wait3A_89 = arith.constant 0 : i32
      %dma_wait3A_90 = arith.constant 0 : i32
      %dma_wait3A_91 = tpu.memref_slice %arg2[%dma_wait3A_89, %dma_wait3A_90] : memref<320000x16xf32, #tpu.memory_space<hbm>> -> memref<2000x16xf32, #tpu.memory_space<hbm>>
      %dma_wait3A_92 = tpu.memref_slice %arg9[%select_n3A_60] : memref<2x!tpu.dma_semaphore, #tpu.memory_space<semaphore_mem>> -> memref<1x!tpu.dma_semaphore, #tpu.memory_space<semaphore_mem>>
      %dma_wait3A_93 = tpu.memref_squeeze %dma_wait3A_92 : memref<1x!tpu.dma_semaphore, #tpu.memory_space<semaphore_mem>> -> memref<!tpu.dma_semaphore, #tpu.memory_space<semaphore_mem>>
      %dma_wait3A_94 = arith.constant 0 : i32
      %dma_wait3A_95 = arith.constant 0 : i32
      %dma_wait3A_96 = tpu.memref_slice %arg6[%select_n3A_60, %dma_wait3A_94, %dma_wait3A_95] : memref<2x2000x16xf32, #tpu.memory_space<vmem>> -> memref<1x2000x16xf32, #tpu.memory_space<vmem>>
      %dma_wait3A_97 = tpu.memref_squeeze %dma_wait3A_96 : memref<1x2000x16xf32, #tpu.memory_space<vmem>> -> memref<2000x16xf32, #tpu.memory_space<vmem>>
      %dma_wait3A_98 = arith.constant 0 : i32
      %dma_wait3A_99 = arith.constant 0 : i32
      %dma_wait3A_100 = tpu.memref_slice %arg2[%dma_wait3A_98, %dma_wait3A_99] : memref<320000x16xf32, #tpu.memory_space<hbm>> -> memref<2000x16xf32, #tpu.memory_space<hbm>>
      tpu.wait_dma2 semaphore(%dma_wait3A_93 : memref<!tpu.dma_semaphore, #tpu.memory_space<semaphore_mem>>) src(%dma_wait3A_100 : memref<2000x16xf32, #tpu.memory_space<hbm>>) dst(%dma_wait3A_97 : memref<2000x16xf32, #tpu.memory_space<vmem>>)
      %scan3A_101 = arith.constant 0 : i32
      %scan3A_102 = arith.constant 0 : i32
      %scan3A_103 = arith.constant 25 : i32
      %scan3A_104 = arith.addi %scan3A_102, %scan3A_103 : i32
      %scan3A_105 = arith.constant 1 : i32
      scf.for %scan3A_107 = %scan3A_102 to %scan3A_104 step %scan3A_105  : i32 {
        %mul3A_108 = arith.constant 25 : i32
        %mul3A_109 = arith.muli %scan3A_50, %mul3A_108 : i32
        %add3A_110 = arith.addi %mul3A_109, %scan3A_107 : i32
        %mul3A_111 = arith.constant 80 : i32
        %mul3A_112 = arith.muli %scan3A_107, %mul3A_111 : i32
        %dma_start3A_113 = arith.constant 0 : i32
        %dma_start3A_114 = arith.constant 0 : i32
        %dma_start3A_115 = tpu.memref_slice %arg6[%select_n3A_60, %dma_start3A_113, %dma_start3A_114] : memref<2x2000x16xf32, #tpu.memory_space<vmem>> -> memref<1x2000x16xf32, #tpu.memory_space<vmem>>
        %dma_start3A_116 = tpu.memref_squeeze %dma_start3A_115 : memref<1x2000x16xf32, #tpu.memory_space<vmem>> -> memref<2000x16xf32, #tpu.memory_space<vmem>>
        %dma_start3A_117 = arith.constant 0 : i32
        %dma_start3A_118 = tpu.memref_slice %dma_start3A_116[%mul3A_112, %dma_start3A_117] : memref<2000x16xf32, #tpu.memory_space<vmem>> -> memref<80x16xf32, #tpu.memory_space<vmem>>
        %dma_start3A_119 = arith.constant 0 : i32
        %dma_start3A_120 = tpu.memref_slice %arg5[%add3A_110, %dma_start3A_119] : memref<125x80xi32, #tpu.memory_space<vmem>> -> memref<1x80xi32, #tpu.memory_space<vmem>>
        %dma_start3A_121 = tpu.memref_squeeze %dma_start3A_120 : memref<1x80xi32, #tpu.memory_space<vmem>> -> memref<80xi32, #tpu.memory_space<vmem>>
        %dma_start3A_122 = arith.constant 0 : i32
        %dma_start3A_123 = arith.constant 0 : i32
        %dma_start3A_124 = tpu.memref_slice %arg8[%dma_start3A_122, %dma_start3A_123] : memref<10240x16xf32, #tpu.memory_space<vmem_shared>> -> memref<10240x16xf32, #tpu.memory_space<vmem_shared>>
        %dma_start3A_125 = tpu.memref_slice %arg10[%select_n3A_60] : memref<2x!tpu.dma_semaphore, #tpu.memory_space<semaphore_mem>> -> memref<1x!tpu.dma_semaphore, #tpu.memory_space<semaphore_mem>>
        %dma_start3A_126 = tpu.memref_squeeze %dma_start3A_125 : memref<1x!tpu.dma_semaphore, #tpu.memory_space<semaphore_mem>> -> memref<!tpu.dma_semaphore, #tpu.memory_space<semaphore_mem>>
        tpu.enqueue_indirect_dma source(%dma_start3A_118 : memref<80x16xf32, #tpu.memory_space<vmem>>) target(%dma_start3A_124 : memref<10240x16xf32, #tpu.memory_space<vmem_shared>>) offsets(%dma_start3A_121 : memref<80xi32, #tpu.memory_space<vmem>>) semaphore(%dma_start3A_126 : memref<!tpu.dma_semaphore, #tpu.memory_space<semaphore_mem>>) {add = true}
      }
      %scan3A_106 = arith.constant 25 : i32
    }
    %scan3A_34 = arith.constant 5 : i32
    %scan3A_35 = arith.constant 0 : i32
    %scan3A_36 = arith.constant 0 : i32
    %scan3A_37 = arith.constant 25 : i32
    %scan3A_38 = arith.addi %scan3A_36, %scan3A_37 : i32
    %scan3A_39 = arith.constant 1 : i32
    scf.for %scan3A_50 = %scan3A_36 to %scan3A_38 step %scan3A_39  : i32 {
      %dma_wait3A = arith.constant 0 : i32
      %dma_wait3A_51 = arith.constant 0 : i32
      %dma_wait3A_52 = arith.constant 0 : i32
      %dma_wait3A_53 = arith.constant 0 : i32
      %dma_wait3A_54 = arith.constant 0 : i32
      %dma_wait3A_55 = tpu.memref_slice %arg6[%dma_wait3A, %dma_wait3A_53, %dma_wait3A_54] : memref<2x2000x16xf32, #tpu.memory_space<vmem>> -> memref<1x2000x16xf32, #tpu.memory_space<vmem>>
      %dma_wait3A_56 = tpu.memref_squeeze %dma_wait3A_55 : memref<1x2000x16xf32, #tpu.memory_space<vmem>> -> memref<2000x16xf32, #tpu.memory_space<vmem>>
      %dma_wait3A_57 = arith.constant 0 : i32
      %dma_wait3A_58 = arith.constant 0 : i32
      %dma_wait3A_59 = tpu.memref_slice %dma_wait3A_56[%dma_wait3A_57, %dma_wait3A_58] : memref<2000x16xf32, #tpu.memory_space<vmem>> -> memref<80x16xf32, #tpu.memory_space<vmem>>
      %dma_wait3A_60 = arith.constant 0 : i32
      %dma_wait3A_61 = tpu.memref_slice %arg5[%dma_wait3A_51, %dma_wait3A_60] : memref<125x80xi32, #tpu.memory_space<vmem>> -> memref<1x80xi32, #tpu.memory_space<vmem>>
      %dma_wait3A_62 = tpu.memref_squeeze %dma_wait3A_61 : memref<1x80xi32, #tpu.memory_space<vmem>> -> memref<80xi32, #tpu.memory_space<vmem>>
      %dma_wait3A_63 = arith.constant 0 : i32
      %dma_wait3A_64 = arith.constant 0 : i32
      %dma_wait3A_65 = tpu.memref_slice %arg8[%dma_wait3A_63, %dma_wait3A_64] : memref<10240x16xf32, #tpu.memory_space<vmem_shared>> -> memref<10240x16xf32, #tpu.memory_space<vmem_shared>>
      %dma_wait3A_66 = tpu.memref_slice %arg10[%dma_wait3A_52] : memref<2x!tpu.dma_semaphore, #tpu.memory_space<semaphore_mem>> -> memref<1x!tpu.dma_semaphore, #tpu.memory_space<semaphore_mem>>
      %dma_wait3A_67 = tpu.memref_squeeze %dma_wait3A_66 : memref<1x!tpu.dma_semaphore, #tpu.memory_space<semaphore_mem>> -> memref<!tpu.dma_semaphore, #tpu.memory_space<semaphore_mem>>
      tpu.wait_indirect_dma semaphore(%dma_wait3A_67 : memref<!tpu.dma_semaphore, #tpu.memory_space<semaphore_mem>>) src(%dma_wait3A_59 : memref<80x16xf32, #tpu.memory_space<vmem>>) dst(%dma_wait3A_65 : memref<10240x16xf32, #tpu.memory_space<vmem_shared>>)
    }
    %scan3A_40 = arith.constant 25 : i32
    %scan3A_41 = arith.constant 0 : i32
    %scan3A_42 = arith.constant 0 : i32
    %scan3A_43 = arith.constant 25 : i32
    %scan3A_44 = arith.addi %scan3A_42, %scan3A_43 : i32
    %scan3A_45 = arith.constant 1 : i32
    scf.for %scan3A_50 = %scan3A_42 to %scan3A_44 step %scan3A_45  : i32 {
      %dma_wait3A = arith.constant 1 : i32
      %dma_wait3A_51 = arith.constant 0 : i32
      %dma_wait3A_52 = arith.constant 1 : i32
      %dma_wait3A_53 = arith.constant 0 : i32
      %dma_wait3A_54 = arith.constant 0 : i32
      %dma_wait3A_55 = tpu.memref_slice %arg6[%dma_wait3A, %dma_wait3A_53, %dma_wait3A_54] : memref<2x2000x16xf32, #tpu.memory_space<vmem>> -> memref<1x2000x16xf32, #tpu.memory_space<vmem>>
      %dma_wait3A_56 = tpu.memref_squeeze %dma_wait3A_55 : memref<1x2000x16xf32, #tpu.memory_space<vmem>> -> memref<2000x16xf32, #tpu.memory_space<vmem>>
      %dma_wait3A_57 = arith.constant 0 : i32
      %dma_wait3A_58 = arith.constant 0 : i32
      %dma_wait3A_59 = tpu.memref_slice %dma_wait3A_56[%dma_wait3A_57, %dma_wait3A_58] : memref<2000x16xf32, #tpu.memory_space<vmem>> -> memref<80x16xf32, #tpu.memory_space<vmem>>
      %dma_wait3A_60 = arith.constant 0 : i32
      %dma_wait3A_61 = tpu.memref_slice %arg5[%dma_wait3A_51, %dma_wait3A_60] : memref<125x80xi32, #tpu.memory_space<vmem>> -> memref<1x80xi32, #tpu.memory_space<vmem>>
      %dma_wait3A_62 = tpu.memref_squeeze %dma_wait3A_61 : memref<1x80xi32, #tpu.memory_space<vmem>> -> memref<80xi32, #tpu.memory_space<vmem>>
      %dma_wait3A_63 = arith.constant 0 : i32
      %dma_wait3A_64 = arith.constant 0 : i32
      %dma_wait3A_65 = tpu.memref_slice %arg8[%dma_wait3A_63, %dma_wait3A_64] : memref<10240x16xf32, #tpu.memory_space<vmem_shared>> -> memref<10240x16xf32, #tpu.memory_space<vmem_shared>>
      %dma_wait3A_66 = tpu.memref_slice %arg10[%dma_wait3A_52] : memref<2x!tpu.dma_semaphore, #tpu.memory_space<semaphore_mem>> -> memref<1x!tpu.dma_semaphore, #tpu.memory_space<semaphore_mem>>
      %dma_wait3A_67 = tpu.memref_squeeze %dma_wait3A_66 : memref<1x!tpu.dma_semaphore, #tpu.memory_space<semaphore_mem>> -> memref<!tpu.dma_semaphore, #tpu.memory_space<semaphore_mem>>
      tpu.wait_indirect_dma semaphore(%dma_wait3A_67 : memref<!tpu.dma_semaphore, #tpu.memory_space<semaphore_mem>>) src(%dma_wait3A_59 : memref<80x16xf32, #tpu.memory_space<vmem>>) dst(%dma_wait3A_65 : memref<10240x16xf32, #tpu.memory_space<vmem_shared>>)
    }
    %scan3A_46 = arith.constant 25 : i32
    %barrier3A_47 = arith.constant 0 : index
    tpu.barrier barrier_id(%barrier3A_47)
    %eq3A = arith.constant 0 : i32
    %eq3A_48 = arith.cmpi eq, %arg1, %eq3A : i32
    %convert_element_type3A = arith.extui %eq3A_48 : i1 to i32
    %cond3A = arith.constant 0 : i32
    %cond3A_49 = arith.cmpi ne, %convert_element_type3A, %cond3A : i32
    scf.if %cond3A_49 {
      "tpu.region"() ({
        %run_scoped3A = tpu.sem_alloc : memref<!tpu.dma_semaphore, #tpu.memory_space<semaphore_mem>>
        %dma_start3A_50 = arith.constant 0 : i32
        %dma_start3A_51 = arith.constant 0 : i32
        %dma_start3A_52 = tpu.memref_slice %arg4[%arg0, %dma_start3A_50, %dma_start3A_51] : memref<2x10240x16xf32, #tpu.memory_space<hbm>> -> memref<1x10240x16xf32, #tpu.memory_space<hbm>>
        %dma_start3A_53 = tpu.memref_squeeze %dma_start3A_52 : memref<1x10240x16xf32, #tpu.memory_space<hbm>> -> memref<10240x16xf32, #tpu.memory_space<hbm>>
        tpu.enqueue_dma source(%arg8 : memref<10240x16xf32, #tpu.memory_space<vmem_shared>>) target(%dma_start3A_53 : memref<10240x16xf32, #tpu.memory_space<hbm>>) target_semaphore(%run_scoped3A : memref<!tpu.dma_semaphore, #tpu.memory_space<semaphore_mem>>)
        %dma_wait3A = arith.constant 0 : i32
        %dma_wait3A_54 = arith.constant 0 : i32
        %dma_wait3A_55 = tpu.memref_slice %arg4[%arg0, %dma_wait3A, %dma_wait3A_54] : memref<2x10240x16xf32, #tpu.memory_space<hbm>> -> memref<1x10240x16xf32, #tpu.memory_space<hbm>>
        %dma_wait3A_56 = tpu.memref_squeeze %dma_wait3A_55 : memref<1x10240x16xf32, #tpu.memory_space<hbm>> -> memref<10240x16xf32, #tpu.memory_space<hbm>>
        tpu.wait_dma2 semaphore(%run_scoped3A : memref<!tpu.dma_semaphore, #tpu.memory_space<semaphore_mem>>) src(%arg8 : memref<10240x16xf32, #tpu.memory_space<vmem_shared>>) dst(%dma_wait3A_56 : memref<10240x16xf32, #tpu.memory_space<hbm>>)
        tpu.yield
      }) : () -> ()
    } else {
    }
    return
  }
}

#map = affine_map<(d0, d1) -> (0, 0)>
#map1 = affine_map<(d0, d1) -> (0, 0, 0)>
module attributes {stable_mosaic.version = 14 : i64} {
  func.func @_sc_gather(%arg0: i32, %arg1: i32, %arg2: memref<10000x144xf32, #tpu.memory_space<hbm>>, %arg3: memref<10000x128xf32, #tpu.memory_space<hbm>>, %arg4: memref<32x125x80xi32, #tpu.memory_space<hbm>>, %arg5: memref<32x125x80xi32, #tpu.memory_space<hbm>>, %arg6: memref<320000x144xf32, #tpu.memory_space<hbm>>, %arg7: memref<320000x128xf32, #tpu.memory_space<hbm>>, %arg8: memref<125x80xi32, #tpu.memory_space<vmem>>, %arg9: memref<125x80xi32, #tpu.memory_space<vmem>>, %arg10: memref<5x80x144xf32, #tpu.memory_space<vmem>>, %arg11: memref<5x80x128xf32, #tpu.memory_space<vmem>>, %arg12: memref<5x!tpu.dma_semaphore, #tpu.memory_space<semaphore_mem>>, %arg13: memref<5x!tpu.dma_semaphore, #tpu.memory_space<semaphore_mem>>, %arg14: memref<5x!tpu.dma_semaphore, #tpu.memory_space<semaphore_mem>>, %arg15: memref<5x!tpu.dma_semaphore, #tpu.memory_space<semaphore_mem>>) attributes {dimension_semantics = [#tpu.dimension_semantics<core_parallel>, #tpu.dimension_semantics<subcore_parallel>], iteration_bounds = array<i64: 2, 16>, scalar_prefetch = 0 : i64, scratch_operands = 8 : i64, tpu.core_type = #tpu.core_type<sc_vector_subcore>, window_params = [{transform_indices = #map}, {transform_indices = #map}, {transform_indices = #map1}, {transform_indices = #map1}, {transform_indices = #map}, {transform_indices = #map}]} {
    %mul3A = arith.constant 2 : i32
    %mul3A_0 = arith.muli %arg1, %mul3A : i32
    %add3A = arith.addi %mul3A_0, %arg0 : i32
    "tpu.region"() ({
      %run_scoped3A = tpu.sem_alloc : memref<!tpu.dma_semaphore, #tpu.memory_space<semaphore_mem>>
      %dma_start3A_252 = arith.constant 0 : i32
      %dma_start3A_253 = arith.constant 0 : i32
      %dma_start3A_254 = tpu.memref_slice %arg4[%add3A, %dma_start3A_252, %dma_start3A_253] : memref<32x125x80xi32, #tpu.memory_space<hbm>> -> memref<1x125x80xi32, #tpu.memory_space<hbm>>
      %dma_start3A_255 = tpu.memref_squeeze %dma_start3A_254 : memref<1x125x80xi32, #tpu.memory_space<hbm>> -> memref<125x80xi32, #tpu.memory_space<hbm>>
      %dma_start3A_256 = arith.constant 0 : i32
      %dma_start3A_257 = arith.constant 0 : i32
      %dma_start3A_258 = tpu.memref_slice %arg4[%add3A, %dma_start3A_256, %dma_start3A_257] : memref<32x125x80xi32, #tpu.memory_space<hbm>> -> memref<1x125x80xi32, #tpu.memory_space<hbm>>
      %dma_start3A_259 = tpu.memref_squeeze %dma_start3A_258 : memref<1x125x80xi32, #tpu.memory_space<hbm>> -> memref<125x80xi32, #tpu.memory_space<hbm>>
      tpu.enqueue_dma source(%dma_start3A_259 : memref<125x80xi32, #tpu.memory_space<hbm>>) target(%arg8 : memref<125x80xi32, #tpu.memory_space<vmem>>) target_semaphore(%run_scoped3A : memref<!tpu.dma_semaphore, #tpu.memory_space<semaphore_mem>>)
      %dma_wait3A_260 = arith.constant 0 : i32
      %dma_wait3A_261 = arith.constant 0 : i32
      %dma_wait3A_262 = tpu.memref_slice %arg4[%add3A, %dma_wait3A_260, %dma_wait3A_261] : memref<32x125x80xi32, #tpu.memory_space<hbm>> -> memref<1x125x80xi32, #tpu.memory_space<hbm>>
      %dma_wait3A_263 = tpu.memref_squeeze %dma_wait3A_262 : memref<1x125x80xi32, #tpu.memory_space<hbm>> -> memref<125x80xi32, #tpu.memory_space<hbm>>
      %dma_wait3A_264 = arith.constant 0 : i32
      %dma_wait3A_265 = arith.constant 0 : i32
      %dma_wait3A_266 = tpu.memref_slice %arg4[%add3A, %dma_wait3A_264, %dma_wait3A_265] : memref<32x125x80xi32, #tpu.memory_space<hbm>> -> memref<1x125x80xi32, #tpu.memory_space<hbm>>
      %dma_wait3A_267 = tpu.memref_squeeze %dma_wait3A_266 : memref<1x125x80xi32, #tpu.memory_space<hbm>> -> memref<125x80xi32, #tpu.memory_space<hbm>>
      tpu.wait_dma2 semaphore(%run_scoped3A : memref<!tpu.dma_semaphore, #tpu.memory_space<semaphore_mem>>) src(%dma_wait3A_267 : memref<125x80xi32, #tpu.memory_space<hbm>>) dst(%arg8 : memref<125x80xi32, #tpu.memory_space<vmem>>)
      tpu.yield
    }) : () -> ()
    "tpu.region"() ({
      %run_scoped3A = tpu.sem_alloc : memref<!tpu.dma_semaphore, #tpu.memory_space<semaphore_mem>>
      %dma_start3A_252 = arith.constant 0 : i32
      %dma_start3A_253 = arith.constant 0 : i32
      %dma_start3A_254 = tpu.memref_slice %arg5[%add3A, %dma_start3A_252, %dma_start3A_253] : memref<32x125x80xi32, #tpu.memory_space<hbm>> -> memref<1x125x80xi32, #tpu.memory_space<hbm>>
      %dma_start3A_255 = tpu.memref_squeeze %dma_start3A_254 : memref<1x125x80xi32, #tpu.memory_space<hbm>> -> memref<125x80xi32, #tpu.memory_space<hbm>>
      %dma_start3A_256 = arith.constant 0 : i32
      %dma_start3A_257 = arith.constant 0 : i32
      %dma_start3A_258 = tpu.memref_slice %arg5[%add3A, %dma_start3A_256, %dma_start3A_257] : memref<32x125x80xi32, #tpu.memory_space<hbm>> -> memref<1x125x80xi32, #tpu.memory_space<hbm>>
      %dma_start3A_259 = tpu.memref_squeeze %dma_start3A_258 : memref<1x125x80xi32, #tpu.memory_space<hbm>> -> memref<125x80xi32, #tpu.memory_space<hbm>>
      tpu.enqueue_dma source(%dma_start3A_259 : memref<125x80xi32, #tpu.memory_space<hbm>>) target(%arg9 : memref<125x80xi32, #tpu.memory_space<vmem>>) target_semaphore(%run_scoped3A : memref<!tpu.dma_semaphore, #tpu.memory_space<semaphore_mem>>)
      %dma_wait3A_260 = arith.constant 0 : i32
      %dma_wait3A_261 = arith.constant 0 : i32
      %dma_wait3A_262 = tpu.memref_slice %arg5[%add3A, %dma_wait3A_260, %dma_wait3A_261] : memref<32x125x80xi32, #tpu.memory_space<hbm>> -> memref<1x125x80xi32, #tpu.memory_space<hbm>>
      %dma_wait3A_263 = tpu.memref_squeeze %dma_wait3A_262 : memref<1x125x80xi32, #tpu.memory_space<hbm>> -> memref<125x80xi32, #tpu.memory_space<hbm>>
      %dma_wait3A_264 = arith.constant 0 : i32
      %dma_wait3A_265 = arith.constant 0 : i32
      %dma_wait3A_266 = tpu.memref_slice %arg5[%add3A, %dma_wait3A_264, %dma_wait3A_265] : memref<32x125x80xi32, #tpu.memory_space<hbm>> -> memref<1x125x80xi32, #tpu.memory_space<hbm>>
      %dma_wait3A_267 = tpu.memref_squeeze %dma_wait3A_266 : memref<1x125x80xi32, #tpu.memory_space<hbm>> -> memref<125x80xi32, #tpu.memory_space<hbm>>
      tpu.wait_dma2 semaphore(%run_scoped3A : memref<!tpu.dma_semaphore, #tpu.memory_space<semaphore_mem>>) src(%dma_wait3A_267 : memref<125x80xi32, #tpu.memory_space<hbm>>) dst(%arg9 : memref<125x80xi32, #tpu.memory_space<vmem>>)
      tpu.yield
    }) : () -> ()
    %scan3A = arith.constant 0 : i32
    %scan3A_1 = arith.constant 0 : i32
    %scan3A_2 = arith.constant 25 : i32
    %scan3A_3 = arith.addi %scan3A_1, %scan3A_2 : i32
    %scan3A_4 = arith.constant 1 : i32
    scf.for %scan3A_252 = %scan3A_1 to %scan3A_3 step %scan3A_4  : i32 {
      %mul3A_253 = arith.constant 5 : i32
      %mul3A_254 = arith.muli %scan3A_252, %mul3A_253 : i32
      %add3A_255 = arith.constant 0 : i32
      %add3A_256 = arith.addi %mul3A_254, %add3A_255 : i32
      %ge3A = arith.constant 5 : i32
      %ge3A_257 = arith.cmpi sge, %add3A_256, %ge3A : i32
      %convert_element_type3A = arith.extui %ge3A_257 : i1 to i32
      %cond3A = arith.constant 0 : i32
      %cond3A_258 = arith.cmpi ne, %convert_element_type3A, %cond3A : i32
      scf.if %cond3A_258 {
        %dma_wait3A_460 = arith.constant 0 : i32
        %dma_wait3A_461 = arith.constant 0 : i32
        %dma_wait3A_462 = arith.constant 0 : i32
        %dma_wait3A_463 = arith.constant 0 : i32
        %dma_wait3A_464 = tpu.memref_slice %arg10[%dma_wait3A_460, %dma_wait3A_462, %dma_wait3A_463] : memref<5x80x144xf32, #tpu.memory_space<vmem>> -> memref<1x80x144xf32, #tpu.memory_space<vmem>>
        %dma_wait3A_465 = tpu.memref_squeeze %dma_wait3A_464 : memref<1x80x144xf32, #tpu.memory_space<vmem>> -> memref<80x144xf32, #tpu.memory_space<vmem>>
        %dma_wait3A_466 = arith.constant 0 : i32
        %dma_wait3A_467 = arith.constant 0 : i32
        %dma_wait3A_468 = tpu.memref_slice %arg6[%dma_wait3A_466, %dma_wait3A_467] : memref<320000x144xf32, #tpu.memory_space<hbm>> -> memref<80x144xf32, #tpu.memory_space<hbm>>
        %dma_wait3A_469 = tpu.memref_slice %arg14[%dma_wait3A_461] : memref<5x!tpu.dma_semaphore, #tpu.memory_space<semaphore_mem>> -> memref<1x!tpu.dma_semaphore, #tpu.memory_space<semaphore_mem>>
        %dma_wait3A_470 = tpu.memref_squeeze %dma_wait3A_469 : memref<1x!tpu.dma_semaphore, #tpu.memory_space<semaphore_mem>> -> memref<!tpu.dma_semaphore, #tpu.memory_space<semaphore_mem>>
        %dma_wait3A_471 = arith.constant 0 : i32
        %dma_wait3A_472 = arith.constant 0 : i32
        %dma_wait3A_473 = tpu.memref_slice %arg6[%dma_wait3A_471, %dma_wait3A_472] : memref<320000x144xf32, #tpu.memory_space<hbm>> -> memref<80x144xf32, #tpu.memory_space<hbm>>
        %dma_wait3A_474 = arith.constant 0 : i32
        %dma_wait3A_475 = arith.constant 0 : i32
        %dma_wait3A_476 = tpu.memref_slice %arg10[%dma_wait3A_460, %dma_wait3A_474, %dma_wait3A_475] : memref<5x80x144xf32, #tpu.memory_space<vmem>> -> memref<1x80x144xf32, #tpu.memory_space<vmem>>
        %dma_wait3A_477 = tpu.memref_squeeze %dma_wait3A_476 : memref<1x80x144xf32, #tpu.memory_space<vmem>> -> memref<80x144xf32, #tpu.memory_space<vmem>>
        tpu.wait_dma2 semaphore(%dma_wait3A_470 : memref<!tpu.dma_semaphore, #tpu.memory_space<semaphore_mem>>) src(%dma_wait3A_477 : memref<80x144xf32, #tpu.memory_space<vmem>>) dst(%dma_wait3A_473 : memref<80x144xf32, #tpu.memory_space<hbm>>)
        %dma_wait3A_478 = arith.constant 0 : i32
        %dma_wait3A_479 = arith.constant 0 : i32
        %dma_wait3A_480 = arith.constant 0 : i32
        %dma_wait3A_481 = arith.constant 0 : i32
        %dma_wait3A_482 = tpu.memref_slice %arg11[%dma_wait3A_478, %dma_wait3A_480, %dma_wait3A_481] : memref<5x80x128xf32, #tpu.memory_space<vmem>> -> memref<1x80x128xf32, #tpu.memory_space<vmem>>
        %dma_wait3A_483 = tpu.memref_squeeze %dma_wait3A_482 : memref<1x80x128xf32, #tpu.memory_space<vmem>> -> memref<80x128xf32, #tpu.memory_space<vmem>>
        %dma_wait3A_484 = arith.constant 0 : i32
        %dma_wait3A_485 = arith.constant 0 : i32
        %dma_wait3A_486 = tpu.memref_slice %arg7[%dma_wait3A_484, %dma_wait3A_485] : memref<320000x128xf32, #tpu.memory_space<hbm>> -> memref<80x128xf32, #tpu.memory_space<hbm>>
        %dma_wait3A_487 = tpu.memref_slice %arg15[%dma_wait3A_479] : memref<5x!tpu.dma_semaphore, #tpu.memory_space<semaphore_mem>> -> memref<1x!tpu.dma_semaphore, #tpu.memory_space<semaphore_mem>>
        %dma_wait3A_488 = tpu.memref_squeeze %dma_wait3A_487 : memref<1x!tpu.dma_semaphore, #tpu.memory_space<semaphore_mem>> -> memref<!tpu.dma_semaphore, #tpu.memory_space<semaphore_mem>>
        %dma_wait3A_489 = arith.constant 0 : i32
        %dma_wait3A_490 = arith.constant 0 : i32
        %dma_wait3A_491 = tpu.memref_slice %arg7[%dma_wait3A_489, %dma_wait3A_490] : memref<320000x128xf32, #tpu.memory_space<hbm>> -> memref<80x128xf32, #tpu.memory_space<hbm>>
        %dma_wait3A_492 = arith.constant 0 : i32
        %dma_wait3A_493 = arith.constant 0 : i32
        %dma_wait3A_494 = tpu.memref_slice %arg11[%dma_wait3A_478, %dma_wait3A_492, %dma_wait3A_493] : memref<5x80x128xf32, #tpu.memory_space<vmem>> -> memref<1x80x128xf32, #tpu.memory_space<vmem>>
        %dma_wait3A_495 = tpu.memref_squeeze %dma_wait3A_494 : memref<1x80x128xf32, #tpu.memory_space<vmem>> -> memref<80x128xf32, #tpu.memory_space<vmem>>
        tpu.wait_dma2 semaphore(%dma_wait3A_488 : memref<!tpu.dma_semaphore, #tpu.memory_space<semaphore_mem>>) src(%dma_wait3A_495 : memref<80x128xf32, #tpu.memory_space<vmem>>) dst(%dma_wait3A_491 : memref<80x128xf32, #tpu.memory_space<hbm>>)
      } else {
      }
      %dma_start3A_259 = arith.constant 0 : i32
      %dma_start3A_260 = arith.constant 0 : i32
      %dma_start3A_261 = arith.constant 0 : i32
      %dma_start3A_262 = arith.constant 0 : i32
      %dma_start3A_263 = tpu.memref_slice %arg10[%dma_start3A_259, %dma_start3A_261, %dma_start3A_262] : memref<5x80x144xf32, #tpu.memory_space<vmem>> -> memref<1x80x144xf32, #tpu.memory_space<vmem>>
      %dma_start3A_264 = tpu.memref_squeeze %dma_start3A_263 : memref<1x80x144xf32, #tpu.memory_space<vmem>> -> memref<80x144xf32, #tpu.memory_space<vmem>>
      %dma_start3A_265 = arith.constant 0 : i32
      %dma_start3A_266 = tpu.memref_slice %arg8[%add3A_256, %dma_start3A_265] : memref<125x80xi32, #tpu.memory_space<vmem>> -> memref<1x80xi32, #tpu.memory_space<vmem>>
      %dma_start3A_267 = tpu.memref_squeeze %dma_start3A_266 : memref<1x80xi32, #tpu.memory_space<vmem>> -> memref<80xi32, #tpu.memory_space<vmem>>
      %dma_start3A_268 = arith.constant 0 : i32
      %dma_start3A_269 = arith.constant 0 : i32
      %dma_start3A_270 = tpu.memref_slice %arg2[%dma_start3A_268, %dma_start3A_269] : memref<10000x144xf32, #tpu.memory_space<hbm>> -> memref<10000x144xf32, #tpu.memory_space<hbm>>
      %dma_start3A_271 = tpu.memref_slice %arg12[%dma_start3A_260] : memref<5x!tpu.dma_semaphore, #tpu.memory_space<semaphore_mem>> -> memref<1x!tpu.dma_semaphore, #tpu.memory_space<semaphore_mem>>
      %dma_start3A_272 = tpu.memref_squeeze %dma_start3A_271 : memref<1x!tpu.dma_semaphore, #tpu.memory_space<semaphore_mem>> -> memref<!tpu.dma_semaphore, #tpu.memory_space<semaphore_mem>>
      tpu.enqueue_indirect_dma source(%dma_start3A_270 : memref<10000x144xf32, #tpu.memory_space<hbm>>) target(%dma_start3A_264 : memref<80x144xf32, #tpu.memory_space<vmem>>) offsets(%dma_start3A_267 : memref<80xi32, #tpu.memory_space<vmem>>) semaphore(%dma_start3A_272 : memref<!tpu.dma_semaphore, #tpu.memory_space<semaphore_mem>>)
      %dma_start3A_273 = arith.constant 0 : i32
      %dma_start3A_274 = arith.constant 0 : i32
      %dma_start3A_275 = arith.constant 0 : i32
      %dma_start3A_276 = arith.constant 0 : i32
      %dma_start3A_277 = tpu.memref_slice %arg11[%dma_start3A_273, %dma_start3A_275, %dma_start3A_276] : memref<5x80x128xf32, #tpu.memory_space<vmem>> -> memref<1x80x128xf32, #tpu.memory_space<vmem>>
      %dma_start3A_278 = tpu.memref_squeeze %dma_start3A_277 : memref<1x80x128xf32, #tpu.memory_space<vmem>> -> memref<80x128xf32, #tpu.memory_space<vmem>>
      %dma_start3A_279 = arith.constant 0 : i32
      %dma_start3A_280 = tpu.memref_slice %arg9[%add3A_256, %dma_start3A_279] : memref<125x80xi32, #tpu.memory_space<vmem>> -> memref<1x80xi32, #tpu.memory_space<vmem>>
      %dma_start3A_281 = tpu.memref_squeeze %dma_start3A_280 : memref<1x80xi32, #tpu.memory_space<vmem>> -> memref<80xi32, #tpu.memory_space<vmem>>
      %dma_start3A_282 = arith.constant 0 : i32
      %dma_start3A_283 = arith.constant 0 : i32
      %dma_start3A_284 = tpu.memref_slice %arg3[%dma_start3A_282, %dma_start3A_283] : memref<10000x128xf32, #tpu.memory_space<hbm>> -> memref<10000x128xf32, #tpu.memory_space<hbm>>
      %dma_start3A_285 = tpu.memref_slice %arg13[%dma_start3A_274] : memref<5x!tpu.dma_semaphore, #tpu.memory_space<semaphore_mem>> -> memref<1x!tpu.dma_semaphore, #tpu.memory_space<semaphore_mem>>
      %dma_start3A_286 = tpu.memref_squeeze %dma_start3A_285 : memref<1x!tpu.dma_semaphore, #tpu.memory_space<semaphore_mem>> -> memref<!tpu.dma_semaphore, #tpu.memory_space<semaphore_mem>>
      tpu.enqueue_indirect_dma source(%dma_start3A_284 : memref<10000x128xf32, #tpu.memory_space<hbm>>) target(%dma_start3A_278 : memref<80x128xf32, #tpu.memory_space<vmem>>) offsets(%dma_start3A_281 : memref<80xi32, #tpu.memory_space<vmem>>) semaphore(%dma_start3A_286 : memref<!tpu.dma_semaphore, #tpu.memory_space<semaphore_mem>>)
      %ge3A_287 = arith.constant 1 : i32
      %ge3A_288 = arith.cmpi sge, %add3A_256, %ge3A_287 : i32
      %convert_element_type3A_289 = arith.extui %ge3A_288 : i1 to i32
      %cond3A_290 = arith.constant 0 : i32
      %cond3A_291 = arith.cmpi ne, %convert_element_type3A_289, %cond3A_290 : i32
      scf.if %cond3A_291 {
        %sub3A = arith.constant 1 : i32
        %sub3A_460 = arith.subi %add3A_256, %sub3A : i32
        %dma_wait3A_461 = arith.constant 4 : i32
        %dma_wait3A_462 = arith.constant 4 : i32
        %dma_wait3A_463 = arith.constant 0 : i32
        %dma_wait3A_464 = arith.constant 0 : i32
        %dma_wait3A_465 = tpu.memref_slice %arg10[%dma_wait3A_461, %dma_wait3A_463, %dma_wait3A_464] : memref<5x80x144xf32, #tpu.memory_space<vmem>> -> memref<1x80x144xf32, #tpu.memory_space<vmem>>
        %dma_wait3A_466 = tpu.memref_squeeze %dma_wait3A_465 : memref<1x80x144xf32, #tpu.memory_space<vmem>> -> memref<80x144xf32, #tpu.memory_space<vmem>>
        %dma_wait3A_467 = arith.constant 0 : i32
        %dma_wait3A_468 = tpu.memref_slice %arg8[%sub3A_460, %dma_wait3A_467] : memref<125x80xi32, #tpu.memory_space<vmem>> -> memref<1x80xi32, #tpu.memory_space<vmem>>
        %dma_wait3A_469 = tpu.memref_squeeze %dma_wait3A_468 : memref<1x80xi32, #tpu.memory_space<vmem>> -> memref<80xi32, #tpu.memory_space<vmem>>
        %dma_wait3A_470 = arith.constant 0 : i32
        %dma_wait3A_471 = arith.constant 0 : i32
        %dma_wait3A_472 = tpu.memref_slice %arg2[%dma_wait3A_470, %dma_wait3A_471] : memref<10000x144xf32, #tpu.memory_space<hbm>> -> memref<10000x144xf32, #tpu.memory_space<hbm>>
        %dma_wait3A_473 = tpu.memref_slice %arg12[%dma_wait3A_462] : memref<5x!tpu.dma_semaphore, #tpu.memory_space<semaphore_mem>> -> memref<1x!tpu.dma_semaphore, #tpu.memory_space<semaphore_mem>>
        %dma_wait3A_474 = tpu.memref_squeeze %dma_wait3A_473 : memref<1x!tpu.dma_semaphore, #tpu.memory_space<semaphore_mem>> -> memref<!tpu.dma_semaphore, #tpu.memory_space<semaphore_mem>>
        tpu.wait_indirect_dma semaphore(%dma_wait3A_474 : memref<!tpu.dma_semaphore, #tpu.memory_space<semaphore_mem>>) src(%dma_wait3A_472 : memref<10000x144xf32, #tpu.memory_space<hbm>>) dst(%dma_wait3A_466 : memref<80x144xf32, #tpu.memory_space<vmem>>)
        %dma_wait3A_475 = arith.constant 4 : i32
        %dma_wait3A_476 = arith.constant 4 : i32
        %dma_wait3A_477 = arith.constant 0 : i32
        %dma_wait3A_478 = arith.constant 0 : i32
        %dma_wait3A_479 = tpu.memref_slice %arg11[%dma_wait3A_475, %dma_wait3A_477, %dma_wait3A_478] : memref<5x80x128xf32, #tpu.memory_space<vmem>> -> memref<1x80x128xf32, #tpu.memory_space<vmem>>
        %dma_wait3A_480 = tpu.memref_squeeze %dma_wait3A_479 : memref<1x80x128xf32, #tpu.memory_space<vmem>> -> memref<80x128xf32, #tpu.memory_space<vmem>>
        %dma_wait3A_481 = arith.constant 0 : i32
        %dma_wait3A_482 = tpu.memref_slice %arg9[%sub3A_460, %dma_wait3A_481] : memref<125x80xi32, #tpu.memory_space<vmem>> -> memref<1x80xi32, #tpu.memory_space<vmem>>
        %dma_wait3A_483 = tpu.memref_squeeze %dma_wait3A_482 : memref<1x80xi32, #tpu.memory_space<vmem>> -> memref<80xi32, #tpu.memory_space<vmem>>
        %dma_wait3A_484 = arith.constant 0 : i32
        %dma_wait3A_485 = arith.constant 0 : i32
        %dma_wait3A_486 = tpu.memref_slice %arg3[%dma_wait3A_484, %dma_wait3A_485] : memref<10000x128xf32, #tpu.memory_space<hbm>> -> memref<10000x128xf32, #tpu.memory_space<hbm>>
        %dma_wait3A_487 = tpu.memref_slice %arg13[%dma_wait3A_476] : memref<5x!tpu.dma_semaphore, #tpu.memory_space<semaphore_mem>> -> memref<1x!tpu.dma_semaphore, #tpu.memory_space<semaphore_mem>>
        %dma_wait3A_488 = tpu.memref_squeeze %dma_wait3A_487 : memref<1x!tpu.dma_semaphore, #tpu.memory_space<semaphore_mem>> -> memref<!tpu.dma_semaphore, #tpu.memory_space<semaphore_mem>>
        tpu.wait_indirect_dma semaphore(%dma_wait3A_488 : memref<!tpu.dma_semaphore, #tpu.memory_space<semaphore_mem>>) src(%dma_wait3A_486 : memref<10000x128xf32, #tpu.memory_space<hbm>>) dst(%dma_wait3A_480 : memref<80x128xf32, #tpu.memory_space<vmem>>)
        %mul3A_489 = arith.constant 125 : i32
        %mul3A_490 = arith.muli %add3A, %mul3A_489 : i32
        %add3A_491 = arith.addi %mul3A_490, %sub3A_460 : i32
        %mul3A_492 = arith.constant 80 : i32
        %mul3A_493 = arith.muli %add3A_491, %mul3A_492 : i32
        %dma_start3A_494 = arith.constant 4 : i32
        %dma_start3A_495 = arith.constant 4 : i32
        %dma_start3A_496 = arith.constant 0 : i32
        %dma_start3A_497 = arith.constant 0 : i32
        %dma_start3A_498 = tpu.memref_slice %arg10[%dma_start3A_494, %dma_start3A_496, %dma_start3A_497] : memref<5x80x144xf32, #tpu.memory_space<vmem>> -> memref<1x80x144xf32, #tpu.memory_space<vmem>>
        %dma_start3A_499 = tpu.memref_squeeze %dma_start3A_498 : memref<1x80x144xf32, #tpu.memory_space<vmem>> -> memref<80x144xf32, #tpu.memory_space<vmem>>
        %dma_start3A_500 = arith.constant 0 : i32
        %dma_start3A_501 = tpu.memref_slice %arg6[%mul3A_493, %dma_start3A_500] : memref<320000x144xf32, #tpu.memory_space<hbm>> -> memref<80x144xf32, #tpu.memory_space<hbm>>
        %dma_start3A_502 = tpu.memref_slice %arg14[%dma_start3A_495] : memref<5x!tpu.dma_semaphore, #tpu.memory_space<semaphore_mem>> -> memref<1x!tpu.dma_semaphore, #tpu.memory_space<semaphore_mem>>
        %dma_start3A_503 = tpu.memref_squeeze %dma_start3A_502 : memref<1x!tpu.dma_semaphore, #tpu.memory_space<semaphore_mem>> -> memref<!tpu.dma_semaphore, #tpu.memory_space<semaphore_mem>>
        %dma_start3A_504 = arith.constant 0 : i32
        %dma_start3A_505 = tpu.memref_slice %arg6[%mul3A_493, %dma_start3A_504] : memref<320000x144xf32, #tpu.memory_space<hbm>> -> memref<80x144xf32, #tpu.memory_space<hbm>>
        %dma_start3A_506 = arith.constant 0 : i32
        %dma_start3A_507 = arith.constant 0 : i32
        %dma_start3A_508 = tpu.memref_slice %arg10[%dma_start3A_494, %dma_start3A_506, %dma_start3A_507] : memref<5x80x144xf32, #tpu.memory_space<vmem>> -> memref<1x80x144xf32, #tpu.memory_space<vmem>>
        %dma_start3A_509 = tpu.memref_squeeze %dma_start3A_508 : memref<1x80x144xf32, #tpu.memory_space<vmem>> -> memref<80x144xf32, #tpu.memory_space<vmem>>
        tpu.enqueue_dma source(%dma_start3A_509 : memref<80x144xf32, #tpu.memory_space<vmem>>) target(%dma_start3A_505 : memref<80x144xf32, #tpu.memory_space<hbm>>) target_semaphore(%dma_start3A_503 : memref<!tpu.dma_semaphore, #tpu.memory_space<semaphore_mem>>)
        %dma_start3A_510 = arith.constant 4 : i32
        %dma_start3A_511 = arith.constant 4 : i32
        %dma_start3A_512 = arith.constant 0 : i32
        %dma_start3A_513 = arith.constant 0 : i32
        %dma_start3A_514 = tpu.memref_slice %arg11[%dma_start3A_510, %dma_start3A_512, %dma_start3A_513] : memref<5x80x128xf32, #tpu.memory_space<vmem>> -> memref<1x80x128xf32, #tpu.memory_space<vmem>>
        %dma_start3A_515 = tpu.memref_squeeze %dma_start3A_514 : memref<1x80x128xf32, #tpu.memory_space<vmem>> -> memref<80x128xf32, #tpu.memory_space<vmem>>
        %dma_start3A_516 = arith.constant 0 : i32
        %dma_start3A_517 = tpu.memref_slice %arg7[%mul3A_493, %dma_start3A_516] : memref<320000x128xf32, #tpu.memory_space<hbm>> -> memref<80x128xf32, #tpu.memory_space<hbm>>
        %dma_start3A_518 = tpu.memref_slice %arg15[%dma_start3A_511] : memref<5x!tpu.dma_semaphore, #tpu.memory_space<semaphore_mem>> -> memref<1x!tpu.dma_semaphore, #tpu.memory_space<semaphore_mem>>
        %dma_start3A_519 = tpu.memref_squeeze %dma_start3A_518 : memref<1x!tpu.dma_semaphore, #tpu.memory_space<semaphore_mem>> -> memref<!tpu.dma_semaphore, #tpu.memory_space<semaphore_mem>>
        %dma_start3A_520 = arith.constant 0 : i32
        %dma_start3A_521 = tpu.memref_slice %arg7[%mul3A_493, %dma_start3A_520] : memref<320000x128xf32, #tpu.memory_space<hbm>> -> memref<80x128xf32, #tpu.memory_space<hbm>>
        %dma_start3A_522 = arith.constant 0 : i32
        %dma_start3A_523 = arith.constant 0 : i32
        %dma_start3A_524 = tpu.memref_slice %arg11[%dma_start3A_510, %dma_start3A_522, %dma_start3A_523] : memref<5x80x128xf32, #tpu.memory_space<vmem>> -> memref<1x80x128xf32, #tpu.memory_space<vmem>>
        %dma_start3A_525 = tpu.memref_squeeze %dma_start3A_524 : memref<1x80x128xf32, #tpu.memory_space<vmem>> -> memref<80x128xf32, #tpu.memory_space<vmem>>
        tpu.enqueue_dma source(%dma_start3A_525 : memref<80x128xf32, #tpu.memory_space<vmem>>) target(%dma_start3A_521 : memref<80x128xf32, #tpu.memory_space<hbm>>) target_semaphore(%dma_start3A_519 : memref<!tpu.dma_semaphore, #tpu.memory_space<semaphore_mem>>)
      } else {
      }
      %mul3A_292 = arith.constant 5 : i32
      %mul3A_293 = arith.muli %scan3A_252, %mul3A_292 : i32
      %add3A_294 = arith.constant 1 : i32
      %add3A_295 = arith.addi %mul3A_293, %add3A_294 : i32
      %ge3A_296 = arith.constant 5 : i32
      %ge3A_297 = arith.cmpi sge, %add3A_295, %ge3A_296 : i32
      %convert_element_type3A_298 = arith.extui %ge3A_297 : i1 to i32
      %cond3A_299 = arith.constant 0 : i32
      %cond3A_300 = arith.cmpi ne, %convert_element_type3A_298, %cond3A_299 : i32
      scf.if %cond3A_300 {
        %dma_wait3A_460 = arith.constant 1 : i32
        %dma_wait3A_461 = arith.constant 1 : i32
        %dma_wait3A_462 = arith.constant 0 : i32
        %dma_wait3A_463 = arith.constant 0 : i32
        %dma_wait3A_464 = tpu.memref_slice %arg10[%dma_wait3A_460, %dma_wait3A_462, %dma_wait3A_463] : memref<5x80x144xf32, #tpu.memory_space<vmem>> -> memref<1x80x144xf32, #tpu.memory_space<vmem>>
        %dma_wait3A_465 = tpu.memref_squeeze %dma_wait3A_464 : memref<1x80x144xf32, #tpu.memory_space<vmem>> -> memref<80x144xf32, #tpu.memory_space<vmem>>
        %dma_wait3A_466 = arith.constant 0 : i32
        %dma_wait3A_467 = arith.constant 0 : i32
        %dma_wait3A_468 = tpu.memref_slice %arg6[%dma_wait3A_466, %dma_wait3A_467] : memref<320000x144xf32, #tpu.memory_space<hbm>> -> memref<80x144xf32, #tpu.memory_space<hbm>>
        %dma_wait3A_469 = tpu.memref_slice %arg14[%dma_wait3A_461] : memref<5x!tpu.dma_semaphore, #tpu.memory_space<semaphore_mem>> -> memref<1x!tpu.dma_semaphore, #tpu.memory_space<semaphore_mem>>
        %dma_wait3A_470 = tpu.memref_squeeze %dma_wait3A_469 : memref<1x!tpu.dma_semaphore, #tpu.memory_space<semaphore_mem>> -> memref<!tpu.dma_semaphore, #tpu.memory_space<semaphore_mem>>
        %dma_wait3A_471 = arith.constant 0 : i32
        %dma_wait3A_472 = arith.constant 0 : i32
        %dma_wait3A_473 = tpu.memref_slice %arg6[%dma_wait3A_471, %dma_wait3A_472] : memref<320000x144xf32, #tpu.memory_space<hbm>> -> memref<80x144xf32, #tpu.memory_space<hbm>>
        %dma_wait3A_474 = arith.constant 0 : i32
        %dma_wait3A_475 = arith.constant 0 : i32
        %dma_wait3A_476 = tpu.memref_slice %arg10[%dma_wait3A_460, %dma_wait3A_474, %dma_wait3A_475] : memref<5x80x144xf32, #tpu.memory_space<vmem>> -> memref<1x80x144xf32, #tpu.memory_space<vmem>>
        %dma_wait3A_477 = tpu.memref_squeeze %dma_wait3A_476 : memref<1x80x144xf32, #tpu.memory_space<vmem>> -> memref<80x144xf32, #tpu.memory_space<vmem>>
        tpu.wait_dma2 semaphore(%dma_wait3A_470 : memref<!tpu.dma_semaphore, #tpu.memory_space<semaphore_mem>>) src(%dma_wait3A_477 : memref<80x144xf32, #tpu.memory_space<vmem>>) dst(%dma_wait3A_473 : memref<80x144xf32, #tpu.memory_space<hbm>>)
        %dma_wait3A_478 = arith.constant 1 : i32
        %dma_wait3A_479 = arith.constant 1 : i32
        %dma_wait3A_480 = arith.constant 0 : i32
        %dma_wait3A_481 = arith.constant 0 : i32
        %dma_wait3A_482 = tpu.memref_slice %arg11[%dma_wait3A_478, %dma_wait3A_480, %dma_wait3A_481] : memref<5x80x128xf32, #tpu.memory_space<vmem>> -> memref<1x80x128xf32, #tpu.memory_space<vmem>>
        %dma_wait3A_483 = tpu.memref_squeeze %dma_wait3A_482 : memref<1x80x128xf32, #tpu.memory_space<vmem>> -> memref<80x128xf32, #tpu.memory_space<vmem>>
        %dma_wait3A_484 = arith.constant 0 : i32
        %dma_wait3A_485 = arith.constant 0 : i32
        %dma_wait3A_486 = tpu.memref_slice %arg7[%dma_wait3A_484, %dma_wait3A_485] : memref<320000x128xf32, #tpu.memory_space<hbm>> -> memref<80x128xf32, #tpu.memory_space<hbm>>
        %dma_wait3A_487 = tpu.memref_slice %arg15[%dma_wait3A_479] : memref<5x!tpu.dma_semaphore, #tpu.memory_space<semaphore_mem>> -> memref<1x!tpu.dma_semaphore, #tpu.memory_space<semaphore_mem>>
        %dma_wait3A_488 = tpu.memref_squeeze %dma_wait3A_487 : memref<1x!tpu.dma_semaphore, #tpu.memory_space<semaphore_mem>> -> memref<!tpu.dma_semaphore, #tpu.memory_space<semaphore_mem>>
        %dma_wait3A_489 = arith.constant 0 : i32
        %dma_wait3A_490 = arith.constant 0 : i32
        %dma_wait3A_491 = tpu.memref_slice %arg7[%dma_wait3A_489, %dma_wait3A_490] : memref<320000x128xf32, #tpu.memory_space<hbm>> -> memref<80x128xf32, #tpu.memory_space<hbm>>
        %dma_wait3A_492 = arith.constant 0 : i32
        %dma_wait3A_493 = arith.constant 0 : i32
        %dma_wait3A_494 = tpu.memref_slice %arg11[%dma_wait3A_478, %dma_wait3A_492, %dma_wait3A_493] : memref<5x80x128xf32, #tpu.memory_space<vmem>> -> memref<1x80x128xf32, #tpu.memory_space<vmem>>
        %dma_wait3A_495 = tpu.memref_squeeze %dma_wait3A_494 : memref<1x80x128xf32, #tpu.memory_space<vmem>> -> memref<80x128xf32, #tpu.memory_space<vmem>>
        tpu.wait_dma2 semaphore(%dma_wait3A_488 : memref<!tpu.dma_semaphore, #tpu.memory_space<semaphore_mem>>) src(%dma_wait3A_495 : memref<80x128xf32, #tpu.memory_space<vmem>>) dst(%dma_wait3A_491 : memref<80x128xf32, #tpu.memory_space<hbm>>)
      } else {
      }
      %dma_start3A_301 = arith.constant 1 : i32
      %dma_start3A_302 = arith.constant 1 : i32
      %dma_start3A_303 = arith.constant 0 : i32
      %dma_start3A_304 = arith.constant 0 : i32
      %dma_start3A_305 = tpu.memref_slice %arg10[%dma_start3A_301, %dma_start3A_303, %dma_start3A_304] : memref<5x80x144xf32, #tpu.memory_space<vmem>> -> memref<1x80x144xf32, #tpu.memory_space<vmem>>
      %dma_start3A_306 = tpu.memref_squeeze %dma_start3A_305 : memref<1x80x144xf32, #tpu.memory_space<vmem>> -> memref<80x144xf32, #tpu.memory_space<vmem>>
      %dma_start3A_307 = arith.constant 0 : i32
      %dma_start3A_308 = tpu.memref_slice %arg8[%add3A_295, %dma_start3A_307] : memref<125x80xi32, #tpu.memory_space<vmem>> -> memref<1x80xi32, #tpu.memory_space<vmem>>
      %dma_start3A_309 = tpu.memref_squeeze %dma_start3A_308 : memref<1x80xi32, #tpu.memory_space<vmem>> -> memref<80xi32, #tpu.memory_space<vmem>>
      %dma_start3A_310 = arith.constant 0 : i32
      %dma_start3A_311 = arith.constant 0 : i32
      %dma_start3A_312 = tpu.memref_slice %arg2[%dma_start3A_310, %dma_start3A_311] : memref<10000x144xf32, #tpu.memory_space<hbm>> -> memref<10000x144xf32, #tpu.memory_space<hbm>>
      %dma_start3A_313 = tpu.memref_slice %arg12[%dma_start3A_302] : memref<5x!tpu.dma_semaphore, #tpu.memory_space<semaphore_mem>> -> memref<1x!tpu.dma_semaphore, #tpu.memory_space<semaphore_mem>>
      %dma_start3A_314 = tpu.memref_squeeze %dma_start3A_313 : memref<1x!tpu.dma_semaphore, #tpu.memory_space<semaphore_mem>> -> memref<!tpu.dma_semaphore, #tpu.memory_space<semaphore_mem>>
      tpu.enqueue_indirect_dma source(%dma_start3A_312 : memref<10000x144xf32, #tpu.memory_space<hbm>>) target(%dma_start3A_306 : memref<80x144xf32, #tpu.memory_space<vmem>>) offsets(%dma_start3A_309 : memref<80xi32, #tpu.memory_space<vmem>>) semaphore(%dma_start3A_314 : memref<!tpu.dma_semaphore, #tpu.memory_space<semaphore_mem>>)
      %dma_start3A_315 = arith.constant 1 : i32
      %dma_start3A_316 = arith.constant 1 : i32
      %dma_start3A_317 = arith.constant 0 : i32
      %dma_start3A_318 = arith.constant 0 : i32
      %dma_start3A_319 = tpu.memref_slice %arg11[%dma_start3A_315, %dma_start3A_317, %dma_start3A_318] : memref<5x80x128xf32, #tpu.memory_space<vmem>> -> memref<1x80x128xf32, #tpu.memory_space<vmem>>
      %dma_start3A_320 = tpu.memref_squeeze %dma_start3A_319 : memref<1x80x128xf32, #tpu.memory_space<vmem>> -> memref<80x128xf32, #tpu.memory_space<vmem>>
      %dma_start3A_321 = arith.constant 0 : i32
      %dma_start3A_322 = tpu.memref_slice %arg9[%add3A_295, %dma_start3A_321] : memref<125x80xi32, #tpu.memory_space<vmem>> -> memref<1x80xi32, #tpu.memory_space<vmem>>
      %dma_start3A_323 = tpu.memref_squeeze %dma_start3A_322 : memref<1x80xi32, #tpu.memory_space<vmem>> -> memref<80xi32, #tpu.memory_space<vmem>>
      %dma_start3A_324 = arith.constant 0 : i32
      %dma_start3A_325 = arith.constant 0 : i32
      %dma_start3A_326 = tpu.memref_slice %arg3[%dma_start3A_324, %dma_start3A_325] : memref<10000x128xf32, #tpu.memory_space<hbm>> -> memref<10000x128xf32, #tpu.memory_space<hbm>>
      %dma_start3A_327 = tpu.memref_slice %arg13[%dma_start3A_316] : memref<5x!tpu.dma_semaphore, #tpu.memory_space<semaphore_mem>> -> memref<1x!tpu.dma_semaphore, #tpu.memory_space<semaphore_mem>>
      %dma_start3A_328 = tpu.memref_squeeze %dma_start3A_327 : memref<1x!tpu.dma_semaphore, #tpu.memory_space<semaphore_mem>> -> memref<!tpu.dma_semaphore, #tpu.memory_space<semaphore_mem>>
      tpu.enqueue_indirect_dma source(%dma_start3A_326 : memref<10000x128xf32, #tpu.memory_space<hbm>>) target(%dma_start3A_320 : memref<80x128xf32, #tpu.memory_space<vmem>>) offsets(%dma_start3A_323 : memref<80xi32, #tpu.memory_space<vmem>>) semaphore(%dma_start3A_328 : memref<!tpu.dma_semaphore, #tpu.memory_space<semaphore_mem>>)
      %ge3A_329 = arith.constant 1 : i32
      %ge3A_330 = arith.cmpi sge, %add3A_295, %ge3A_329 : i32
      %convert_element_type3A_331 = arith.extui %ge3A_330 : i1 to i32
      %cond3A_332 = arith.constant 0 : i32
      %cond3A_333 = arith.cmpi ne, %convert_element_type3A_331, %cond3A_332 : i32
      scf.if %cond3A_333 {
        %sub3A = arith.constant 1 : i32
        %sub3A_460 = arith.subi %add3A_295, %sub3A : i32
        %dma_wait3A_461 = arith.constant 0 : i32
        %dma_wait3A_462 = arith.constant 0 : i32
        %dma_wait3A_463 = arith.constant 0 : i32
        %dma_wait3A_464 = arith.constant 0 : i32
        %dma_wait3A_465 = tpu.memref_slice %arg10[%dma_wait3A_461, %dma_wait3A_463, %dma_wait3A_464] : memref<5x80x144xf32, #tpu.memory_space<vmem>> -> memref<1x80x144xf32, #tpu.memory_space<vmem>>
        %dma_wait3A_466 = tpu.memref_squeeze %dma_wait3A_465 : memref<1x80x144xf32, #tpu.memory_space<vmem>> -> memref<80x144xf32, #tpu.memory_space<vmem>>
        %dma_wait3A_467 = arith.constant 0 : i32
        %dma_wait3A_468 = tpu.memref_slice %arg8[%sub3A_460, %dma_wait3A_467] : memref<125x80xi32, #tpu.memory_space<vmem>> -> memref<1x80xi32, #tpu.memory_space<vmem>>
        %dma_wait3A_469 = tpu.memref_squeeze %dma_wait3A_468 : memref<1x80xi32, #tpu.memory_space<vmem>> -> memref<80xi32, #tpu.memory_space<vmem>>
        %dma_wait3A_470 = arith.constant 0 : i32
        %dma_wait3A_471 = arith.constant 0 : i32
        %dma_wait3A_472 = tpu.memref_slice %arg2[%dma_wait3A_470, %dma_wait3A_471] : memref<10000x144xf32, #tpu.memory_space<hbm>> -> memref<10000x144xf32, #tpu.memory_space<hbm>>
        %dma_wait3A_473 = tpu.memref_slice %arg12[%dma_wait3A_462] : memref<5x!tpu.dma_semaphore, #tpu.memory_space<semaphore_mem>> -> memref<1x!tpu.dma_semaphore, #tpu.memory_space<semaphore_mem>>
        %dma_wait3A_474 = tpu.memref_squeeze %dma_wait3A_473 : memref<1x!tpu.dma_semaphore, #tpu.memory_space<semaphore_mem>> -> memref<!tpu.dma_semaphore, #tpu.memory_space<semaphore_mem>>
        tpu.wait_indirect_dma semaphore(%dma_wait3A_474 : memref<!tpu.dma_semaphore, #tpu.memory_space<semaphore_mem>>) src(%dma_wait3A_472 : memref<10000x144xf32, #tpu.memory_space<hbm>>) dst(%dma_wait3A_466 : memref<80x144xf32, #tpu.memory_space<vmem>>)
        %dma_wait3A_475 = arith.constant 0 : i32
        %dma_wait3A_476 = arith.constant 0 : i32
        %dma_wait3A_477 = arith.constant 0 : i32
        %dma_wait3A_478 = arith.constant 0 : i32
        %dma_wait3A_479 = tpu.memref_slice %arg11[%dma_wait3A_475, %dma_wait3A_477, %dma_wait3A_478] : memref<5x80x128xf32, #tpu.memory_space<vmem>> -> memref<1x80x128xf32, #tpu.memory_space<vmem>>
        %dma_wait3A_480 = tpu.memref_squeeze %dma_wait3A_479 : memref<1x80x128xf32, #tpu.memory_space<vmem>> -> memref<80x128xf32, #tpu.memory_space<vmem>>
        %dma_wait3A_481 = arith.constant 0 : i32
        %dma_wait3A_482 = tpu.memref_slice %arg9[%sub3A_460, %dma_wait3A_481] : memref<125x80xi32, #tpu.memory_space<vmem>> -> memref<1x80xi32, #tpu.memory_space<vmem>>
        %dma_wait3A_483 = tpu.memref_squeeze %dma_wait3A_482 : memref<1x80xi32, #tpu.memory_space<vmem>> -> memref<80xi32, #tpu.memory_space<vmem>>
        %dma_wait3A_484 = arith.constant 0 : i32
        %dma_wait3A_485 = arith.constant 0 : i32
        %dma_wait3A_486 = tpu.memref_slice %arg3[%dma_wait3A_484, %dma_wait3A_485] : memref<10000x128xf32, #tpu.memory_space<hbm>> -> memref<10000x128xf32, #tpu.memory_space<hbm>>
        %dma_wait3A_487 = tpu.memref_slice %arg13[%dma_wait3A_476] : memref<5x!tpu.dma_semaphore, #tpu.memory_space<semaphore_mem>> -> memref<1x!tpu.dma_semaphore, #tpu.memory_space<semaphore_mem>>
        %dma_wait3A_488 = tpu.memref_squeeze %dma_wait3A_487 : memref<1x!tpu.dma_semaphore, #tpu.memory_space<semaphore_mem>> -> memref<!tpu.dma_semaphore, #tpu.memory_space<semaphore_mem>>
        tpu.wait_indirect_dma semaphore(%dma_wait3A_488 : memref<!tpu.dma_semaphore, #tpu.memory_space<semaphore_mem>>) src(%dma_wait3A_486 : memref<10000x128xf32, #tpu.memory_space<hbm>>) dst(%dma_wait3A_480 : memref<80x128xf32, #tpu.memory_space<vmem>>)
        %mul3A_489 = arith.constant 125 : i32
        %mul3A_490 = arith.muli %add3A, %mul3A_489 : i32
        %add3A_491 = arith.addi %mul3A_490, %sub3A_460 : i32
        %mul3A_492 = arith.constant 80 : i32
        %mul3A_493 = arith.muli %add3A_491, %mul3A_492 : i32
        %dma_start3A_494 = arith.constant 0 : i32
        %dma_start3A_495 = arith.constant 0 : i32
        %dma_start3A_496 = arith.constant 0 : i32
        %dma_start3A_497 = arith.constant 0 : i32
        %dma_start3A_498 = tpu.memref_slice %arg10[%dma_start3A_494, %dma_start3A_496, %dma_start3A_497] : memref<5x80x144xf32, #tpu.memory_space<vmem>> -> memref<1x80x144xf32, #tpu.memory_space<vmem>>
        %dma_start3A_499 = tpu.memref_squeeze %dma_start3A_498 : memref<1x80x144xf32, #tpu.memory_space<vmem>> -> memref<80x144xf32, #tpu.memory_space<vmem>>
        %dma_start3A_500 = arith.constant 0 : i32
        %dma_start3A_501 = tpu.memref_slice %arg6[%mul3A_493, %dma_start3A_500] : memref<320000x144xf32, #tpu.memory_space<hbm>> -> memref<80x144xf32, #tpu.memory_space<hbm>>
        %dma_start3A_502 = tpu.memref_slice %arg14[%dma_start3A_495] : memref<5x!tpu.dma_semaphore, #tpu.memory_space<semaphore_mem>> -> memref<1x!tpu.dma_semaphore, #tpu.memory_space<semaphore_mem>>
        %dma_start3A_503 = tpu.memref_squeeze %dma_start3A_502 : memref<1x!tpu.dma_semaphore, #tpu.memory_space<semaphore_mem>> -> memref<!tpu.dma_semaphore, #tpu.memory_space<semaphore_mem>>
        %dma_start3A_504 = arith.constant 0 : i32
        %dma_start3A_505 = tpu.memref_slice %arg6[%mul3A_493, %dma_start3A_504] : memref<320000x144xf32, #tpu.memory_space<hbm>> -> memref<80x144xf32, #tpu.memory_space<hbm>>
        %dma_start3A_506 = arith.constant 0 : i32
        %dma_start3A_507 = arith.constant 0 : i32
        %dma_start3A_508 = tpu.memref_slice %arg10[%dma_start3A_494, %dma_start3A_506, %dma_start3A_507] : memref<5x80x144xf32, #tpu.memory_space<vmem>> -> memref<1x80x144xf32, #tpu.memory_space<vmem>>
        %dma_start3A_509 = tpu.memref_squeeze %dma_start3A_508 : memref<1x80x144xf32, #tpu.memory_space<vmem>> -> memref<80x144xf32, #tpu.memory_space<vmem>>
        tpu.enqueue_dma source(%dma_start3A_509 : memref<80x144xf32, #tpu.memory_space<vmem>>) target(%dma_start3A_505 : memref<80x144xf32, #tpu.memory_space<hbm>>) target_semaphore(%dma_start3A_503 : memref<!tpu.dma_semaphore, #tpu.memory_space<semaphore_mem>>)
        %dma_start3A_510 = arith.constant 0 : i32
        %dma_start3A_511 = arith.constant 0 : i32
        %dma_start3A_512 = arith.constant 0 : i32
        %dma_start3A_513 = arith.constant 0 : i32
        %dma_start3A_514 = tpu.memref_slice %arg11[%dma_start3A_510, %dma_start3A_512, %dma_start3A_513] : memref<5x80x128xf32, #tpu.memory_space<vmem>> -> memref<1x80x128xf32, #tpu.memory_space<vmem>>
        %dma_start3A_515 = tpu.memref_squeeze %dma_start3A_514 : memref<1x80x128xf32, #tpu.memory_space<vmem>> -> memref<80x128xf32, #tpu.memory_space<vmem>>
        %dma_start3A_516 = arith.constant 0 : i32
        %dma_start3A_517 = tpu.memref_slice %arg7[%mul3A_493, %dma_start3A_516] : memref<320000x128xf32, #tpu.memory_space<hbm>> -> memref<80x128xf32, #tpu.memory_space<hbm>>
        %dma_start3A_518 = tpu.memref_slice %arg15[%dma_start3A_511] : memref<5x!tpu.dma_semaphore, #tpu.memory_space<semaphore_mem>> -> memref<1x!tpu.dma_semaphore, #tpu.memory_space<semaphore_mem>>
        %dma_start3A_519 = tpu.memref_squeeze %dma_start3A_518 : memref<1x!tpu.dma_semaphore, #tpu.memory_space<semaphore_mem>> -> memref<!tpu.dma_semaphore, #tpu.memory_space<semaphore_mem>>
        %dma_start3A_520 = arith.constant 0 : i32
        %dma_start3A_521 = tpu.memref_slice %arg7[%mul3A_493, %dma_start3A_520] : memref<320000x128xf32, #tpu.memory_space<hbm>> -> memref<80x128xf32, #tpu.memory_space<hbm>>
        %dma_start3A_522 = arith.constant 0 : i32
        %dma_start3A_523 = arith.constant 0 : i32
        %dma_start3A_524 = tpu.memref_slice %arg11[%dma_start3A_510, %dma_start3A_522, %dma_start3A_523] : memref<5x80x128xf32, #tpu.memory_space<vmem>> -> memref<1x80x128xf32, #tpu.memory_space<vmem>>
        %dma_start3A_525 = tpu.memref_squeeze %dma_start3A_524 : memref<1x80x128xf32, #tpu.memory_space<vmem>> -> memref<80x128xf32, #tpu.memory_space<vmem>>
        tpu.enqueue_dma source(%dma_start3A_525 : memref<80x128xf32, #tpu.memory_space<vmem>>) target(%dma_start3A_521 : memref<80x128xf32, #tpu.memory_space<hbm>>) target_semaphore(%dma_start3A_519 : memref<!tpu.dma_semaphore, #tpu.memory_space<semaphore_mem>>)
      } else {
      }
      %mul3A_334 = arith.constant 5 : i32
      %mul3A_335 = arith.muli %scan3A_252, %mul3A_334 : i32
      %add3A_336 = arith.constant 2 : i32
      %add3A_337 = arith.addi %mul3A_335, %add3A_336 : i32
      %ge3A_338 = arith.constant 5 : i32
      %ge3A_339 = arith.cmpi sge, %add3A_337, %ge3A_338 : i32
      %convert_element_type3A_340 = arith.extui %ge3A_339 : i1 to i32
      %cond3A_341 = arith.constant 0 : i32
      %cond3A_342 = arith.cmpi ne, %convert_element_type3A_340, %cond3A_341 : i32
      scf.if %cond3A_342 {
        %dma_wait3A_460 = arith.constant 2 : i32
        %dma_wait3A_461 = arith.constant 2 : i32
        %dma_wait3A_462 = arith.constant 0 : i32
        %dma_wait3A_463 = arith.constant 0 : i32
        %dma_wait3A_464 = tpu.memref_slice %arg10[%dma_wait3A_460, %dma_wait3A_462, %dma_wait3A_463] : memref<5x80x144xf32, #tpu.memory_space<vmem>> -> memref<1x80x144xf32, #tpu.memory_space<vmem>>
        %dma_wait3A_465 = tpu.memref_squeeze %dma_wait3A_464 : memref<1x80x144xf32, #tpu.memory_space<vmem>> -> memref<80x144xf32, #tpu.memory_space<vmem>>
        %dma_wait3A_466 = arith.constant 0 : i32
        %dma_wait3A_467 = arith.constant 0 : i32
        %dma_wait3A_468 = tpu.memref_slice %arg6[%dma_wait3A_466, %dma_wait3A_467] : memref<320000x144xf32, #tpu.memory_space<hbm>> -> memref<80x144xf32, #tpu.memory_space<hbm>>
        %dma_wait3A_469 = tpu.memref_slice %arg14[%dma_wait3A_461] : memref<5x!tpu.dma_semaphore, #tpu.memory_space<semaphore_mem>> -> memref<1x!tpu.dma_semaphore, #tpu.memory_space<semaphore_mem>>
        %dma_wait3A_470 = tpu.memref_squeeze %dma_wait3A_469 : memref<1x!tpu.dma_semaphore, #tpu.memory_space<semaphore_mem>> -> memref<!tpu.dma_semaphore, #tpu.memory_space<semaphore_mem>>
        %dma_wait3A_471 = arith.constant 0 : i32
        %dma_wait3A_472 = arith.constant 0 : i32
        %dma_wait3A_473 = tpu.memref_slice %arg6[%dma_wait3A_471, %dma_wait3A_472] : memref<320000x144xf32, #tpu.memory_space<hbm>> -> memref<80x144xf32, #tpu.memory_space<hbm>>
        %dma_wait3A_474 = arith.constant 0 : i32
        %dma_wait3A_475 = arith.constant 0 : i32
        %dma_wait3A_476 = tpu.memref_slice %arg10[%dma_wait3A_460, %dma_wait3A_474, %dma_wait3A_475] : memref<5x80x144xf32, #tpu.memory_space<vmem>> -> memref<1x80x144xf32, #tpu.memory_space<vmem>>
        %dma_wait3A_477 = tpu.memref_squeeze %dma_wait3A_476 : memref<1x80x144xf32, #tpu.memory_space<vmem>> -> memref<80x144xf32, #tpu.memory_space<vmem>>
        tpu.wait_dma2 semaphore(%dma_wait3A_470 : memref<!tpu.dma_semaphore, #tpu.memory_space<semaphore_mem>>) src(%dma_wait3A_477 : memref<80x144xf32, #tpu.memory_space<vmem>>) dst(%dma_wait3A_473 : memref<80x144xf32, #tpu.memory_space<hbm>>)
        %dma_wait3A_478 = arith.constant 2 : i32
        %dma_wait3A_479 = arith.constant 2 : i32
        %dma_wait3A_480 = arith.constant 0 : i32
        %dma_wait3A_481 = arith.constant 0 : i32
        %dma_wait3A_482 = tpu.memref_slice %arg11[%dma_wait3A_478, %dma_wait3A_480, %dma_wait3A_481] : memref<5x80x128xf32, #tpu.memory_space<vmem>> -> memref<1x80x128xf32, #tpu.memory_space<vmem>>
        %dma_wait3A_483 = tpu.memref_squeeze %dma_wait3A_482 : memref<1x80x128xf32, #tpu.memory_space<vmem>> -> memref<80x128xf32, #tpu.memory_space<vmem>>
        %dma_wait3A_484 = arith.constant 0 : i32
        %dma_wait3A_485 = arith.constant 0 : i32
        %dma_wait3A_486 = tpu.memref_slice %arg7[%dma_wait3A_484, %dma_wait3A_485] : memref<320000x128xf32, #tpu.memory_space<hbm>> -> memref<80x128xf32, #tpu.memory_space<hbm>>
        %dma_wait3A_487 = tpu.memref_slice %arg15[%dma_wait3A_479] : memref<5x!tpu.dma_semaphore, #tpu.memory_space<semaphore_mem>> -> memref<1x!tpu.dma_semaphore, #tpu.memory_space<semaphore_mem>>
        %dma_wait3A_488 = tpu.memref_squeeze %dma_wait3A_487 : memref<1x!tpu.dma_semaphore, #tpu.memory_space<semaphore_mem>> -> memref<!tpu.dma_semaphore, #tpu.memory_space<semaphore_mem>>
        %dma_wait3A_489 = arith.constant 0 : i32
        %dma_wait3A_490 = arith.constant 0 : i32
        %dma_wait3A_491 = tpu.memref_slice %arg7[%dma_wait3A_489, %dma_wait3A_490] : memref<320000x128xf32, #tpu.memory_space<hbm>> -> memref<80x128xf32, #tpu.memory_space<hbm>>
        %dma_wait3A_492 = arith.constant 0 : i32
        %dma_wait3A_493 = arith.constant 0 : i32
        %dma_wait3A_494 = tpu.memref_slice %arg11[%dma_wait3A_478, %dma_wait3A_492, %dma_wait3A_493] : memref<5x80x128xf32, #tpu.memory_space<vmem>> -> memref<1x80x128xf32, #tpu.memory_space<vmem>>
        %dma_wait3A_495 = tpu.memref_squeeze %dma_wait3A_494 : memref<1x80x128xf32, #tpu.memory_space<vmem>> -> memref<80x128xf32, #tpu.memory_space<vmem>>
        tpu.wait_dma2 semaphore(%dma_wait3A_488 : memref<!tpu.dma_semaphore, #tpu.memory_space<semaphore_mem>>) src(%dma_wait3A_495 : memref<80x128xf32, #tpu.memory_space<vmem>>) dst(%dma_wait3A_491 : memref<80x128xf32, #tpu.memory_space<hbm>>)
      } else {
      }
      %dma_start3A_343 = arith.constant 2 : i32
      %dma_start3A_344 = arith.constant 2 : i32
      %dma_start3A_345 = arith.constant 0 : i32
      %dma_start3A_346 = arith.constant 0 : i32
      %dma_start3A_347 = tpu.memref_slice %arg10[%dma_start3A_343, %dma_start3A_345, %dma_start3A_346] : memref<5x80x144xf32, #tpu.memory_space<vmem>> -> memref<1x80x144xf32, #tpu.memory_space<vmem>>
      %dma_start3A_348 = tpu.memref_squeeze %dma_start3A_347 : memref<1x80x144xf32, #tpu.memory_space<vmem>> -> memref<80x144xf32, #tpu.memory_space<vmem>>
      %dma_start3A_349 = arith.constant 0 : i32
      %dma_start3A_350 = tpu.memref_slice %arg8[%add3A_337, %dma_start3A_349] : memref<125x80xi32, #tpu.memory_space<vmem>> -> memref<1x80xi32, #tpu.memory_space<vmem>>
      %dma_start3A_351 = tpu.memref_squeeze %dma_start3A_350 : memref<1x80xi32, #tpu.memory_space<vmem>> -> memref<80xi32, #tpu.memory_space<vmem>>
      %dma_start3A_352 = arith.constant 0 : i32
      %dma_start3A_353 = arith.constant 0 : i32
      %dma_start3A_354 = tpu.memref_slice %arg2[%dma_start3A_352, %dma_start3A_353] : memref<10000x144xf32, #tpu.memory_space<hbm>> -> memref<10000x144xf32, #tpu.memory_space<hbm>>
      %dma_start3A_355 = tpu.memref_slice %arg12[%dma_start3A_344] : memref<5x!tpu.dma_semaphore, #tpu.memory_space<semaphore_mem>> -> memref<1x!tpu.dma_semaphore, #tpu.memory_space<semaphore_mem>>
      %dma_start3A_356 = tpu.memref_squeeze %dma_start3A_355 : memref<1x!tpu.dma_semaphore, #tpu.memory_space<semaphore_mem>> -> memref<!tpu.dma_semaphore, #tpu.memory_space<semaphore_mem>>
      tpu.enqueue_indirect_dma source(%dma_start3A_354 : memref<10000x144xf32, #tpu.memory_space<hbm>>) target(%dma_start3A_348 : memref<80x144xf32, #tpu.memory_space<vmem>>) offsets(%dma_start3A_351 : memref<80xi32, #tpu.memory_space<vmem>>) semaphore(%dma_start3A_356 : memref<!tpu.dma_semaphore, #tpu.memory_space<semaphore_mem>>)
      %dma_start3A_357 = arith.constant 2 : i32
      %dma_start3A_358 = arith.constant 2 : i32
      %dma_start3A_359 = arith.constant 0 : i32
      %dma_start3A_360 = arith.constant 0 : i32
      %dma_start3A_361 = tpu.memref_slice %arg11[%dma_start3A_357, %dma_start3A_359, %dma_start3A_360] : memref<5x80x128xf32, #tpu.memory_space<vmem>> -> memref<1x80x128xf32, #tpu.memory_space<vmem>>
      %dma_start3A_362 = tpu.memref_squeeze %dma_start3A_361 : memref<1x80x128xf32, #tpu.memory_space<vmem>> -> memref<80x128xf32, #tpu.memory_space<vmem>>
      %dma_start3A_363 = arith.constant 0 : i32
      %dma_start3A_364 = tpu.memref_slice %arg9[%add3A_337, %dma_start3A_363] : memref<125x80xi32, #tpu.memory_space<vmem>> -> memref<1x80xi32, #tpu.memory_space<vmem>>
      %dma_start3A_365 = tpu.memref_squeeze %dma_start3A_364 : memref<1x80xi32, #tpu.memory_space<vmem>> -> memref<80xi32, #tpu.memory_space<vmem>>
      %dma_start3A_366 = arith.constant 0 : i32
      %dma_start3A_367 = arith.constant 0 : i32
      %dma_start3A_368 = tpu.memref_slice %arg3[%dma_start3A_366, %dma_start3A_367] : memref<10000x128xf32, #tpu.memory_space<hbm>> -> memref<10000x128xf32, #tpu.memory_space<hbm>>
      %dma_start3A_369 = tpu.memref_slice %arg13[%dma_start3A_358] : memref<5x!tpu.dma_semaphore, #tpu.memory_space<semaphore_mem>> -> memref<1x!tpu.dma_semaphore, #tpu.memory_space<semaphore_mem>>
      %dma_start3A_370 = tpu.memref_squeeze %dma_start3A_369 : memref<1x!tpu.dma_semaphore, #tpu.memory_space<semaphore_mem>> -> memref<!tpu.dma_semaphore, #tpu.memory_space<semaphore_mem>>
      tpu.enqueue_indirect_dma source(%dma_start3A_368 : memref<10000x128xf32, #tpu.memory_space<hbm>>) target(%dma_start3A_362 : memref<80x128xf32, #tpu.memory_space<vmem>>) offsets(%dma_start3A_365 : memref<80xi32, #tpu.memory_space<vmem>>) semaphore(%dma_start3A_370 : memref<!tpu.dma_semaphore, #tpu.memory_space<semaphore_mem>>)
      %ge3A_371 = arith.constant 1 : i32
      %ge3A_372 = arith.cmpi sge, %add3A_337, %ge3A_371 : i32
      %convert_element_type3A_373 = arith.extui %ge3A_372 : i1 to i32
      %cond3A_374 = arith.constant 0 : i32
      %cond3A_375 = arith.cmpi ne, %convert_element_type3A_373, %cond3A_374 : i32
      scf.if %cond3A_375 {
        %sub3A = arith.constant 1 : i32
        %sub3A_460 = arith.subi %add3A_337, %sub3A : i32
        %dma_wait3A_461 = arith.constant 1 : i32
        %dma_wait3A_462 = arith.constant 1 : i32
        %dma_wait3A_463 = arith.constant 0 : i32
        %dma_wait3A_464 = arith.constant 0 : i32
        %dma_wait3A_465 = tpu.memref_slice %arg10[%dma_wait3A_461, %dma_wait3A_463, %dma_wait3A_464] : memref<5x80x144xf32, #tpu.memory_space<vmem>> -> memref<1x80x144xf32, #tpu.memory_space<vmem>>
        %dma_wait3A_466 = tpu.memref_squeeze %dma_wait3A_465 : memref<1x80x144xf32, #tpu.memory_space<vmem>> -> memref<80x144xf32, #tpu.memory_space<vmem>>
        %dma_wait3A_467 = arith.constant 0 : i32
        %dma_wait3A_468 = tpu.memref_slice %arg8[%sub3A_460, %dma_wait3A_467] : memref<125x80xi32, #tpu.memory_space<vmem>> -> memref<1x80xi32, #tpu.memory_space<vmem>>
        %dma_wait3A_469 = tpu.memref_squeeze %dma_wait3A_468 : memref<1x80xi32, #tpu.memory_space<vmem>> -> memref<80xi32, #tpu.memory_space<vmem>>
        %dma_wait3A_470 = arith.constant 0 : i32
        %dma_wait3A_471 = arith.constant 0 : i32
        %dma_wait3A_472 = tpu.memref_slice %arg2[%dma_wait3A_470, %dma_wait3A_471] : memref<10000x144xf32, #tpu.memory_space<hbm>> -> memref<10000x144xf32, #tpu.memory_space<hbm>>
        %dma_wait3A_473 = tpu.memref_slice %arg12[%dma_wait3A_462] : memref<5x!tpu.dma_semaphore, #tpu.memory_space<semaphore_mem>> -> memref<1x!tpu.dma_semaphore, #tpu.memory_space<semaphore_mem>>
        %dma_wait3A_474 = tpu.memref_squeeze %dma_wait3A_473 : memref<1x!tpu.dma_semaphore, #tpu.memory_space<semaphore_mem>> -> memref<!tpu.dma_semaphore, #tpu.memory_space<semaphore_mem>>
        tpu.wait_indirect_dma semaphore(%dma_wait3A_474 : memref<!tpu.dma_semaphore, #tpu.memory_space<semaphore_mem>>) src(%dma_wait3A_472 : memref<10000x144xf32, #tpu.memory_space<hbm>>) dst(%dma_wait3A_466 : memref<80x144xf32, #tpu.memory_space<vmem>>)
        %dma_wait3A_475 = arith.constant 1 : i32
        %dma_wait3A_476 = arith.constant 1 : i32
        %dma_wait3A_477 = arith.constant 0 : i32
        %dma_wait3A_478 = arith.constant 0 : i32
        %dma_wait3A_479 = tpu.memref_slice %arg11[%dma_wait3A_475, %dma_wait3A_477, %dma_wait3A_478] : memref<5x80x128xf32, #tpu.memory_space<vmem>> -> memref<1x80x128xf32, #tpu.memory_space<vmem>>
        %dma_wait3A_480 = tpu.memref_squeeze %dma_wait3A_479 : memref<1x80x128xf32, #tpu.memory_space<vmem>> -> memref<80x128xf32, #tpu.memory_space<vmem>>
        %dma_wait3A_481 = arith.constant 0 : i32
        %dma_wait3A_482 = tpu.memref_slice %arg9[%sub3A_460, %dma_wait3A_481] : memref<125x80xi32, #tpu.memory_space<vmem>> -> memref<1x80xi32, #tpu.memory_space<vmem>>
        %dma_wait3A_483 = tpu.memref_squeeze %dma_wait3A_482 : memref<1x80xi32, #tpu.memory_space<vmem>> -> memref<80xi32, #tpu.memory_space<vmem>>
        %dma_wait3A_484 = arith.constant 0 : i32
        %dma_wait3A_485 = arith.constant 0 : i32
        %dma_wait3A_486 = tpu.memref_slice %arg3[%dma_wait3A_484, %dma_wait3A_485] : memref<10000x128xf32, #tpu.memory_space<hbm>> -> memref<10000x128xf32, #tpu.memory_space<hbm>>
        %dma_wait3A_487 = tpu.memref_slice %arg13[%dma_wait3A_476] : memref<5x!tpu.dma_semaphore, #tpu.memory_space<semaphore_mem>> -> memref<1x!tpu.dma_semaphore, #tpu.memory_space<semaphore_mem>>
        %dma_wait3A_488 = tpu.memref_squeeze %dma_wait3A_487 : memref<1x!tpu.dma_semaphore, #tpu.memory_space<semaphore_mem>> -> memref<!tpu.dma_semaphore, #tpu.memory_space<semaphore_mem>>
        tpu.wait_indirect_dma semaphore(%dma_wait3A_488 : memref<!tpu.dma_semaphore, #tpu.memory_space<semaphore_mem>>) src(%dma_wait3A_486 : memref<10000x128xf32, #tpu.memory_space<hbm>>) dst(%dma_wait3A_480 : memref<80x128xf32, #tpu.memory_space<vmem>>)
        %mul3A_489 = arith.constant 125 : i32
        %mul3A_490 = arith.muli %add3A, %mul3A_489 : i32
        %add3A_491 = arith.addi %mul3A_490, %sub3A_460 : i32
        %mul3A_492 = arith.constant 80 : i32
        %mul3A_493 = arith.muli %add3A_491, %mul3A_492 : i32
        %dma_start3A_494 = arith.constant 1 : i32
        %dma_start3A_495 = arith.constant 1 : i32
        %dma_start3A_496 = arith.constant 0 : i32
        %dma_start3A_497 = arith.constant 0 : i32
        %dma_start3A_498 = tpu.memref_slice %arg10[%dma_start3A_494, %dma_start3A_496, %dma_start3A_497] : memref<5x80x144xf32, #tpu.memory_space<vmem>> -> memref<1x80x144xf32, #tpu.memory_space<vmem>>
        %dma_start3A_499 = tpu.memref_squeeze %dma_start3A_498 : memref<1x80x144xf32, #tpu.memory_space<vmem>> -> memref<80x144xf32, #tpu.memory_space<vmem>>
        %dma_start3A_500 = arith.constant 0 : i32
        %dma_start3A_501 = tpu.memref_slice %arg6[%mul3A_493, %dma_start3A_500] : memref<320000x144xf32, #tpu.memory_space<hbm>> -> memref<80x144xf32, #tpu.memory_space<hbm>>
        %dma_start3A_502 = tpu.memref_slice %arg14[%dma_start3A_495] : memref<5x!tpu.dma_semaphore, #tpu.memory_space<semaphore_mem>> -> memref<1x!tpu.dma_semaphore, #tpu.memory_space<semaphore_mem>>
        %dma_start3A_503 = tpu.memref_squeeze %dma_start3A_502 : memref<1x!tpu.dma_semaphore, #tpu.memory_space<semaphore_mem>> -> memref<!tpu.dma_semaphore, #tpu.memory_space<semaphore_mem>>
        %dma_start3A_504 = arith.constant 0 : i32
        %dma_start3A_505 = tpu.memref_slice %arg6[%mul3A_493, %dma_start3A_504] : memref<320000x144xf32, #tpu.memory_space<hbm>> -> memref<80x144xf32, #tpu.memory_space<hbm>>
        %dma_start3A_506 = arith.constant 0 : i32
        %dma_start3A_507 = arith.constant 0 : i32
        %dma_start3A_508 = tpu.memref_slice %arg10[%dma_start3A_494, %dma_start3A_506, %dma_start3A_507] : memref<5x80x144xf32, #tpu.memory_space<vmem>> -> memref<1x80x144xf32, #tpu.memory_space<vmem>>
        %dma_start3A_509 = tpu.memref_squeeze %dma_start3A_508 : memref<1x80x144xf32, #tpu.memory_space<vmem>> -> memref<80x144xf32, #tpu.memory_space<vmem>>
        tpu.enqueue_dma source(%dma_start3A_509 : memref<80x144xf32, #tpu.memory_space<vmem>>) target(%dma_start3A_505 : memref<80x144xf32, #tpu.memory_space<hbm>>) target_semaphore(%dma_start3A_503 : memref<!tpu.dma_semaphore, #tpu.memory_space<semaphore_mem>>)
        %dma_start3A_510 = arith.constant 1 : i32
        %dma_start3A_511 = arith.constant 1 : i32
        %dma_start3A_512 = arith.constant 0 : i32
        %dma_start3A_513 = arith.constant 0 : i32
        %dma_start3A_514 = tpu.memref_slice %arg11[%dma_start3A_510, %dma_start3A_512, %dma_start3A_513] : memref<5x80x128xf32, #tpu.memory_space<vmem>> -> memref<1x80x128xf32, #tpu.memory_space<vmem>>
        %dma_start3A_515 = tpu.memref_squeeze %dma_start3A_514 : memref<1x80x128xf32, #tpu.memory_space<vmem>> -> memref<80x128xf32, #tpu.memory_space<vmem>>
        %dma_start3A_516 = arith.constant 0 : i32
        %dma_start3A_517 = tpu.memref_slice %arg7[%mul3A_493, %dma_start3A_516] : memref<320000x128xf32, #tpu.memory_space<hbm>> -> memref<80x128xf32, #tpu.memory_space<hbm>>
        %dma_start3A_518 = tpu.memref_slice %arg15[%dma_start3A_511] : memref<5x!tpu.dma_semaphore, #tpu.memory_space<semaphore_mem>> -> memref<1x!tpu.dma_semaphore, #tpu.memory_space<semaphore_mem>>
        %dma_start3A_519 = tpu.memref_squeeze %dma_start3A_518 : memref<1x!tpu.dma_semaphore, #tpu.memory_space<semaphore_mem>> -> memref<!tpu.dma_semaphore, #tpu.memory_space<semaphore_mem>>
        %dma_start3A_520 = arith.constant 0 : i32
        %dma_start3A_521 = tpu.memref_slice %arg7[%mul3A_493, %dma_start3A_520] : memref<320000x128xf32, #tpu.memory_space<hbm>> -> memref<80x128xf32, #tpu.memory_space<hbm>>
        %dma_start3A_522 = arith.constant 0 : i32
        %dma_start3A_523 = arith.constant 0 : i32
        %dma_start3A_524 = tpu.memref_slice %arg11[%dma_start3A_510, %dma_start3A_522, %dma_start3A_523] : memref<5x80x128xf32, #tpu.memory_space<vmem>> -> memref<1x80x128xf32, #tpu.memory_space<vmem>>
        %dma_start3A_525 = tpu.memref_squeeze %dma_start3A_524 : memref<1x80x128xf32, #tpu.memory_space<vmem>> -> memref<80x128xf32, #tpu.memory_space<vmem>>
        tpu.enqueue_dma source(%dma_start3A_525 : memref<80x128xf32, #tpu.memory_space<vmem>>) target(%dma_start3A_521 : memref<80x128xf32, #tpu.memory_space<hbm>>) target_semaphore(%dma_start3A_519 : memref<!tpu.dma_semaphore, #tpu.memory_space<semaphore_mem>>)
      } else {
      }
      %mul3A_376 = arith.constant 5 : i32
      %mul3A_377 = arith.muli %scan3A_252, %mul3A_376 : i32
      %add3A_378 = arith.constant 3 : i32
      %add3A_379 = arith.addi %mul3A_377, %add3A_378 : i32
      %ge3A_380 = arith.constant 5 : i32
      %ge3A_381 = arith.cmpi sge, %add3A_379, %ge3A_380 : i32
      %convert_element_type3A_382 = arith.extui %ge3A_381 : i1 to i32
      %cond3A_383 = arith.constant 0 : i32
      %cond3A_384 = arith.cmpi ne, %convert_element_type3A_382, %cond3A_383 : i32
      scf.if %cond3A_384 {
        %dma_wait3A_460 = arith.constant 3 : i32
        %dma_wait3A_461 = arith.constant 3 : i32
        %dma_wait3A_462 = arith.constant 0 : i32
        %dma_wait3A_463 = arith.constant 0 : i32
        %dma_wait3A_464 = tpu.memref_slice %arg10[%dma_wait3A_460, %dma_wait3A_462, %dma_wait3A_463] : memref<5x80x144xf32, #tpu.memory_space<vmem>> -> memref<1x80x144xf32, #tpu.memory_space<vmem>>
        %dma_wait3A_465 = tpu.memref_squeeze %dma_wait3A_464 : memref<1x80x144xf32, #tpu.memory_space<vmem>> -> memref<80x144xf32, #tpu.memory_space<vmem>>
        %dma_wait3A_466 = arith.constant 0 : i32
        %dma_wait3A_467 = arith.constant 0 : i32
        %dma_wait3A_468 = tpu.memref_slice %arg6[%dma_wait3A_466, %dma_wait3A_467] : memref<320000x144xf32, #tpu.memory_space<hbm>> -> memref<80x144xf32, #tpu.memory_space<hbm>>
        %dma_wait3A_469 = tpu.memref_slice %arg14[%dma_wait3A_461] : memref<5x!tpu.dma_semaphore, #tpu.memory_space<semaphore_mem>> -> memref<1x!tpu.dma_semaphore, #tpu.memory_space<semaphore_mem>>
        %dma_wait3A_470 = tpu.memref_squeeze %dma_wait3A_469 : memref<1x!tpu.dma_semaphore, #tpu.memory_space<semaphore_mem>> -> memref<!tpu.dma_semaphore, #tpu.memory_space<semaphore_mem>>
        %dma_wait3A_471 = arith.constant 0 : i32
        %dma_wait3A_472 = arith.constant 0 : i32
        %dma_wait3A_473 = tpu.memref_slice %arg6[%dma_wait3A_471, %dma_wait3A_472] : memref<320000x144xf32, #tpu.memory_space<hbm>> -> memref<80x144xf32, #tpu.memory_space<hbm>>
        %dma_wait3A_474 = arith.constant 0 : i32
        %dma_wait3A_475 = arith.constant 0 : i32
        %dma_wait3A_476 = tpu.memref_slice %arg10[%dma_wait3A_460, %dma_wait3A_474, %dma_wait3A_475] : memref<5x80x144xf32, #tpu.memory_space<vmem>> -> memref<1x80x144xf32, #tpu.memory_space<vmem>>
        %dma_wait3A_477 = tpu.memref_squeeze %dma_wait3A_476 : memref<1x80x144xf32, #tpu.memory_space<vmem>> -> memref<80x144xf32, #tpu.memory_space<vmem>>
        tpu.wait_dma2 semaphore(%dma_wait3A_470 : memref<!tpu.dma_semaphore, #tpu.memory_space<semaphore_mem>>) src(%dma_wait3A_477 : memref<80x144xf32, #tpu.memory_space<vmem>>) dst(%dma_wait3A_473 : memref<80x144xf32, #tpu.memory_space<hbm>>)
        %dma_wait3A_478 = arith.constant 3 : i32
        %dma_wait3A_479 = arith.constant 3 : i32
        %dma_wait3A_480 = arith.constant 0 : i32
        %dma_wait3A_481 = arith.constant 0 : i32
        %dma_wait3A_482 = tpu.memref_slice %arg11[%dma_wait3A_478, %dma_wait3A_480, %dma_wait3A_481] : memref<5x80x128xf32, #tpu.memory_space<vmem>> -> memref<1x80x128xf32, #tpu.memory_space<vmem>>
        %dma_wait3A_483 = tpu.memref_squeeze %dma_wait3A_482 : memref<1x80x128xf32, #tpu.memory_space<vmem>> -> memref<80x128xf32, #tpu.memory_space<vmem>>
        %dma_wait3A_484 = arith.constant 0 : i32
        %dma_wait3A_485 = arith.constant 0 : i32
        %dma_wait3A_486 = tpu.memref_slice %arg7[%dma_wait3A_484, %dma_wait3A_485] : memref<320000x128xf32, #tpu.memory_space<hbm>> -> memref<80x128xf32, #tpu.memory_space<hbm>>
        %dma_wait3A_487 = tpu.memref_slice %arg15[%dma_wait3A_479] : memref<5x!tpu.dma_semaphore, #tpu.memory_space<semaphore_mem>> -> memref<1x!tpu.dma_semaphore, #tpu.memory_space<semaphore_mem>>
        %dma_wait3A_488 = tpu.memref_squeeze %dma_wait3A_487 : memref<1x!tpu.dma_semaphore, #tpu.memory_space<semaphore_mem>> -> memref<!tpu.dma_semaphore, #tpu.memory_space<semaphore_mem>>
        %dma_wait3A_489 = arith.constant 0 : i32
        %dma_wait3A_490 = arith.constant 0 : i32
        %dma_wait3A_491 = tpu.memref_slice %arg7[%dma_wait3A_489, %dma_wait3A_490] : memref<320000x128xf32, #tpu.memory_space<hbm>> -> memref<80x128xf32, #tpu.memory_space<hbm>>
        %dma_wait3A_492 = arith.constant 0 : i32
        %dma_wait3A_493 = arith.constant 0 : i32
        %dma_wait3A_494 = tpu.memref_slice %arg11[%dma_wait3A_478, %dma_wait3A_492, %dma_wait3A_493] : memref<5x80x128xf32, #tpu.memory_space<vmem>> -> memref<1x80x128xf32, #tpu.memory_space<vmem>>
        %dma_wait3A_495 = tpu.memref_squeeze %dma_wait3A_494 : memref<1x80x128xf32, #tpu.memory_space<vmem>> -> memref<80x128xf32, #tpu.memory_space<vmem>>
        tpu.wait_dma2 semaphore(%dma_wait3A_488 : memref<!tpu.dma_semaphore, #tpu.memory_space<semaphore_mem>>) src(%dma_wait3A_495 : memref<80x128xf32, #tpu.memory_space<vmem>>) dst(%dma_wait3A_491 : memref<80x128xf32, #tpu.memory_space<hbm>>)
      } else {
      }
      %dma_start3A_385 = arith.constant 3 : i32
      %dma_start3A_386 = arith.constant 3 : i32
      %dma_start3A_387 = arith.constant 0 : i32
      %dma_start3A_388 = arith.constant 0 : i32
      %dma_start3A_389 = tpu.memref_slice %arg10[%dma_start3A_385, %dma_start3A_387, %dma_start3A_388] : memref<5x80x144xf32, #tpu.memory_space<vmem>> -> memref<1x80x144xf32, #tpu.memory_space<vmem>>
      %dma_start3A_390 = tpu.memref_squeeze %dma_start3A_389 : memref<1x80x144xf32, #tpu.memory_space<vmem>> -> memref<80x144xf32, #tpu.memory_space<vmem>>
      %dma_start3A_391 = arith.constant 0 : i32
      %dma_start3A_392 = tpu.memref_slice %arg8[%add3A_379, %dma_start3A_391] : memref<125x80xi32, #tpu.memory_space<vmem>> -> memref<1x80xi32, #tpu.memory_space<vmem>>
      %dma_start3A_393 = tpu.memref_squeeze %dma_start3A_392 : memref<1x80xi32, #tpu.memory_space<vmem>> -> memref<80xi32, #tpu.memory_space<vmem>>
      %dma_start3A_394 = arith.constant 0 : i32
      %dma_start3A_395 = arith.constant 0 : i32
      %dma_start3A_396 = tpu.memref_slice %arg2[%dma_start3A_394, %dma_start3A_395] : memref<10000x144xf32, #tpu.memory_space<hbm>> -> memref<10000x144xf32, #tpu.memory_space<hbm>>
      %dma_start3A_397 = tpu.memref_slice %arg12[%dma_start3A_386] : memref<5x!tpu.dma_semaphore, #tpu.memory_space<semaphore_mem>> -> memref<1x!tpu.dma_semaphore, #tpu.memory_space<semaphore_mem>>
      %dma_start3A_398 = tpu.memref_squeeze %dma_start3A_397 : memref<1x!tpu.dma_semaphore, #tpu.memory_space<semaphore_mem>> -> memref<!tpu.dma_semaphore, #tpu.memory_space<semaphore_mem>>
      tpu.enqueue_indirect_dma source(%dma_start3A_396 : memref<10000x144xf32, #tpu.memory_space<hbm>>) target(%dma_start3A_390 : memref<80x144xf32, #tpu.memory_space<vmem>>) offsets(%dma_start3A_393 : memref<80xi32, #tpu.memory_space<vmem>>) semaphore(%dma_start3A_398 : memref<!tpu.dma_semaphore, #tpu.memory_space<semaphore_mem>>)
      %dma_start3A_399 = arith.constant 3 : i32
      %dma_start3A_400 = arith.constant 3 : i32
      %dma_start3A_401 = arith.constant 0 : i32
      %dma_start3A_402 = arith.constant 0 : i32
      %dma_start3A_403 = tpu.memref_slice %arg11[%dma_start3A_399, %dma_start3A_401, %dma_start3A_402] : memref<5x80x128xf32, #tpu.memory_space<vmem>> -> memref<1x80x128xf32, #tpu.memory_space<vmem>>
      %dma_start3A_404 = tpu.memref_squeeze %dma_start3A_403 : memref<1x80x128xf32, #tpu.memory_space<vmem>> -> memref<80x128xf32, #tpu.memory_space<vmem>>
      %dma_start3A_405 = arith.constant 0 : i32
      %dma_start3A_406 = tpu.memref_slice %arg9[%add3A_379, %dma_start3A_405] : memref<125x80xi32, #tpu.memory_space<vmem>> -> memref<1x80xi32, #tpu.memory_space<vmem>>
      %dma_start3A_407 = tpu.memref_squeeze %dma_start3A_406 : memref<1x80xi32, #tpu.memory_space<vmem>> -> memref<80xi32, #tpu.memory_space<vmem>>
      %dma_start3A_408 = arith.constant 0 : i32
      %dma_start3A_409 = arith.constant 0 : i32
      %dma_start3A_410 = tpu.memref_slice %arg3[%dma_start3A_408, %dma_start3A_409] : memref<10000x128xf32, #tpu.memory_space<hbm>> -> memref<10000x128xf32, #tpu.memory_space<hbm>>
      %dma_start3A_411 = tpu.memref_slice %arg13[%dma_start3A_400] : memref<5x!tpu.dma_semaphore, #tpu.memory_space<semaphore_mem>> -> memref<1x!tpu.dma_semaphore, #tpu.memory_space<semaphore_mem>>
      %dma_start3A_412 = tpu.memref_squeeze %dma_start3A_411 : memref<1x!tpu.dma_semaphore, #tpu.memory_space<semaphore_mem>> -> memref<!tpu.dma_semaphore, #tpu.memory_space<semaphore_mem>>
      tpu.enqueue_indirect_dma source(%dma_start3A_410 : memref<10000x128xf32, #tpu.memory_space<hbm>>) target(%dma_start3A_404 : memref<80x128xf32, #tpu.memory_space<vmem>>) offsets(%dma_start3A_407 : memref<80xi32, #tpu.memory_space<vmem>>) semaphore(%dma_start3A_412 : memref<!tpu.dma_semaphore, #tpu.memory_space<semaphore_mem>>)
      %ge3A_413 = arith.constant 1 : i32
      %ge3A_414 = arith.cmpi sge, %add3A_379, %ge3A_413 : i32
      %convert_element_type3A_415 = arith.extui %ge3A_414 : i1 to i32
      %cond3A_416 = arith.constant 0 : i32
      %cond3A_417 = arith.cmpi ne, %convert_element_type3A_415, %cond3A_416 : i32
      scf.if %cond3A_417 {
        %sub3A = arith.constant 1 : i32
        %sub3A_460 = arith.subi %add3A_379, %sub3A : i32
        %dma_wait3A_461 = arith.constant 2 : i32
        %dma_wait3A_462 = arith.constant 2 : i32
        %dma_wait3A_463 = arith.constant 0 : i32
        %dma_wait3A_464 = arith.constant 0 : i32
        %dma_wait3A_465 = tpu.memref_slice %arg10[%dma_wait3A_461, %dma_wait3A_463, %dma_wait3A_464] : memref<5x80x144xf32, #tpu.memory_space<vmem>> -> memref<1x80x144xf32, #tpu.memory_space<vmem>>
        %dma_wait3A_466 = tpu.memref_squeeze %dma_wait3A_465 : memref<1x80x144xf32, #tpu.memory_space<vmem>> -> memref<80x144xf32, #tpu.memory_space<vmem>>
        %dma_wait3A_467 = arith.constant 0 : i32
        %dma_wait3A_468 = tpu.memref_slice %arg8[%sub3A_460, %dma_wait3A_467] : memref<125x80xi32, #tpu.memory_space<vmem>> -> memref<1x80xi32, #tpu.memory_space<vmem>>
        %dma_wait3A_469 = tpu.memref_squeeze %dma_wait3A_468 : memref<1x80xi32, #tpu.memory_space<vmem>> -> memref<80xi32, #tpu.memory_space<vmem>>
        %dma_wait3A_470 = arith.constant 0 : i32
        %dma_wait3A_471 = arith.constant 0 : i32
        %dma_wait3A_472 = tpu.memref_slice %arg2[%dma_wait3A_470, %dma_wait3A_471] : memref<10000x144xf32, #tpu.memory_space<hbm>> -> memref<10000x144xf32, #tpu.memory_space<hbm>>
        %dma_wait3A_473 = tpu.memref_slice %arg12[%dma_wait3A_462] : memref<5x!tpu.dma_semaphore, #tpu.memory_space<semaphore_mem>> -> memref<1x!tpu.dma_semaphore, #tpu.memory_space<semaphore_mem>>
        %dma_wait3A_474 = tpu.memref_squeeze %dma_wait3A_473 : memref<1x!tpu.dma_semaphore, #tpu.memory_space<semaphore_mem>> -> memref<!tpu.dma_semaphore, #tpu.memory_space<semaphore_mem>>
        tpu.wait_indirect_dma semaphore(%dma_wait3A_474 : memref<!tpu.dma_semaphore, #tpu.memory_space<semaphore_mem>>) src(%dma_wait3A_472 : memref<10000x144xf32, #tpu.memory_space<hbm>>) dst(%dma_wait3A_466 : memref<80x144xf32, #tpu.memory_space<vmem>>)
        %dma_wait3A_475 = arith.constant 2 : i32
        %dma_wait3A_476 = arith.constant 2 : i32
        %dma_wait3A_477 = arith.constant 0 : i32
        %dma_wait3A_478 = arith.constant 0 : i32
        %dma_wait3A_479 = tpu.memref_slice %arg11[%dma_wait3A_475, %dma_wait3A_477, %dma_wait3A_478] : memref<5x80x128xf32, #tpu.memory_space<vmem>> -> memref<1x80x128xf32, #tpu.memory_space<vmem>>
        %dma_wait3A_480 = tpu.memref_squeeze %dma_wait3A_479 : memref<1x80x128xf32, #tpu.memory_space<vmem>> -> memref<80x128xf32, #tpu.memory_space<vmem>>
        %dma_wait3A_481 = arith.constant 0 : i32
        %dma_wait3A_482 = tpu.memref_slice %arg9[%sub3A_460, %dma_wait3A_481] : memref<125x80xi32, #tpu.memory_space<vmem>> -> memref<1x80xi32, #tpu.memory_space<vmem>>
        %dma_wait3A_483 = tpu.memref_squeeze %dma_wait3A_482 : memref<1x80xi32, #tpu.memory_space<vmem>> -> memref<80xi32, #tpu.memory_space<vmem>>
        %dma_wait3A_484 = arith.constant 0 : i32
        %dma_wait3A_485 = arith.constant 0 : i32
        %dma_wait3A_486 = tpu.memref_slice %arg3[%dma_wait3A_484, %dma_wait3A_485] : memref<10000x128xf32, #tpu.memory_space<hbm>> -> memref<10000x128xf32, #tpu.memory_space<hbm>>
        %dma_wait3A_487 = tpu.memref_slice %arg13[%dma_wait3A_476] : memref<5x!tpu.dma_semaphore, #tpu.memory_space<semaphore_mem>> -> memref<1x!tpu.dma_semaphore, #tpu.memory_space<semaphore_mem>>
        %dma_wait3A_488 = tpu.memref_squeeze %dma_wait3A_487 : memref<1x!tpu.dma_semaphore, #tpu.memory_space<semaphore_mem>> -> memref<!tpu.dma_semaphore, #tpu.memory_space<semaphore_mem>>
        tpu.wait_indirect_dma semaphore(%dma_wait3A_488 : memref<!tpu.dma_semaphore, #tpu.memory_space<semaphore_mem>>) src(%dma_wait3A_486 : memref<10000x128xf32, #tpu.memory_space<hbm>>) dst(%dma_wait3A_480 : memref<80x128xf32, #tpu.memory_space<vmem>>)
        %mul3A_489 = arith.constant 125 : i32
        %mul3A_490 = arith.muli %add3A, %mul3A_489 : i32
        %add3A_491 = arith.addi %mul3A_490, %sub3A_460 : i32
        %mul3A_492 = arith.constant 80 : i32
        %mul3A_493 = arith.muli %add3A_491, %mul3A_492 : i32
        %dma_start3A_494 = arith.constant 2 : i32
        %dma_start3A_495 = arith.constant 2 : i32
        %dma_start3A_496 = arith.constant 0 : i32
        %dma_start3A_497 = arith.constant 0 : i32
        %dma_start3A_498 = tpu.memref_slice %arg10[%dma_start3A_494, %dma_start3A_496, %dma_start3A_497] : memref<5x80x144xf32, #tpu.memory_space<vmem>> -> memref<1x80x144xf32, #tpu.memory_space<vmem>>
        %dma_start3A_499 = tpu.memref_squeeze %dma_start3A_498 : memref<1x80x144xf32, #tpu.memory_space<vmem>> -> memref<80x144xf32, #tpu.memory_space<vmem>>
        %dma_start3A_500 = arith.constant 0 : i32
        %dma_start3A_501 = tpu.memref_slice %arg6[%mul3A_493, %dma_start3A_500] : memref<320000x144xf32, #tpu.memory_space<hbm>> -> memref<80x144xf32, #tpu.memory_space<hbm>>
        %dma_start3A_502 = tpu.memref_slice %arg14[%dma_start3A_495] : memref<5x!tpu.dma_semaphore, #tpu.memory_space<semaphore_mem>> -> memref<1x!tpu.dma_semaphore, #tpu.memory_space<semaphore_mem>>
        %dma_start3A_503 = tpu.memref_squeeze %dma_start3A_502 : memref<1x!tpu.dma_semaphore, #tpu.memory_space<semaphore_mem>> -> memref<!tpu.dma_semaphore, #tpu.memory_space<semaphore_mem>>
        %dma_start3A_504 = arith.constant 0 : i32
        %dma_start3A_505 = tpu.memref_slice %arg6[%mul3A_493, %dma_start3A_504] : memref<320000x144xf32, #tpu.memory_space<hbm>> -> memref<80x144xf32, #tpu.memory_space<hbm>>
        %dma_start3A_506 = arith.constant 0 : i32
        %dma_start3A_507 = arith.constant 0 : i32
        %dma_start3A_508 = tpu.memref_slice %arg10[%dma_start3A_494, %dma_start3A_506, %dma_start3A_507] : memref<5x80x144xf32, #tpu.memory_space<vmem>> -> memref<1x80x144xf32, #tpu.memory_space<vmem>>
        %dma_start3A_509 = tpu.memref_squeeze %dma_start3A_508 : memref<1x80x144xf32, #tpu.memory_space<vmem>> -> memref<80x144xf32, #tpu.memory_space<vmem>>
        tpu.enqueue_dma source(%dma_start3A_509 : memref<80x144xf32, #tpu.memory_space<vmem>>) target(%dma_start3A_505 : memref<80x144xf32, #tpu.memory_space<hbm>>) target_semaphore(%dma_start3A_503 : memref<!tpu.dma_semaphore, #tpu.memory_space<semaphore_mem>>)
        %dma_start3A_510 = arith.constant 2 : i32
        %dma_start3A_511 = arith.constant 2 : i32
        %dma_start3A_512 = arith.constant 0 : i32
        %dma_start3A_513 = arith.constant 0 : i32
        %dma_start3A_514 = tpu.memref_slice %arg11[%dma_start3A_510, %dma_start3A_512, %dma_start3A_513] : memref<5x80x128xf32, #tpu.memory_space<vmem>> -> memref<1x80x128xf32, #tpu.memory_space<vmem>>
        %dma_start3A_515 = tpu.memref_squeeze %dma_start3A_514 : memref<1x80x128xf32, #tpu.memory_space<vmem>> -> memref<80x128xf32, #tpu.memory_space<vmem>>
        %dma_start3A_516 = arith.constant 0 : i32
        %dma_start3A_517 = tpu.memref_slice %arg7[%mul3A_493, %dma_start3A_516] : memref<320000x128xf32, #tpu.memory_space<hbm>> -> memref<80x128xf32, #tpu.memory_space<hbm>>
        %dma_start3A_518 = tpu.memref_slice %arg15[%dma_start3A_511] : memref<5x!tpu.dma_semaphore, #tpu.memory_space<semaphore_mem>> -> memref<1x!tpu.dma_semaphore, #tpu.memory_space<semaphore_mem>>
        %dma_start3A_519 = tpu.memref_squeeze %dma_start3A_518 : memref<1x!tpu.dma_semaphore, #tpu.memory_space<semaphore_mem>> -> memref<!tpu.dma_semaphore, #tpu.memory_space<semaphore_mem>>
        %dma_start3A_520 = arith.constant 0 : i32
        %dma_start3A_521 = tpu.memref_slice %arg7[%mul3A_493, %dma_start3A_520] : memref<320000x128xf32, #tpu.memory_space<hbm>> -> memref<80x128xf32, #tpu.memory_space<hbm>>
        %dma_start3A_522 = arith.constant 0 : i32
        %dma_start3A_523 = arith.constant 0 : i32
        %dma_start3A_524 = tpu.memref_slice %arg11[%dma_start3A_510, %dma_start3A_522, %dma_start3A_523] : memref<5x80x128xf32, #tpu.memory_space<vmem>> -> memref<1x80x128xf32, #tpu.memory_space<vmem>>
        %dma_start3A_525 = tpu.memref_squeeze %dma_start3A_524 : memref<1x80x128xf32, #tpu.memory_space<vmem>> -> memref<80x128xf32, #tpu.memory_space<vmem>>
        tpu.enqueue_dma source(%dma_start3A_525 : memref<80x128xf32, #tpu.memory_space<vmem>>) target(%dma_start3A_521 : memref<80x128xf32, #tpu.memory_space<hbm>>) target_semaphore(%dma_start3A_519 : memref<!tpu.dma_semaphore, #tpu.memory_space<semaphore_mem>>)
      } else {
      }
      %mul3A_418 = arith.constant 5 : i32
      %mul3A_419 = arith.muli %scan3A_252, %mul3A_418 : i32
      %add3A_420 = arith.constant 4 : i32
      %add3A_421 = arith.addi %mul3A_419, %add3A_420 : i32
      %ge3A_422 = arith.constant 5 : i32
      %ge3A_423 = arith.cmpi sge, %add3A_421, %ge3A_422 : i32
      %convert_element_type3A_424 = arith.extui %ge3A_423 : i1 to i32
      %cond3A_425 = arith.constant 0 : i32
      %cond3A_426 = arith.cmpi ne, %convert_element_type3A_424, %cond3A_425 : i32
      scf.if %cond3A_426 {
        %dma_wait3A_460 = arith.constant 4 : i32
        %dma_wait3A_461 = arith.constant 4 : i32
        %dma_wait3A_462 = arith.constant 0 : i32
        %dma_wait3A_463 = arith.constant 0 : i32
        %dma_wait3A_464 = tpu.memref_slice %arg10[%dma_wait3A_460, %dma_wait3A_462, %dma_wait3A_463] : memref<5x80x144xf32, #tpu.memory_space<vmem>> -> memref<1x80x144xf32, #tpu.memory_space<vmem>>
        %dma_wait3A_465 = tpu.memref_squeeze %dma_wait3A_464 : memref<1x80x144xf32, #tpu.memory_space<vmem>> -> memref<80x144xf32, #tpu.memory_space<vmem>>
        %dma_wait3A_466 = arith.constant 0 : i32
        %dma_wait3A_467 = arith.constant 0 : i32
        %dma_wait3A_468 = tpu.memref_slice %arg6[%dma_wait3A_466, %dma_wait3A_467] : memref<320000x144xf32, #tpu.memory_space<hbm>> -> memref<80x144xf32, #tpu.memory_space<hbm>>
        %dma_wait3A_469 = tpu.memref_slice %arg14[%dma_wait3A_461] : memref<5x!tpu.dma_semaphore, #tpu.memory_space<semaphore_mem>> -> memref<1x!tpu.dma_semaphore, #tpu.memory_space<semaphore_mem>>
        %dma_wait3A_470 = tpu.memref_squeeze %dma_wait3A_469 : memref<1x!tpu.dma_semaphore, #tpu.memory_space<semaphore_mem>> -> memref<!tpu.dma_semaphore, #tpu.memory_space<semaphore_mem>>
        %dma_wait3A_471 = arith.constant 0 : i32
        %dma_wait3A_472 = arith.constant 0 : i32
        %dma_wait3A_473 = tpu.memref_slice %arg6[%dma_wait3A_471, %dma_wait3A_472] : memref<320000x144xf32, #tpu.memory_space<hbm>> -> memref<80x144xf32, #tpu.memory_space<hbm>>
        %dma_wait3A_474 = arith.constant 0 : i32
        %dma_wait3A_475 = arith.constant 0 : i32
        %dma_wait3A_476 = tpu.memref_slice %arg10[%dma_wait3A_460, %dma_wait3A_474, %dma_wait3A_475] : memref<5x80x144xf32, #tpu.memory_space<vmem>> -> memref<1x80x144xf32, #tpu.memory_space<vmem>>
        %dma_wait3A_477 = tpu.memref_squeeze %dma_wait3A_476 : memref<1x80x144xf32, #tpu.memory_space<vmem>> -> memref<80x144xf32, #tpu.memory_space<vmem>>
        tpu.wait_dma2 semaphore(%dma_wait3A_470 : memref<!tpu.dma_semaphore, #tpu.memory_space<semaphore_mem>>) src(%dma_wait3A_477 : memref<80x144xf32, #tpu.memory_space<vmem>>) dst(%dma_wait3A_473 : memref<80x144xf32, #tpu.memory_space<hbm>>)
        %dma_wait3A_478 = arith.constant 4 : i32
        %dma_wait3A_479 = arith.constant 4 : i32
        %dma_wait3A_480 = arith.constant 0 : i32
        %dma_wait3A_481 = arith.constant 0 : i32
        %dma_wait3A_482 = tpu.memref_slice %arg11[%dma_wait3A_478, %dma_wait3A_480, %dma_wait3A_481] : memref<5x80x128xf32, #tpu.memory_space<vmem>> -> memref<1x80x128xf32, #tpu.memory_space<vmem>>
        %dma_wait3A_483 = tpu.memref_squeeze %dma_wait3A_482 : memref<1x80x128xf32, #tpu.memory_space<vmem>> -> memref<80x128xf32, #tpu.memory_space<vmem>>
        %dma_wait3A_484 = arith.constant 0 : i32
        %dma_wait3A_485 = arith.constant 0 : i32
        %dma_wait3A_486 = tpu.memref_slice %arg7[%dma_wait3A_484, %dma_wait3A_485] : memref<320000x128xf32, #tpu.memory_space<hbm>> -> memref<80x128xf32, #tpu.memory_space<hbm>>
        %dma_wait3A_487 = tpu.memref_slice %arg15[%dma_wait3A_479] : memref<5x!tpu.dma_semaphore, #tpu.memory_space<semaphore_mem>> -> memref<1x!tpu.dma_semaphore, #tpu.memory_space<semaphore_mem>>
        %dma_wait3A_488 = tpu.memref_squeeze %dma_wait3A_487 : memref<1x!tpu.dma_semaphore, #tpu.memory_space<semaphore_mem>> -> memref<!tpu.dma_semaphore, #tpu.memory_space<semaphore_mem>>
        %dma_wait3A_489 = arith.constant 0 : i32
        %dma_wait3A_490 = arith.constant 0 : i32
        %dma_wait3A_491 = tpu.memref_slice %arg7[%dma_wait3A_489, %dma_wait3A_490] : memref<320000x128xf32, #tpu.memory_space<hbm>> -> memref<80x128xf32, #tpu.memory_space<hbm>>
        %dma_wait3A_492 = arith.constant 0 : i32
        %dma_wait3A_493 = arith.constant 0 : i32
        %dma_wait3A_494 = tpu.memref_slice %arg11[%dma_wait3A_478, %dma_wait3A_492, %dma_wait3A_493] : memref<5x80x128xf32, #tpu.memory_space<vmem>> -> memref<1x80x128xf32, #tpu.memory_space<vmem>>
        %dma_wait3A_495 = tpu.memref_squeeze %dma_wait3A_494 : memref<1x80x128xf32, #tpu.memory_space<vmem>> -> memref<80x128xf32, #tpu.memory_space<vmem>>
        tpu.wait_dma2 semaphore(%dma_wait3A_488 : memref<!tpu.dma_semaphore, #tpu.memory_space<semaphore_mem>>) src(%dma_wait3A_495 : memref<80x128xf32, #tpu.memory_space<vmem>>) dst(%dma_wait3A_491 : memref<80x128xf32, #tpu.memory_space<hbm>>)
      } else {
      }
      %dma_start3A_427 = arith.constant 4 : i32
      %dma_start3A_428 = arith.constant 4 : i32
      %dma_start3A_429 = arith.constant 0 : i32
      %dma_start3A_430 = arith.constant 0 : i32
      %dma_start3A_431 = tpu.memref_slice %arg10[%dma_start3A_427, %dma_start3A_429, %dma_start3A_430] : memref<5x80x144xf32, #tpu.memory_space<vmem>> -> memref<1x80x144xf32, #tpu.memory_space<vmem>>
      %dma_start3A_432 = tpu.memref_squeeze %dma_start3A_431 : memref<1x80x144xf32, #tpu.memory_space<vmem>> -> memref<80x144xf32, #tpu.memory_space<vmem>>
      %dma_start3A_433 = arith.constant 0 : i32
      %dma_start3A_434 = tpu.memref_slice %arg8[%add3A_421, %dma_start3A_433] : memref<125x80xi32, #tpu.memory_space<vmem>> -> memref<1x80xi32, #tpu.memory_space<vmem>>
      %dma_start3A_435 = tpu.memref_squeeze %dma_start3A_434 : memref<1x80xi32, #tpu.memory_space<vmem>> -> memref<80xi32, #tpu.memory_space<vmem>>
      %dma_start3A_436 = arith.constant 0 : i32
      %dma_start3A_437 = arith.constant 0 : i32
      %dma_start3A_438 = tpu.memref_slice %arg2[%dma_start3A_436, %dma_start3A_437] : memref<10000x144xf32, #tpu.memory_space<hbm>> -> memref<10000x144xf32, #tpu.memory_space<hbm>>
      %dma_start3A_439 = tpu.memref_slice %arg12[%dma_start3A_428] : memref<5x!tpu.dma_semaphore, #tpu.memory_space<semaphore_mem>> -> memref<1x!tpu.dma_semaphore, #tpu.memory_space<semaphore_mem>>
      %dma_start3A_440 = tpu.memref_squeeze %dma_start3A_439 : memref<1x!tpu.dma_semaphore, #tpu.memory_space<semaphore_mem>> -> memref<!tpu.dma_semaphore, #tpu.memory_space<semaphore_mem>>
      tpu.enqueue_indirect_dma source(%dma_start3A_438 : memref<10000x144xf32, #tpu.memory_space<hbm>>) target(%dma_start3A_432 : memref<80x144xf32, #tpu.memory_space<vmem>>) offsets(%dma_start3A_435 : memref<80xi32, #tpu.memory_space<vmem>>) semaphore(%dma_start3A_440 : memref<!tpu.dma_semaphore, #tpu.memory_space<semaphore_mem>>)
      %dma_start3A_441 = arith.constant 4 : i32
      %dma_start3A_442 = arith.constant 4 : i32
      %dma_start3A_443 = arith.constant 0 : i32
      %dma_start3A_444 = arith.constant 0 : i32
      %dma_start3A_445 = tpu.memref_slice %arg11[%dma_start3A_441, %dma_start3A_443, %dma_start3A_444] : memref<5x80x128xf32, #tpu.memory_space<vmem>> -> memref<1x80x128xf32, #tpu.memory_space<vmem>>
      %dma_start3A_446 = tpu.memref_squeeze %dma_start3A_445 : memref<1x80x128xf32, #tpu.memory_space<vmem>> -> memref<80x128xf32, #tpu.memory_space<vmem>>
      %dma_start3A_447 = arith.constant 0 : i32
      %dma_start3A_448 = tpu.memref_slice %arg9[%add3A_421, %dma_start3A_447] : memref<125x80xi32, #tpu.memory_space<vmem>> -> memref<1x80xi32, #tpu.memory_space<vmem>>
      %dma_start3A_449 = tpu.memref_squeeze %dma_start3A_448 : memref<1x80xi32, #tpu.memory_space<vmem>> -> memref<80xi32, #tpu.memory_space<vmem>>
      %dma_start3A_450 = arith.constant 0 : i32
      %dma_start3A_451 = arith.constant 0 : i32
      %dma_start3A_452 = tpu.memref_slice %arg3[%dma_start3A_450, %dma_start3A_451] : memref<10000x128xf32, #tpu.memory_space<hbm>> -> memref<10000x128xf32, #tpu.memory_space<hbm>>
      %dma_start3A_453 = tpu.memref_slice %arg13[%dma_start3A_442] : memref<5x!tpu.dma_semaphore, #tpu.memory_space<semaphore_mem>> -> memref<1x!tpu.dma_semaphore, #tpu.memory_space<semaphore_mem>>
      %dma_start3A_454 = tpu.memref_squeeze %dma_start3A_453 : memref<1x!tpu.dma_semaphore, #tpu.memory_space<semaphore_mem>> -> memref<!tpu.dma_semaphore, #tpu.memory_space<semaphore_mem>>
      tpu.enqueue_indirect_dma source(%dma_start3A_452 : memref<10000x128xf32, #tpu.memory_space<hbm>>) target(%dma_start3A_446 : memref<80x128xf32, #tpu.memory_space<vmem>>) offsets(%dma_start3A_449 : memref<80xi32, #tpu.memory_space<vmem>>) semaphore(%dma_start3A_454 : memref<!tpu.dma_semaphore, #tpu.memory_space<semaphore_mem>>)
      %ge3A_455 = arith.constant 1 : i32
      %ge3A_456 = arith.cmpi sge, %add3A_421, %ge3A_455 : i32
      %convert_element_type3A_457 = arith.extui %ge3A_456 : i1 to i32
      %cond3A_458 = arith.constant 0 : i32
      %cond3A_459 = arith.cmpi ne, %convert_element_type3A_457, %cond3A_458 : i32
      scf.if %cond3A_459 {
        %sub3A = arith.constant 1 : i32
        %sub3A_460 = arith.subi %add3A_421, %sub3A : i32
        %dma_wait3A_461 = arith.constant 3 : i32
        %dma_wait3A_462 = arith.constant 3 : i32
        %dma_wait3A_463 = arith.constant 0 : i32
        %dma_wait3A_464 = arith.constant 0 : i32
        %dma_wait3A_465 = tpu.memref_slice %arg10[%dma_wait3A_461, %dma_wait3A_463, %dma_wait3A_464] : memref<5x80x144xf32, #tpu.memory_space<vmem>> -> memref<1x80x144xf32, #tpu.memory_space<vmem>>
        %dma_wait3A_466 = tpu.memref_squeeze %dma_wait3A_465 : memref<1x80x144xf32, #tpu.memory_space<vmem>> -> memref<80x144xf32, #tpu.memory_space<vmem>>
        %dma_wait3A_467 = arith.constant 0 : i32
        %dma_wait3A_468 = tpu.memref_slice %arg8[%sub3A_460, %dma_wait3A_467] : memref<125x80xi32, #tpu.memory_space<vmem>> -> memref<1x80xi32, #tpu.memory_space<vmem>>
        %dma_wait3A_469 = tpu.memref_squeeze %dma_wait3A_468 : memref<1x80xi32, #tpu.memory_space<vmem>> -> memref<80xi32, #tpu.memory_space<vmem>>
        %dma_wait3A_470 = arith.constant 0 : i32
        %dma_wait3A_471 = arith.constant 0 : i32
        %dma_wait3A_472 = tpu.memref_slice %arg2[%dma_wait3A_470, %dma_wait3A_471] : memref<10000x144xf32, #tpu.memory_space<hbm>> -> memref<10000x144xf32, #tpu.memory_space<hbm>>
        %dma_wait3A_473 = tpu.memref_slice %arg12[%dma_wait3A_462] : memref<5x!tpu.dma_semaphore, #tpu.memory_space<semaphore_mem>> -> memref<1x!tpu.dma_semaphore, #tpu.memory_space<semaphore_mem>>
        %dma_wait3A_474 = tpu.memref_squeeze %dma_wait3A_473 : memref<1x!tpu.dma_semaphore, #tpu.memory_space<semaphore_mem>> -> memref<!tpu.dma_semaphore, #tpu.memory_space<semaphore_mem>>
        tpu.wait_indirect_dma semaphore(%dma_wait3A_474 : memref<!tpu.dma_semaphore, #tpu.memory_space<semaphore_mem>>) src(%dma_wait3A_472 : memref<10000x144xf32, #tpu.memory_space<hbm>>) dst(%dma_wait3A_466 : memref<80x144xf32, #tpu.memory_space<vmem>>)
        %dma_wait3A_475 = arith.constant 3 : i32
        %dma_wait3A_476 = arith.constant 3 : i32
        %dma_wait3A_477 = arith.constant 0 : i32
        %dma_wait3A_478 = arith.constant 0 : i32
        %dma_wait3A_479 = tpu.memref_slice %arg11[%dma_wait3A_475, %dma_wait3A_477, %dma_wait3A_478] : memref<5x80x128xf32, #tpu.memory_space<vmem>> -> memref<1x80x128xf32, #tpu.memory_space<vmem>>
        %dma_wait3A_480 = tpu.memref_squeeze %dma_wait3A_479 : memref<1x80x128xf32, #tpu.memory_space<vmem>> -> memref<80x128xf32, #tpu.memory_space<vmem>>
        %dma_wait3A_481 = arith.constant 0 : i32
        %dma_wait3A_482 = tpu.memref_slice %arg9[%sub3A_460, %dma_wait3A_481] : memref<125x80xi32, #tpu.memory_space<vmem>> -> memref<1x80xi32, #tpu.memory_space<vmem>>
        %dma_wait3A_483 = tpu.memref_squeeze %dma_wait3A_482 : memref<1x80xi32, #tpu.memory_space<vmem>> -> memref<80xi32, #tpu.memory_space<vmem>>
        %dma_wait3A_484 = arith.constant 0 : i32
        %dma_wait3A_485 = arith.constant 0 : i32
        %dma_wait3A_486 = tpu.memref_slice %arg3[%dma_wait3A_484, %dma_wait3A_485] : memref<10000x128xf32, #tpu.memory_space<hbm>> -> memref<10000x128xf32, #tpu.memory_space<hbm>>
        %dma_wait3A_487 = tpu.memref_slice %arg13[%dma_wait3A_476] : memref<5x!tpu.dma_semaphore, #tpu.memory_space<semaphore_mem>> -> memref<1x!tpu.dma_semaphore, #tpu.memory_space<semaphore_mem>>
        %dma_wait3A_488 = tpu.memref_squeeze %dma_wait3A_487 : memref<1x!tpu.dma_semaphore, #tpu.memory_space<semaphore_mem>> -> memref<!tpu.dma_semaphore, #tpu.memory_space<semaphore_mem>>
        tpu.wait_indirect_dma semaphore(%dma_wait3A_488 : memref<!tpu.dma_semaphore, #tpu.memory_space<semaphore_mem>>) src(%dma_wait3A_486 : memref<10000x128xf32, #tpu.memory_space<hbm>>) dst(%dma_wait3A_480 : memref<80x128xf32, #tpu.memory_space<vmem>>)
        %mul3A_489 = arith.constant 125 : i32
        %mul3A_490 = arith.muli %add3A, %mul3A_489 : i32
        %add3A_491 = arith.addi %mul3A_490, %sub3A_460 : i32
        %mul3A_492 = arith.constant 80 : i32
        %mul3A_493 = arith.muli %add3A_491, %mul3A_492 : i32
        %dma_start3A_494 = arith.constant 3 : i32
        %dma_start3A_495 = arith.constant 3 : i32
        %dma_start3A_496 = arith.constant 0 : i32
        %dma_start3A_497 = arith.constant 0 : i32
        %dma_start3A_498 = tpu.memref_slice %arg10[%dma_start3A_494, %dma_start3A_496, %dma_start3A_497] : memref<5x80x144xf32, #tpu.memory_space<vmem>> -> memref<1x80x144xf32, #tpu.memory_space<vmem>>
        %dma_start3A_499 = tpu.memref_squeeze %dma_start3A_498 : memref<1x80x144xf32, #tpu.memory_space<vmem>> -> memref<80x144xf32, #tpu.memory_space<vmem>>
        %dma_start3A_500 = arith.constant 0 : i32
        %dma_start3A_501 = tpu.memref_slice %arg6[%mul3A_493, %dma_start3A_500] : memref<320000x144xf32, #tpu.memory_space<hbm>> -> memref<80x144xf32, #tpu.memory_space<hbm>>
        %dma_start3A_502 = tpu.memref_slice %arg14[%dma_start3A_495] : memref<5x!tpu.dma_semaphore, #tpu.memory_space<semaphore_mem>> -> memref<1x!tpu.dma_semaphore, #tpu.memory_space<semaphore_mem>>
        %dma_start3A_503 = tpu.memref_squeeze %dma_start3A_502 : memref<1x!tpu.dma_semaphore, #tpu.memory_space<semaphore_mem>> -> memref<!tpu.dma_semaphore, #tpu.memory_space<semaphore_mem>>
        %dma_start3A_504 = arith.constant 0 : i32
        %dma_start3A_505 = tpu.memref_slice %arg6[%mul3A_493, %dma_start3A_504] : memref<320000x144xf32, #tpu.memory_space<hbm>> -> memref<80x144xf32, #tpu.memory_space<hbm>>
        %dma_start3A_506 = arith.constant 0 : i32
        %dma_start3A_507 = arith.constant 0 : i32
        %dma_start3A_508 = tpu.memref_slice %arg10[%dma_start3A_494, %dma_start3A_506, %dma_start3A_507] : memref<5x80x144xf32, #tpu.memory_space<vmem>> -> memref<1x80x144xf32, #tpu.memory_space<vmem>>
        %dma_start3A_509 = tpu.memref_squeeze %dma_start3A_508 : memref<1x80x144xf32, #tpu.memory_space<vmem>> -> memref<80x144xf32, #tpu.memory_space<vmem>>
        tpu.enqueue_dma source(%dma_start3A_509 : memref<80x144xf32, #tpu.memory_space<vmem>>) target(%dma_start3A_505 : memref<80x144xf32, #tpu.memory_space<hbm>>) target_semaphore(%dma_start3A_503 : memref<!tpu.dma_semaphore, #tpu.memory_space<semaphore_mem>>)
        %dma_start3A_510 = arith.constant 3 : i32
        %dma_start3A_511 = arith.constant 3 : i32
        %dma_start3A_512 = arith.constant 0 : i32
        %dma_start3A_513 = arith.constant 0 : i32
        %dma_start3A_514 = tpu.memref_slice %arg11[%dma_start3A_510, %dma_start3A_512, %dma_start3A_513] : memref<5x80x128xf32, #tpu.memory_space<vmem>> -> memref<1x80x128xf32, #tpu.memory_space<vmem>>
        %dma_start3A_515 = tpu.memref_squeeze %dma_start3A_514 : memref<1x80x128xf32, #tpu.memory_space<vmem>> -> memref<80x128xf32, #tpu.memory_space<vmem>>
        %dma_start3A_516 = arith.constant 0 : i32
        %dma_start3A_517 = tpu.memref_slice %arg7[%mul3A_493, %dma_start3A_516] : memref<320000x128xf32, #tpu.memory_space<hbm>> -> memref<80x128xf32, #tpu.memory_space<hbm>>
        %dma_start3A_518 = tpu.memref_slice %arg15[%dma_start3A_511] : memref<5x!tpu.dma_semaphore, #tpu.memory_space<semaphore_mem>> -> memref<1x!tpu.dma_semaphore, #tpu.memory_space<semaphore_mem>>
        %dma_start3A_519 = tpu.memref_squeeze %dma_start3A_518 : memref<1x!tpu.dma_semaphore, #tpu.memory_space<semaphore_mem>> -> memref<!tpu.dma_semaphore, #tpu.memory_space<semaphore_mem>>
        %dma_start3A_520 = arith.constant 0 : i32
        %dma_start3A_521 = tpu.memref_slice %arg7[%mul3A_493, %dma_start3A_520] : memref<320000x128xf32, #tpu.memory_space<hbm>> -> memref<80x128xf32, #tpu.memory_space<hbm>>
        %dma_start3A_522 = arith.constant 0 : i32
        %dma_start3A_523 = arith.constant 0 : i32
        %dma_start3A_524 = tpu.memref_slice %arg11[%dma_start3A_510, %dma_start3A_522, %dma_start3A_523] : memref<5x80x128xf32, #tpu.memory_space<vmem>> -> memref<1x80x128xf32, #tpu.memory_space<vmem>>
        %dma_start3A_525 = tpu.memref_squeeze %dma_start3A_524 : memref<1x80x128xf32, #tpu.memory_space<vmem>> -> memref<80x128xf32, #tpu.memory_space<vmem>>
        tpu.enqueue_dma source(%dma_start3A_525 : memref<80x128xf32, #tpu.memory_space<vmem>>) target(%dma_start3A_521 : memref<80x128xf32, #tpu.memory_space<hbm>>) target_semaphore(%dma_start3A_519 : memref<!tpu.dma_semaphore, #tpu.memory_space<semaphore_mem>>)
      } else {
      }
    }
    %scan3A_5 = arith.constant 25 : i32
    %dma_wait3A = arith.constant 124 : i32
    %dma_wait3A_6 = arith.constant 4 : i32
    %dma_wait3A_7 = arith.constant 4 : i32
    %dma_wait3A_8 = arith.constant 0 : i32
    %dma_wait3A_9 = arith.constant 0 : i32
    %dma_wait3A_10 = tpu.memref_slice %arg10[%dma_wait3A_6, %dma_wait3A_8, %dma_wait3A_9] : memref<5x80x144xf32, #tpu.memory_space<vmem>> -> memref<1x80x144xf32, #tpu.memory_space<vmem>>
    %dma_wait3A_11 = tpu.memref_squeeze %dma_wait3A_10 : memref<1x80x144xf32, #tpu.memory_space<vmem>> -> memref<80x144xf32, #tpu.memory_space<vmem>>
    %dma_wait3A_12 = arith.constant 0 : i32
    %dma_wait3A_13 = tpu.memref_slice %arg8[%dma_wait3A, %dma_wait3A_12] : memref<125x80xi32, #tpu.memory_space<vmem>> -> memref<1x80xi32, #tpu.memory_space<vmem>>
    %dma_wait3A_14 = tpu.memref_squeeze %dma_wait3A_13 : memref<1x80xi32, #tpu.memory_space<vmem>> -> memref<80xi32, #tpu.memory_space<vmem>>
    %dma_wait3A_15 = arith.constant 0 : i32
    %dma_wait3A_16 = arith.constant 0 : i32
    %dma_wait3A_17 = tpu.memref_slice %arg2[%dma_wait3A_15, %dma_wait3A_16] : memref<10000x144xf32, #tpu.memory_space<hbm>> -> memref<10000x144xf32, #tpu.memory_space<hbm>>
    %dma_wait3A_18 = tpu.memref_slice %arg12[%dma_wait3A_7] : memref<5x!tpu.dma_semaphore, #tpu.memory_space<semaphore_mem>> -> memref<1x!tpu.dma_semaphore, #tpu.memory_space<semaphore_mem>>
    %dma_wait3A_19 = tpu.memref_squeeze %dma_wait3A_18 : memref<1x!tpu.dma_semaphore, #tpu.memory_space<semaphore_mem>> -> memref<!tpu.dma_semaphore, #tpu.memory_space<semaphore_mem>>
    tpu.wait_indirect_dma semaphore(%dma_wait3A_19 : memref<!tpu.dma_semaphore, #tpu.memory_space<semaphore_mem>>) src(%dma_wait3A_17 : memref<10000x144xf32, #tpu.memory_space<hbm>>) dst(%dma_wait3A_11 : memref<80x144xf32, #tpu.memory_space<vmem>>)
    %dma_wait3A_20 = arith.constant 124 : i32
    %dma_wait3A_21 = arith.constant 4 : i32
    %dma_wait3A_22 = arith.constant 4 : i32
    %dma_wait3A_23 = arith.constant 0 : i32
    %dma_wait3A_24 = arith.constant 0 : i32
    %dma_wait3A_25 = tpu.memref_slice %arg11[%dma_wait3A_21, %dma_wait3A_23, %dma_wait3A_24] : memref<5x80x128xf32, #tpu.memory_space<vmem>> -> memref<1x80x128xf32, #tpu.memory_space<vmem>>
    %dma_wait3A_26 = tpu.memref_squeeze %dma_wait3A_25 : memref<1x80x128xf32, #tpu.memory_space<vmem>> -> memref<80x128xf32, #tpu.memory_space<vmem>>
    %dma_wait3A_27 = arith.constant 0 : i32
    %dma_wait3A_28 = tpu.memref_slice %arg9[%dma_wait3A_20, %dma_wait3A_27] : memref<125x80xi32, #tpu.memory_space<vmem>> -> memref<1x80xi32, #tpu.memory_space<vmem>>
    %dma_wait3A_29 = tpu.memref_squeeze %dma_wait3A_28 : memref<1x80xi32, #tpu.memory_space<vmem>> -> memref<80xi32, #tpu.memory_space<vmem>>
    %dma_wait3A_30 = arith.constant 0 : i32
    %dma_wait3A_31 = arith.constant 0 : i32
    %dma_wait3A_32 = tpu.memref_slice %arg3[%dma_wait3A_30, %dma_wait3A_31] : memref<10000x128xf32, #tpu.memory_space<hbm>> -> memref<10000x128xf32, #tpu.memory_space<hbm>>
    %dma_wait3A_33 = tpu.memref_slice %arg13[%dma_wait3A_22] : memref<5x!tpu.dma_semaphore, #tpu.memory_space<semaphore_mem>> -> memref<1x!tpu.dma_semaphore, #tpu.memory_space<semaphore_mem>>
    %dma_wait3A_34 = tpu.memref_squeeze %dma_wait3A_33 : memref<1x!tpu.dma_semaphore, #tpu.memory_space<semaphore_mem>> -> memref<!tpu.dma_semaphore, #tpu.memory_space<semaphore_mem>>
    tpu.wait_indirect_dma semaphore(%dma_wait3A_34 : memref<!tpu.dma_semaphore, #tpu.memory_space<semaphore_mem>>) src(%dma_wait3A_32 : memref<10000x128xf32, #tpu.memory_space<hbm>>) dst(%dma_wait3A_26 : memref<80x128xf32, #tpu.memory_space<vmem>>)
    %mul3A_35 = arith.constant 125 : i32
    %mul3A_36 = arith.muli %add3A, %mul3A_35 : i32
    %add3A_37 = arith.constant 124 : i32
    %add3A_38 = arith.addi %mul3A_36, %add3A_37 : i32
    %mul3A_39 = arith.constant 80 : i32
    %mul3A_40 = arith.muli %add3A_38, %mul3A_39 : i32
    %dma_start3A = arith.constant 4 : i32
    %dma_start3A_41 = arith.constant 4 : i32
    %dma_start3A_42 = arith.constant 0 : i32
    %dma_start3A_43 = arith.constant 0 : i32
    %dma_start3A_44 = tpu.memref_slice %arg10[%dma_start3A, %dma_start3A_42, %dma_start3A_43] : memref<5x80x144xf32, #tpu.memory_space<vmem>> -> memref<1x80x144xf32, #tpu.memory_space<vmem>>
    %dma_start3A_45 = tpu.memref_squeeze %dma_start3A_44 : memref<1x80x144xf32, #tpu.memory_space<vmem>> -> memref<80x144xf32, #tpu.memory_space<vmem>>
    %dma_start3A_46 = arith.constant 0 : i32
    %dma_start3A_47 = tpu.memref_slice %arg6[%mul3A_40, %dma_start3A_46] : memref<320000x144xf32, #tpu.memory_space<hbm>> -> memref<80x144xf32, #tpu.memory_space<hbm>>
    %dma_start3A_48 = tpu.memref_slice %arg14[%dma_start3A_41] : memref<5x!tpu.dma_semaphore, #tpu.memory_space<semaphore_mem>> -> memref<1x!tpu.dma_semaphore, #tpu.memory_space<semaphore_mem>>
    %dma_start3A_49 = tpu.memref_squeeze %dma_start3A_48 : memref<1x!tpu.dma_semaphore, #tpu.memory_space<semaphore_mem>> -> memref<!tpu.dma_semaphore, #tpu.memory_space<semaphore_mem>>
    %dma_start3A_50 = arith.constant 0 : i32
    %dma_start3A_51 = tpu.memref_slice %arg6[%mul3A_40, %dma_start3A_50] : memref<320000x144xf32, #tpu.memory_space<hbm>> -> memref<80x144xf32, #tpu.memory_space<hbm>>
    %dma_start3A_52 = arith.constant 0 : i32
    %dma_start3A_53 = arith.constant 0 : i32
    %dma_start3A_54 = tpu.memref_slice %arg10[%dma_start3A, %dma_start3A_52, %dma_start3A_53] : memref<5x80x144xf32, #tpu.memory_space<vmem>> -> memref<1x80x144xf32, #tpu.memory_space<vmem>>
    %dma_start3A_55 = tpu.memref_squeeze %dma_start3A_54 : memref<1x80x144xf32, #tpu.memory_space<vmem>> -> memref<80x144xf32, #tpu.memory_space<vmem>>
    tpu.enqueue_dma source(%dma_start3A_55 : memref<80x144xf32, #tpu.memory_space<vmem>>) target(%dma_start3A_51 : memref<80x144xf32, #tpu.memory_space<hbm>>) target_semaphore(%dma_start3A_49 : memref<!tpu.dma_semaphore, #tpu.memory_space<semaphore_mem>>)
    %dma_start3A_56 = arith.constant 4 : i32
    %dma_start3A_57 = arith.constant 4 : i32
    %dma_start3A_58 = arith.constant 0 : i32
    %dma_start3A_59 = arith.constant 0 : i32
    %dma_start3A_60 = tpu.memref_slice %arg11[%dma_start3A_56, %dma_start3A_58, %dma_start3A_59] : memref<5x80x128xf32, #tpu.memory_space<vmem>> -> memref<1x80x128xf32, #tpu.memory_space<vmem>>
    %dma_start3A_61 = tpu.memref_squeeze %dma_start3A_60 : memref<1x80x128xf32, #tpu.memory_space<vmem>> -> memref<80x128xf32, #tpu.memory_space<vmem>>
    %dma_start3A_62 = arith.constant 0 : i32
    %dma_start3A_63 = tpu.memref_slice %arg7[%mul3A_40, %dma_start3A_62] : memref<320000x128xf32, #tpu.memory_space<hbm>> -> memref<80x128xf32, #tpu.memory_space<hbm>>
    %dma_start3A_64 = tpu.memref_slice %arg15[%dma_start3A_57] : memref<5x!tpu.dma_semaphore, #tpu.memory_space<semaphore_mem>> -> memref<1x!tpu.dma_semaphore, #tpu.memory_space<semaphore_mem>>
    %dma_start3A_65 = tpu.memref_squeeze %dma_start3A_64 : memref<1x!tpu.dma_semaphore, #tpu.memory_space<semaphore_mem>> -> memref<!tpu.dma_semaphore, #tpu.memory_space<semaphore_mem>>
    %dma_start3A_66 = arith.constant 0 : i32
    %dma_start3A_67 = tpu.memref_slice %arg7[%mul3A_40, %dma_start3A_66] : memref<320000x128xf32, #tpu.memory_space<hbm>> -> memref<80x128xf32, #tpu.memory_space<hbm>>
    %dma_start3A_68 = arith.constant 0 : i32
    %dma_start3A_69 = arith.constant 0 : i32
    %dma_start3A_70 = tpu.memref_slice %arg11[%dma_start3A_56, %dma_start3A_68, %dma_start3A_69] : memref<5x80x128xf32, #tpu.memory_space<vmem>> -> memref<1x80x128xf32, #tpu.memory_space<vmem>>
    %dma_start3A_71 = tpu.memref_squeeze %dma_start3A_70 : memref<1x80x128xf32, #tpu.memory_space<vmem>> -> memref<80x128xf32, #tpu.memory_space<vmem>>
    tpu.enqueue_dma source(%dma_start3A_71 : memref<80x128xf32, #tpu.memory_space<vmem>>) target(%dma_start3A_67 : memref<80x128xf32, #tpu.memory_space<hbm>>) target_semaphore(%dma_start3A_65 : memref<!tpu.dma_semaphore, #tpu.memory_space<semaphore_mem>>)
    %dma_wait3A_72 = arith.constant 0 : i32
    %dma_wait3A_73 = arith.constant 0 : i32
    %dma_wait3A_74 = arith.constant 0 : i32
    %dma_wait3A_75 = arith.constant 0 : i32
    %dma_wait3A_76 = tpu.memref_slice %arg10[%dma_wait3A_72, %dma_wait3A_74, %dma_wait3A_75] : memref<5x80x144xf32, #tpu.memory_space<vmem>> -> memref<1x80x144xf32, #tpu.memory_space<vmem>>
    %dma_wait3A_77 = tpu.memref_squeeze %dma_wait3A_76 : memref<1x80x144xf32, #tpu.memory_space<vmem>> -> memref<80x144xf32, #tpu.memory_space<vmem>>
    %dma_wait3A_78 = arith.constant 0 : i32
    %dma_wait3A_79 = arith.constant 0 : i32
    %dma_wait3A_80 = tpu.memref_slice %arg6[%dma_wait3A_78, %dma_wait3A_79] : memref<320000x144xf32, #tpu.memory_space<hbm>> -> memref<80x144xf32, #tpu.memory_space<hbm>>
    %dma_wait3A_81 = tpu.memref_slice %arg14[%dma_wait3A_73] : memref<5x!tpu.dma_semaphore, #tpu.memory_space<semaphore_mem>> -> memref<1x!tpu.dma_semaphore, #tpu.memory_space<semaphore_mem>>
    %dma_wait3A_82 = tpu.memref_squeeze %dma_wait3A_81 : memref<1x!tpu.dma_semaphore, #tpu.memory_space<semaphore_mem>> -> memref<!tpu.dma_semaphore, #tpu.memory_space<semaphore_mem>>
    %dma_wait3A_83 = arith.constant 0 : i32
    %dma_wait3A_84 = arith.constant 0 : i32
    %dma_wait3A_85 = tpu.memref_slice %arg6[%dma_wait3A_83, %dma_wait3A_84] : memref<320000x144xf32, #tpu.memory_space<hbm>> -> memref<80x144xf32, #tpu.memory_space<hbm>>
    %dma_wait3A_86 = arith.constant 0 : i32
    %dma_wait3A_87 = arith.constant 0 : i32
    %dma_wait3A_88 = tpu.memref_slice %arg10[%dma_wait3A_72, %dma_wait3A_86, %dma_wait3A_87] : memref<5x80x144xf32, #tpu.memory_space<vmem>> -> memref<1x80x144xf32, #tpu.memory_space<vmem>>
    %dma_wait3A_89 = tpu.memref_squeeze %dma_wait3A_88 : memref<1x80x144xf32, #tpu.memory_space<vmem>> -> memref<80x144xf32, #tpu.memory_space<vmem>>
    tpu.wait_dma2 semaphore(%dma_wait3A_82 : memref<!tpu.dma_semaphore, #tpu.memory_space<semaphore_mem>>) src(%dma_wait3A_89 : memref<80x144xf32, #tpu.memory_space<vmem>>) dst(%dma_wait3A_85 : memref<80x144xf32, #tpu.memory_space<hbm>>)
    %dma_wait3A_90 = arith.constant 0 : i32
    %dma_wait3A_91 = arith.constant 0 : i32
    %dma_wait3A_92 = arith.constant 0 : i32
    %dma_wait3A_93 = arith.constant 0 : i32
    %dma_wait3A_94 = tpu.memref_slice %arg11[%dma_wait3A_90, %dma_wait3A_92, %dma_wait3A_93] : memref<5x80x128xf32, #tpu.memory_space<vmem>> -> memref<1x80x128xf32, #tpu.memory_space<vmem>>
    %dma_wait3A_95 = tpu.memref_squeeze %dma_wait3A_94 : memref<1x80x128xf32, #tpu.memory_space<vmem>> -> memref<80x128xf32, #tpu.memory_space<vmem>>
    %dma_wait3A_96 = arith.constant 0 : i32
    %dma_wait3A_97 = arith.constant 0 : i32
    %dma_wait3A_98 = tpu.memref_slice %arg7[%dma_wait3A_96, %dma_wait3A_97] : memref<320000x128xf32, #tpu.memory_space<hbm>> -> memref<80x128xf32, #tpu.memory_space<hbm>>
    %dma_wait3A_99 = tpu.memref_slice %arg15[%dma_wait3A_91] : memref<5x!tpu.dma_semaphore, #tpu.memory_space<semaphore_mem>> -> memref<1x!tpu.dma_semaphore, #tpu.memory_space<semaphore_mem>>
    %dma_wait3A_100 = tpu.memref_squeeze %dma_wait3A_99 : memref<1x!tpu.dma_semaphore, #tpu.memory_space<semaphore_mem>> -> memref<!tpu.dma_semaphore, #tpu.memory_space<semaphore_mem>>
    %dma_wait3A_101 = arith.constant 0 : i32
    %dma_wait3A_102 = arith.constant 0 : i32
    %dma_wait3A_103 = tpu.memref_slice %arg7[%dma_wait3A_101, %dma_wait3A_102] : memref<320000x128xf32, #tpu.memory_space<hbm>> -> memref<80x128xf32, #tpu.memory_space<hbm>>
    %dma_wait3A_104 = arith.constant 0 : i32
    %dma_wait3A_105 = arith.constant 0 : i32
    %dma_wait3A_106 = tpu.memref_slice %arg11[%dma_wait3A_90, %dma_wait3A_104, %dma_wait3A_105] : memref<5x80x128xf32, #tpu.memory_space<vmem>> -> memref<1x80x128xf32, #tpu.memory_space<vmem>>
    %dma_wait3A_107 = tpu.memref_squeeze %dma_wait3A_106 : memref<1x80x128xf32, #tpu.memory_space<vmem>> -> memref<80x128xf32, #tpu.memory_space<vmem>>
    tpu.wait_dma2 semaphore(%dma_wait3A_100 : memref<!tpu.dma_semaphore, #tpu.memory_space<semaphore_mem>>) src(%dma_wait3A_107 : memref<80x128xf32, #tpu.memory_space<vmem>>) dst(%dma_wait3A_103 : memref<80x128xf32, #tpu.memory_space<hbm>>)
    %dma_wait3A_108 = arith.constant 1 : i32
    %dma_wait3A_109 = arith.constant 1 : i32
    %dma_wait3A_110 = arith.constant 0 : i32
    %dma_wait3A_111 = arith.constant 0 : i32
    %dma_wait3A_112 = tpu.memref_slice %arg10[%dma_wait3A_108, %dma_wait3A_110, %dma_wait3A_111] : memref<5x80x144xf32, #tpu.memory_space<vmem>> -> memref<1x80x144xf32, #tpu.memory_space<vmem>>
    %dma_wait3A_113 = tpu.memref_squeeze %dma_wait3A_112 : memref<1x80x144xf32, #tpu.memory_space<vmem>> -> memref<80x144xf32, #tpu.memory_space<vmem>>
    %dma_wait3A_114 = arith.constant 0 : i32
    %dma_wait3A_115 = arith.constant 0 : i32
    %dma_wait3A_116 = tpu.memref_slice %arg6[%dma_wait3A_114, %dma_wait3A_115] : memref<320000x144xf32, #tpu.memory_space<hbm>> -> memref<80x144xf32, #tpu.memory_space<hbm>>
    %dma_wait3A_117 = tpu.memref_slice %arg14[%dma_wait3A_109] : memref<5x!tpu.dma_semaphore, #tpu.memory_space<semaphore_mem>> -> memref<1x!tpu.dma_semaphore, #tpu.memory_space<semaphore_mem>>
    %dma_wait3A_118 = tpu.memref_squeeze %dma_wait3A_117 : memref<1x!tpu.dma_semaphore, #tpu.memory_space<semaphore_mem>> -> memref<!tpu.dma_semaphore, #tpu.memory_space<semaphore_mem>>
    %dma_wait3A_119 = arith.constant 0 : i32
    %dma_wait3A_120 = arith.constant 0 : i32
    %dma_wait3A_121 = tpu.memref_slice %arg6[%dma_wait3A_119, %dma_wait3A_120] : memref<320000x144xf32, #tpu.memory_space<hbm>> -> memref<80x144xf32, #tpu.memory_space<hbm>>
    %dma_wait3A_122 = arith.constant 0 : i32
    %dma_wait3A_123 = arith.constant 0 : i32
    %dma_wait3A_124 = tpu.memref_slice %arg10[%dma_wait3A_108, %dma_wait3A_122, %dma_wait3A_123] : memref<5x80x144xf32, #tpu.memory_space<vmem>> -> memref<1x80x144xf32, #tpu.memory_space<vmem>>
    %dma_wait3A_125 = tpu.memref_squeeze %dma_wait3A_124 : memref<1x80x144xf32, #tpu.memory_space<vmem>> -> memref<80x144xf32, #tpu.memory_space<vmem>>
    tpu.wait_dma2 semaphore(%dma_wait3A_118 : memref<!tpu.dma_semaphore, #tpu.memory_space<semaphore_mem>>) src(%dma_wait3A_125 : memref<80x144xf32, #tpu.memory_space<vmem>>) dst(%dma_wait3A_121 : memref<80x144xf32, #tpu.memory_space<hbm>>)
    %dma_wait3A_126 = arith.constant 1 : i32
    %dma_wait3A_127 = arith.constant 1 : i32
    %dma_wait3A_128 = arith.constant 0 : i32
    %dma_wait3A_129 = arith.constant 0 : i32
    %dma_wait3A_130 = tpu.memref_slice %arg11[%dma_wait3A_126, %dma_wait3A_128, %dma_wait3A_129] : memref<5x80x128xf32, #tpu.memory_space<vmem>> -> memref<1x80x128xf32, #tpu.memory_space<vmem>>
    %dma_wait3A_131 = tpu.memref_squeeze %dma_wait3A_130 : memref<1x80x128xf32, #tpu.memory_space<vmem>> -> memref<80x128xf32, #tpu.memory_space<vmem>>
    %dma_wait3A_132 = arith.constant 0 : i32
    %dma_wait3A_133 = arith.constant 0 : i32
    %dma_wait3A_134 = tpu.memref_slice %arg7[%dma_wait3A_132, %dma_wait3A_133] : memref<320000x128xf32, #tpu.memory_space<hbm>> -> memref<80x128xf32, #tpu.memory_space<hbm>>
    %dma_wait3A_135 = tpu.memref_slice %arg15[%dma_wait3A_127] : memref<5x!tpu.dma_semaphore, #tpu.memory_space<semaphore_mem>> -> memref<1x!tpu.dma_semaphore, #tpu.memory_space<semaphore_mem>>
    %dma_wait3A_136 = tpu.memref_squeeze %dma_wait3A_135 : memref<1x!tpu.dma_semaphore, #tpu.memory_space<semaphore_mem>> -> memref<!tpu.dma_semaphore, #tpu.memory_space<semaphore_mem>>
    %dma_wait3A_137 = arith.constant 0 : i32
    %dma_wait3A_138 = arith.constant 0 : i32
    %dma_wait3A_139 = tpu.memref_slice %arg7[%dma_wait3A_137, %dma_wait3A_138] : memref<320000x128xf32, #tpu.memory_space<hbm>> -> memref<80x128xf32, #tpu.memory_space<hbm>>
    %dma_wait3A_140 = arith.constant 0 : i32
    %dma_wait3A_141 = arith.constant 0 : i32
    %dma_wait3A_142 = tpu.memref_slice %arg11[%dma_wait3A_126, %dma_wait3A_140, %dma_wait3A_141] : memref<5x80x128xf32, #tpu.memory_space<vmem>> -> memref<1x80x128xf32, #tpu.memory_space<vmem>>
    %dma_wait3A_143 = tpu.memref_squeeze %dma_wait3A_142 : memref<1x80x128xf32, #tpu.memory_space<vmem>> -> memref<80x128xf32, #tpu.memory_space<vmem>>
    tpu.wait_dma2 semaphore(%dma_wait3A_136 : memref<!tpu.dma_semaphore, #tpu.memory_space<semaphore_mem>>) src(%dma_wait3A_143 : memref<80x128xf32, #tpu.memory_space<vmem>>) dst(%dma_wait3A_139 : memref<80x128xf32, #tpu.memory_space<hbm>>)
    %dma_wait3A_144 = arith.constant 2 : i32
    %dma_wait3A_145 = arith.constant 2 : i32
    %dma_wait3A_146 = arith.constant 0 : i32
    %dma_wait3A_147 = arith.constant 0 : i32
    %dma_wait3A_148 = tpu.memref_slice %arg10[%dma_wait3A_144, %dma_wait3A_146, %dma_wait3A_147] : memref<5x80x144xf32, #tpu.memory_space<vmem>> -> memref<1x80x144xf32, #tpu.memory_space<vmem>>
    %dma_wait3A_149 = tpu.memref_squeeze %dma_wait3A_148 : memref<1x80x144xf32, #tpu.memory_space<vmem>> -> memref<80x144xf32, #tpu.memory_space<vmem>>
    %dma_wait3A_150 = arith.constant 0 : i32
    %dma_wait3A_151 = arith.constant 0 : i32
    %dma_wait3A_152 = tpu.memref_slice %arg6[%dma_wait3A_150, %dma_wait3A_151] : memref<320000x144xf32, #tpu.memory_space<hbm>> -> memref<80x144xf32, #tpu.memory_space<hbm>>
    %dma_wait3A_153 = tpu.memref_slice %arg14[%dma_wait3A_145] : memref<5x!tpu.dma_semaphore, #tpu.memory_space<semaphore_mem>> -> memref<1x!tpu.dma_semaphore, #tpu.memory_space<semaphore_mem>>
    %dma_wait3A_154 = tpu.memref_squeeze %dma_wait3A_153 : memref<1x!tpu.dma_semaphore, #tpu.memory_space<semaphore_mem>> -> memref<!tpu.dma_semaphore, #tpu.memory_space<semaphore_mem>>
    %dma_wait3A_155 = arith.constant 0 : i32
    %dma_wait3A_156 = arith.constant 0 : i32
    %dma_wait3A_157 = tpu.memref_slice %arg6[%dma_wait3A_155, %dma_wait3A_156] : memref<320000x144xf32, #tpu.memory_space<hbm>> -> memref<80x144xf32, #tpu.memory_space<hbm>>
    %dma_wait3A_158 = arith.constant 0 : i32
    %dma_wait3A_159 = arith.constant 0 : i32
    %dma_wait3A_160 = tpu.memref_slice %arg10[%dma_wait3A_144, %dma_wait3A_158, %dma_wait3A_159] : memref<5x80x144xf32, #tpu.memory_space<vmem>> -> memref<1x80x144xf32, #tpu.memory_space<vmem>>
    %dma_wait3A_161 = tpu.memref_squeeze %dma_wait3A_160 : memref<1x80x144xf32, #tpu.memory_space<vmem>> -> memref<80x144xf32, #tpu.memory_space<vmem>>
    tpu.wait_dma2 semaphore(%dma_wait3A_154 : memref<!tpu.dma_semaphore, #tpu.memory_space<semaphore_mem>>) src(%dma_wait3A_161 : memref<80x144xf32, #tpu.memory_space<vmem>>) dst(%dma_wait3A_157 : memref<80x144xf32, #tpu.memory_space<hbm>>)
    %dma_wait3A_162 = arith.constant 2 : i32
    %dma_wait3A_163 = arith.constant 2 : i32
    %dma_wait3A_164 = arith.constant 0 : i32
    %dma_wait3A_165 = arith.constant 0 : i32
    %dma_wait3A_166 = tpu.memref_slice %arg11[%dma_wait3A_162, %dma_wait3A_164, %dma_wait3A_165] : memref<5x80x128xf32, #tpu.memory_space<vmem>> -> memref<1x80x128xf32, #tpu.memory_space<vmem>>
    %dma_wait3A_167 = tpu.memref_squeeze %dma_wait3A_166 : memref<1x80x128xf32, #tpu.memory_space<vmem>> -> memref<80x128xf32, #tpu.memory_space<vmem>>
    %dma_wait3A_168 = arith.constant 0 : i32
    %dma_wait3A_169 = arith.constant 0 : i32
    %dma_wait3A_170 = tpu.memref_slice %arg7[%dma_wait3A_168, %dma_wait3A_169] : memref<320000x128xf32, #tpu.memory_space<hbm>> -> memref<80x128xf32, #tpu.memory_space<hbm>>
    %dma_wait3A_171 = tpu.memref_slice %arg15[%dma_wait3A_163] : memref<5x!tpu.dma_semaphore, #tpu.memory_space<semaphore_mem>> -> memref<1x!tpu.dma_semaphore, #tpu.memory_space<semaphore_mem>>
    %dma_wait3A_172 = tpu.memref_squeeze %dma_wait3A_171 : memref<1x!tpu.dma_semaphore, #tpu.memory_space<semaphore_mem>> -> memref<!tpu.dma_semaphore, #tpu.memory_space<semaphore_mem>>
    %dma_wait3A_173 = arith.constant 0 : i32
    %dma_wait3A_174 = arith.constant 0 : i32
    %dma_wait3A_175 = tpu.memref_slice %arg7[%dma_wait3A_173, %dma_wait3A_174] : memref<320000x128xf32, #tpu.memory_space<hbm>> -> memref<80x128xf32, #tpu.memory_space<hbm>>
    %dma_wait3A_176 = arith.constant 0 : i32
    %dma_wait3A_177 = arith.constant 0 : i32
    %dma_wait3A_178 = tpu.memref_slice %arg11[%dma_wait3A_162, %dma_wait3A_176, %dma_wait3A_177] : memref<5x80x128xf32, #tpu.memory_space<vmem>> -> memref<1x80x128xf32, #tpu.memory_space<vmem>>
    %dma_wait3A_179 = tpu.memref_squeeze %dma_wait3A_178 : memref<1x80x128xf32, #tpu.memory_space<vmem>> -> memref<80x128xf32, #tpu.memory_space<vmem>>
    tpu.wait_dma2 semaphore(%dma_wait3A_172 : memref<!tpu.dma_semaphore, #tpu.memory_space<semaphore_mem>>) src(%dma_wait3A_179 : memref<80x128xf32, #tpu.memory_space<vmem>>) dst(%dma_wait3A_175 : memref<80x128xf32, #tpu.memory_space<hbm>>)
    %dma_wait3A_180 = arith.constant 3 : i32
    %dma_wait3A_181 = arith.constant 3 : i32
    %dma_wait3A_182 = arith.constant 0 : i32
    %dma_wait3A_183 = arith.constant 0 : i32
    %dma_wait3A_184 = tpu.memref_slice %arg10[%dma_wait3A_180, %dma_wait3A_182, %dma_wait3A_183] : memref<5x80x144xf32, #tpu.memory_space<vmem>> -> memref<1x80x144xf32, #tpu.memory_space<vmem>>
    %dma_wait3A_185 = tpu.memref_squeeze %dma_wait3A_184 : memref<1x80x144xf32, #tpu.memory_space<vmem>> -> memref<80x144xf32, #tpu.memory_space<vmem>>
    %dma_wait3A_186 = arith.constant 0 : i32
    %dma_wait3A_187 = arith.constant 0 : i32
    %dma_wait3A_188 = tpu.memref_slice %arg6[%dma_wait3A_186, %dma_wait3A_187] : memref<320000x144xf32, #tpu.memory_space<hbm>> -> memref<80x144xf32, #tpu.memory_space<hbm>>
    %dma_wait3A_189 = tpu.memref_slice %arg14[%dma_wait3A_181] : memref<5x!tpu.dma_semaphore, #tpu.memory_space<semaphore_mem>> -> memref<1x!tpu.dma_semaphore, #tpu.memory_space<semaphore_mem>>
    %dma_wait3A_190 = tpu.memref_squeeze %dma_wait3A_189 : memref<1x!tpu.dma_semaphore, #tpu.memory_space<semaphore_mem>> -> memref<!tpu.dma_semaphore, #tpu.memory_space<semaphore_mem>>
    %dma_wait3A_191 = arith.constant 0 : i32
    %dma_wait3A_192 = arith.constant 0 : i32
    %dma_wait3A_193 = tpu.memref_slice %arg6[%dma_wait3A_191, %dma_wait3A_192] : memref<320000x144xf32, #tpu.memory_space<hbm>> -> memref<80x144xf32, #tpu.memory_space<hbm>>
    %dma_wait3A_194 = arith.constant 0 : i32
    %dma_wait3A_195 = arith.constant 0 : i32
    %dma_wait3A_196 = tpu.memref_slice %arg10[%dma_wait3A_180, %dma_wait3A_194, %dma_wait3A_195] : memref<5x80x144xf32, #tpu.memory_space<vmem>> -> memref<1x80x144xf32, #tpu.memory_space<vmem>>
    %dma_wait3A_197 = tpu.memref_squeeze %dma_wait3A_196 : memref<1x80x144xf32, #tpu.memory_space<vmem>> -> memref<80x144xf32, #tpu.memory_space<vmem>>
    tpu.wait_dma2 semaphore(%dma_wait3A_190 : memref<!tpu.dma_semaphore, #tpu.memory_space<semaphore_mem>>) src(%dma_wait3A_197 : memref<80x144xf32, #tpu.memory_space<vmem>>) dst(%dma_wait3A_193 : memref<80x144xf32, #tpu.memory_space<hbm>>)
    %dma_wait3A_198 = arith.constant 3 : i32
    %dma_wait3A_199 = arith.constant 3 : i32
    %dma_wait3A_200 = arith.constant 0 : i32
    %dma_wait3A_201 = arith.constant 0 : i32
    %dma_wait3A_202 = tpu.memref_slice %arg11[%dma_wait3A_198, %dma_wait3A_200, %dma_wait3A_201] : memref<5x80x128xf32, #tpu.memory_space<vmem>> -> memref<1x80x128xf32, #tpu.memory_space<vmem>>
    %dma_wait3A_203 = tpu.memref_squeeze %dma_wait3A_202 : memref<1x80x128xf32, #tpu.memory_space<vmem>> -> memref<80x128xf32, #tpu.memory_space<vmem>>
    %dma_wait3A_204 = arith.constant 0 : i32
    %dma_wait3A_205 = arith.constant 0 : i32
    %dma_wait3A_206 = tpu.memref_slice %arg7[%dma_wait3A_204, %dma_wait3A_205] : memref<320000x128xf32, #tpu.memory_space<hbm>> -> memref<80x128xf32, #tpu.memory_space<hbm>>
    %dma_wait3A_207 = tpu.memref_slice %arg15[%dma_wait3A_199] : memref<5x!tpu.dma_semaphore, #tpu.memory_space<semaphore_mem>> -> memref<1x!tpu.dma_semaphore, #tpu.memory_space<semaphore_mem>>
    %dma_wait3A_208 = tpu.memref_squeeze %dma_wait3A_207 : memref<1x!tpu.dma_semaphore, #tpu.memory_space<semaphore_mem>> -> memref<!tpu.dma_semaphore, #tpu.memory_space<semaphore_mem>>
    %dma_wait3A_209 = arith.constant 0 : i32
    %dma_wait3A_210 = arith.constant 0 : i32
    %dma_wait3A_211 = tpu.memref_slice %arg7[%dma_wait3A_209, %dma_wait3A_210] : memref<320000x128xf32, #tpu.memory_space<hbm>> -> memref<80x128xf32, #tpu.memory_space<hbm>>
    %dma_wait3A_212 = arith.constant 0 : i32
    %dma_wait3A_213 = arith.constant 0 : i32
    %dma_wait3A_214 = tpu.memref_slice %arg11[%dma_wait3A_198, %dma_wait3A_212, %dma_wait3A_213] : memref<5x80x128xf32, #tpu.memory_space<vmem>> -> memref<1x80x128xf32, #tpu.memory_space<vmem>>
    %dma_wait3A_215 = tpu.memref_squeeze %dma_wait3A_214 : memref<1x80x128xf32, #tpu.memory_space<vmem>> -> memref<80x128xf32, #tpu.memory_space<vmem>>
    tpu.wait_dma2 semaphore(%dma_wait3A_208 : memref<!tpu.dma_semaphore, #tpu.memory_space<semaphore_mem>>) src(%dma_wait3A_215 : memref<80x128xf32, #tpu.memory_space<vmem>>) dst(%dma_wait3A_211 : memref<80x128xf32, #tpu.memory_space<hbm>>)
    %dma_wait3A_216 = arith.constant 4 : i32
    %dma_wait3A_217 = arith.constant 4 : i32
    %dma_wait3A_218 = arith.constant 0 : i32
    %dma_wait3A_219 = arith.constant 0 : i32
    %dma_wait3A_220 = tpu.memref_slice %arg10[%dma_wait3A_216, %dma_wait3A_218, %dma_wait3A_219] : memref<5x80x144xf32, #tpu.memory_space<vmem>> -> memref<1x80x144xf32, #tpu.memory_space<vmem>>
    %dma_wait3A_221 = tpu.memref_squeeze %dma_wait3A_220 : memref<1x80x144xf32, #tpu.memory_space<vmem>> -> memref<80x144xf32, #tpu.memory_space<vmem>>
    %dma_wait3A_222 = arith.constant 0 : i32
    %dma_wait3A_223 = arith.constant 0 : i32
    %dma_wait3A_224 = tpu.memref_slice %arg6[%dma_wait3A_222, %dma_wait3A_223] : memref<320000x144xf32, #tpu.memory_space<hbm>> -> memref<80x144xf32, #tpu.memory_space<hbm>>
    %dma_wait3A_225 = tpu.memref_slice %arg14[%dma_wait3A_217] : memref<5x!tpu.dma_semaphore, #tpu.memory_space<semaphore_mem>> -> memref<1x!tpu.dma_semaphore, #tpu.memory_space<semaphore_mem>>
    %dma_wait3A_226 = tpu.memref_squeeze %dma_wait3A_225 : memref<1x!tpu.dma_semaphore, #tpu.memory_space<semaphore_mem>> -> memref<!tpu.dma_semaphore, #tpu.memory_space<semaphore_mem>>
    %dma_wait3A_227 = arith.constant 0 : i32
    %dma_wait3A_228 = arith.constant 0 : i32
    %dma_wait3A_229 = tpu.memref_slice %arg6[%dma_wait3A_227, %dma_wait3A_228] : memref<320000x144xf32, #tpu.memory_space<hbm>> -> memref<80x144xf32, #tpu.memory_space<hbm>>
    %dma_wait3A_230 = arith.constant 0 : i32
    %dma_wait3A_231 = arith.constant 0 : i32
    %dma_wait3A_232 = tpu.memref_slice %arg10[%dma_wait3A_216, %dma_wait3A_230, %dma_wait3A_231] : memref<5x80x144xf32, #tpu.memory_space<vmem>> -> memref<1x80x144xf32, #tpu.memory_space<vmem>>
    %dma_wait3A_233 = tpu.memref_squeeze %dma_wait3A_232 : memref<1x80x144xf32, #tpu.memory_space<vmem>> -> memref<80x144xf32, #tpu.memory_space<vmem>>
    tpu.wait_dma2 semaphore(%dma_wait3A_226 : memref<!tpu.dma_semaphore, #tpu.memory_space<semaphore_mem>>) src(%dma_wait3A_233 : memref<80x144xf32, #tpu.memory_space<vmem>>) dst(%dma_wait3A_229 : memref<80x144xf32, #tpu.memory_space<hbm>>)
    %dma_wait3A_234 = arith.constant 4 : i32
    %dma_wait3A_235 = arith.constant 4 : i32
    %dma_wait3A_236 = arith.constant 0 : i32
    %dma_wait3A_237 = arith.constant 0 : i32
    %dma_wait3A_238 = tpu.memref_slice %arg11[%dma_wait3A_234, %dma_wait3A_236, %dma_wait3A_237] : memref<5x80x128xf32, #tpu.memory_space<vmem>> -> memref<1x80x128xf32, #tpu.memory_space<vmem>>
    %dma_wait3A_239 = tpu.memref_squeeze %dma_wait3A_238 : memref<1x80x128xf32, #tpu.memory_space<vmem>> -> memref<80x128xf32, #tpu.memory_space<vmem>>
    %dma_wait3A_240 = arith.constant 0 : i32
    %dma_wait3A_241 = arith.constant 0 : i32
    %dma_wait3A_242 = tpu.memref_slice %arg7[%dma_wait3A_240, %dma_wait3A_241] : memref<320000x128xf32, #tpu.memory_space<hbm>> -> memref<80x128xf32, #tpu.memory_space<hbm>>
    %dma_wait3A_243 = tpu.memref_slice %arg15[%dma_wait3A_235] : memref<5x!tpu.dma_semaphore, #tpu.memory_space<semaphore_mem>> -> memref<1x!tpu.dma_semaphore, #tpu.memory_space<semaphore_mem>>
    %dma_wait3A_244 = tpu.memref_squeeze %dma_wait3A_243 : memref<1x!tpu.dma_semaphore, #tpu.memory_space<semaphore_mem>> -> memref<!tpu.dma_semaphore, #tpu.memory_space<semaphore_mem>>
    %dma_wait3A_245 = arith.constant 0 : i32
    %dma_wait3A_246 = arith.constant 0 : i32
    %dma_wait3A_247 = tpu.memref_slice %arg7[%dma_wait3A_245, %dma_wait3A_246] : memref<320000x128xf32, #tpu.memory_space<hbm>> -> memref<80x128xf32, #tpu.memory_space<hbm>>
    %dma_wait3A_248 = arith.constant 0 : i32
    %dma_wait3A_249 = arith.constant 0 : i32
    %dma_wait3A_250 = tpu.memref_slice %arg11[%dma_wait3A_234, %dma_wait3A_248, %dma_wait3A_249] : memref<5x80x128xf32, #tpu.memory_space<vmem>> -> memref<1x80x128xf32, #tpu.memory_space<vmem>>
    %dma_wait3A_251 = tpu.memref_squeeze %dma_wait3A_250 : memref<1x80x128xf32, #tpu.memory_space<vmem>> -> memref<80x128xf32, #tpu.memory_space<vmem>>
    tpu.wait_dma2 semaphore(%dma_wait3A_244 : memref<!tpu.dma_semaphore, #tpu.memory_space<semaphore_mem>>) src(%dma_wait3A_251 : memref<80x128xf32, #tpu.memory_space<vmem>>) dst(%dma_wait3A_247 : memref<80x128xf32, #tpu.memory_space<hbm>>)
    return
  }
}

module attributes {stable_mosaic.version = 14 : i64} {
  func.func @_prep_body(%arg0: i32, %arg1: memref<1000x128xf32, #tpu.memory_space<vmem>>, %arg2: memref<1x1000x1xi32, #tpu.memory_space<vmem>>, %arg3: memref<16x16xf32, #tpu.memory_space<vmem>>, %arg4: memref<1000x144xf32, #tpu.memory_space<vmem>>) attributes {dimension_semantics = [#tpu.dimension_semantics<arbitrary>], iteration_bounds = array<i64: 10>, scalar_prefetch = 0 : i64, scratch_operands = 0 : i64, tpu.core_type = #tpu.core_type<tc>, window_params = [{transform_indices = @transform_0, window_bounds = array<i64: 1000, 128>}, {transform_indices = @transform_1, window_bounds = array<i64: 1, 1000, 1>}, {pipeline_mode = #tpu.pipeline_mode<synchronous>, transform_indices = @transform_2, window_bounds = array<i64: 16, 16>}, {transform_indices = @transform_3, window_bounds = array<i64: 1000, 144>}]} {
    %get3A = arith.constant 0 : index
    %get3A_0 = arith.constant 0 : index
    %get3A_1 = vector.load %arg1[%get3A, %get3A_0] : memref<1000x128xf32, #tpu.memory_space<vmem>>, vector<1000x128xf32>
    %get3A_2 = arith.constant 0 : index
    %get3A_3 = arith.constant 0 : index
    %get3A_4 = arith.constant 0 : index
    %get3A_5 = vector.load %arg2[%get3A_2, %get3A_3, %get3A_4] : memref<1x1000x1xi32, #tpu.memory_space<vmem>>, vector<1x1000x1xi32>
    %get3A_6 = vector.shape_cast %get3A_5 : vector<1x1000x1xi32> to vector<1000x1xi32>
    %iota3A = tpu.iota {dimensions = array<i32: 1>} : vector<1x16xi32>
    %eq3A = vector.broadcast %get3A_6 : vector<1000x1xi32> to vector<1000x16xi32>
    %eq3A_7 = vector.broadcast %iota3A : vector<1x16xi32> to vector<1000x16xi32>
    %eq3A_8 = arith.cmpi eq, %eq3A, %eq3A_7 : vector<1000x16xi32>
    %convert_element_type3A = arith.extui %eq3A_8 : vector<1000x16xi1> to vector<1000x16xi32>
    %convert_element_type3A_9 = arith.sitofp %convert_element_type3A : vector<1000x16xi32> to vector<1000x16xf32>
    %get3A_10 = arith.constant 0 : index
    %get3A_11 = arith.constant 0 : index
    %get3A_12 = vector.load %arg3[%get3A_10, %get3A_11] : memref<16x16xf32, #tpu.memory_space<vmem>>, vector<16x16xf32>
    %dot_general3A = arith.constant dense<0.000000e+00> : vector<1000x16xf32>
    %dot_general3A_13 = tpu.matmul %convert_element_type3A_9, %get3A_12, %dot_general3A {dimension_numbers = #tpu.dot_dimension_numbers<[1], [0], [0], [1], [0, 0, 1, 1], [], []>, transpose_lhs_hint = false} : vector<1000x16xf32>, vector<16x16xf32>, vector<1000x16xf32> -> vector<1000x16xf32>
    %concatenate3A = tpu.concatenate %get3A_1, %dot_general3A_13 in 1 : vector<1000x128xf32>, vector<1000x16xf32> -> vector<1000x144xf32>
    %swap3A = arith.constant 0 : index
    %swap3A_14 = arith.constant 0 : index
    %swap3A_15 = vector.load %arg4[%swap3A, %swap3A_14] : memref<1000x144xf32, #tpu.memory_space<vmem>>, vector<1000x144xf32>
    tpu.vector_store %arg4[%swap3A, %swap3A_14], %concatenate3A {strides = array<i32>} : memref<1000x144xf32, #tpu.memory_space<vmem>>, vector<1000x144xf32>,
    return
  }
  func.func @transform_0(%arg0: i32) -> (i32, i32) {
    %c0_i32 = arith.constant 0 : i32
    %c0_i32_0 = arith.constant 0 : i32
    return %arg0, %c0_i32 : i32, i32
  }
  func.func @transform_1(%arg0: i32) -> (i32, i32, i32) {
    %c0_i32 = arith.constant 0 : i32
    %c0_i32_0 = arith.constant 0 : i32
    %c0_i32_1 = arith.constant 0 : i32
    return %arg0, %c0_i32, %c0_i32_0 : i32, i32, i32
  }
  func.func @transform_2(%arg0: i32) -> (i32, i32) {
    %c0_i32 = arith.constant 0 : i32
    %c0_i32_0 = arith.constant 0 : i32
    %c0_i32_1 = arith.constant 0 : i32
    return %c0_i32, %c0_i32_0 : i32, i32
  }
  func.func @transform_3(%arg0: i32) -> (i32, i32) {
    %c0_i32 = arith.constant 0 : i32
    %c0_i32_0 = arith.constant 0 : i32
    return %arg0, %c0_i32 : i32, i32
  }
}

module attributes {stable_mosaic.version = 14 : i64} {
  func.func @_edge_body(%arg0: i32, %arg1: memref<1280x144xf32, #tpu.memory_space<vmem>>, %arg2: memref<1280x128xf32, #tpu.memory_space<vmem>>, %arg3: memref<1280x16xf32, #tpu.memory_space<vmem>>, %arg4: memref<144x288xf32, #tpu.memory_space<vmem>>, %arg5: memref<128x288xf32, #tpu.memory_space<vmem>>, %arg6: memref<16x288xf32, #tpu.memory_space<vmem>>, %arg7: memref<1x288xf32, #tpu.memory_space<vmem>>, %arg8: memref<288x16xf32, #tpu.memory_space<vmem>>, %arg9: memref<1x16xf32, #tpu.memory_space<vmem>>, %arg10: memref<1280x16xf32, #tpu.memory_space<vmem>>) attributes {dimension_semantics = [#tpu.dimension_semantics<arbitrary>], iteration_bounds = array<i64: 250>, scalar_prefetch = 0 : i64, scratch_operands = 0 : i64, tpu.core_type = #tpu.core_type<tc>, window_params = [{transform_indices = @transform_0, window_bounds = array<i64: 1280, 144>}, {transform_indices = @transform_1, window_bounds = array<i64: 1280, 128>}, {transform_indices = @transform_2, window_bounds = array<i64: 1280, 16>}, {pipeline_mode = #tpu.pipeline_mode<synchronous>, transform_indices = @transform_3, window_bounds = array<i64: 144, 288>}, {pipeline_mode = #tpu.pipeline_mode<synchronous>, transform_indices = @transform_4, window_bounds = array<i64: 128, 288>}, {pipeline_mode = #tpu.pipeline_mode<synchronous>, transform_indices = @transform_5, window_bounds = array<i64: 16, 288>}, {pipeline_mode = #tpu.pipeline_mode<synchronous>, transform_indices = @transform_6, window_bounds = array<i64: 1, 288>}, {pipeline_mode = #tpu.pipeline_mode<synchronous>, transform_indices = @transform_7, window_bounds = array<i64: 288, 16>}, {pipeline_mode = #tpu.pipeline_mode<synchronous>, transform_indices = @transform_8, window_bounds = array<i64: 1, 16>}, {transform_indices = @transform_9, window_bounds = array<i64: 1280, 16>}]} {
    %get3A = arith.constant 0 : index
    %get3A_0 = arith.constant 0 : index
    %get3A_1 = vector.load %arg1[%get3A, %get3A_0] : memref<1280x144xf32, #tpu.memory_space<vmem>>, vector<1280x144xf32>
    %get3A_2 = arith.constant 0 : index
    %get3A_3 = arith.constant 0 : index
    %get3A_4 = vector.load %arg4[%get3A_2, %get3A_3] : memref<144x288xf32, #tpu.memory_space<vmem>>, vector<144x288xf32>
    %dot_general3A = arith.constant dense<0.000000e+00> : vector<1280x288xf32>
    %dot_general3A_5 = tpu.matmul %get3A_1, %get3A_4, %dot_general3A {dimension_numbers = #tpu.dot_dimension_numbers<[1], [0], [0], [1], [0, 0, 1, 1], [], []>, transpose_lhs_hint = false} : vector<1280x144xf32>, vector<144x288xf32>, vector<1280x288xf32> -> vector<1280x288xf32>
    %get3A_6 = arith.constant 0 : index
    %get3A_7 = arith.constant 0 : index
    %get3A_8 = vector.load %arg2[%get3A_6, %get3A_7] : memref<1280x128xf32, #tpu.memory_space<vmem>>, vector<1280x128xf32>
    %get3A_9 = arith.constant 0 : index
    %get3A_10 = arith.constant 0 : index
    %get3A_11 = vector.load %arg5[%get3A_9, %get3A_10] : memref<128x288xf32, #tpu.memory_space<vmem>>, vector<128x288xf32>
    %dot_general3A_12 = arith.constant dense<0.000000e+00> : vector<1280x288xf32>
    %dot_general3A_13 = tpu.matmul %get3A_8, %get3A_11, %dot_general3A_12 {dimension_numbers = #tpu.dot_dimension_numbers<[1], [0], [0], [1], [0, 0, 1, 1], [], []>, transpose_lhs_hint = false} : vector<1280x128xf32>, vector<128x288xf32>, vector<1280x288xf32> -> vector<1280x288xf32>
    %add3A = arith.addf %dot_general3A_5, %dot_general3A_13 : vector<1280x288xf32>
    %get3A_14 = arith.constant 0 : index
    %get3A_15 = arith.constant 0 : index
    %get3A_16 = vector.load %arg3[%get3A_14, %get3A_15] : memref<1280x16xf32, #tpu.memory_space<vmem>>, vector<1280x16xf32>
    %get3A_17 = arith.constant 0 : index
    %get3A_18 = arith.constant 0 : index
    %get3A_19 = vector.load %arg6[%get3A_17, %get3A_18] : memref<16x288xf32, #tpu.memory_space<vmem>>, vector<16x288xf32>
    %dot_general3A_20 = arith.constant dense<0.000000e+00> : vector<1280x288xf32>
    %dot_general3A_21 = tpu.matmul %get3A_16, %get3A_19, %dot_general3A_20 {dimension_numbers = #tpu.dot_dimension_numbers<[1], [0], [0], [1], [0, 0, 1, 1], [], []>, transpose_lhs_hint = false} : vector<1280x16xf32>, vector<16x288xf32>, vector<1280x288xf32> -> vector<1280x288xf32>
    %add3A_22 = arith.addf %add3A, %dot_general3A_21 : vector<1280x288xf32>
    %get3A_23 = arith.constant 0 : index
    %get3A_24 = arith.constant 0 : index
    %get3A_25 = vector.load %arg7[%get3A_23, %get3A_24] : memref<1x288xf32, #tpu.memory_space<vmem>>, vector<1x288xf32>
    %add3A_26 = vector.broadcast %get3A_25 : vector<1x288xf32> to vector<1280x288xf32>
    %add3A_27 = arith.addf %add3A_22, %add3A_26 : vector<1280x288xf32>
    %mul3A = arith.constant 5.000000e-01 : f32
    %mul3A_28 = vector.broadcast %mul3A : f32 to vector<1280x288xf32>
    %mul3A_29 = arith.mulf %mul3A_28, %add3A_27 : vector<1280x288xf32>
    %mul3A_30 = arith.constant 0.707106769 : f32
    %mul3A_31 = vector.broadcast %mul3A_30 : f32 to vector<1280x288xf32>
    %mul3A_32 = arith.mulf %add3A_27, %mul3A_31 : vector<1280x288xf32>
    %erf3A = math.erf %mul3A_32 : vector<1280x288xf32>
    %add3A_33 = arith.constant 1.000000e+00 : f32
    %add3A_34 = vector.broadcast %add3A_33 : f32 to vector<1280x288xf32>
    %add3A_35 = arith.addf %add3A_34, %erf3A : vector<1280x288xf32>
    %mul3A_36 = arith.mulf %mul3A_29, %add3A_35 : vector<1280x288xf32>
    %get3A_37 = arith.constant 0 : index
    %get3A_38 = arith.constant 0 : index
    %get3A_39 = vector.load %arg8[%get3A_37, %get3A_38] : memref<288x16xf32, #tpu.memory_space<vmem>>, vector<288x16xf32>
    %dot_general3A_40 = arith.constant dense<0.000000e+00> : vector<1280x16xf32>
    %dot_general3A_41 = tpu.matmul %mul3A_36, %get3A_39, %dot_general3A_40 {dimension_numbers = #tpu.dot_dimension_numbers<[1], [0], [0], [1], [0, 0, 1, 1], [], []>, transpose_lhs_hint = false} : vector<1280x288xf32>, vector<288x16xf32>, vector<1280x16xf32> -> vector<1280x16xf32>
    %get3A_42 = arith.constant 0 : index
    %get3A_43 = arith.constant 0 : index
    %get3A_44 = vector.load %arg9[%get3A_42, %get3A_43] : memref<1x16xf32, #tpu.memory_space<vmem>>, vector<1x16xf32>
    %add3A_45 = vector.broadcast %get3A_44 : vector<1x16xf32> to vector<1280x16xf32>
    %add3A_46 = arith.addf %dot_general3A_41, %add3A_45 : vector<1280x16xf32>
    %mul3A_47 = arith.constant 5.000000e-01 : f32
    %mul3A_48 = vector.broadcast %mul3A_47 : f32 to vector<1280x16xf32>
    %mul3A_49 = arith.mulf %mul3A_48, %add3A_46 : vector<1280x16xf32>
    %mul3A_50 = arith.constant 0.707106769 : f32
    %mul3A_51 = vector.broadcast %mul3A_50 : f32 to vector<1280x16xf32>
    %mul3A_52 = arith.mulf %add3A_46, %mul3A_51 : vector<1280x16xf32>
    %erf3A_53 = math.erf %mul3A_52 : vector<1280x16xf32>
    %add3A_54 = arith.constant 1.000000e+00 : f32
    %add3A_55 = vector.broadcast %add3A_54 : f32 to vector<1280x16xf32>
    %add3A_56 = arith.addf %add3A_55, %erf3A_53 : vector<1280x16xf32>
    %mul3A_57 = arith.mulf %mul3A_49, %add3A_56 : vector<1280x16xf32>
    %swap3A = arith.constant 0 : index
    %swap3A_58 = arith.constant 0 : index
    %swap3A_59 = vector.load %arg10[%swap3A, %swap3A_58] : memref<1280x16xf32, #tpu.memory_space<vmem>>, vector<1280x16xf32>
    tpu.vector_store %arg10[%swap3A, %swap3A_58], %mul3A_57 {strides = array<i32>} : memref<1280x16xf32, #tpu.memory_space<vmem>>, vector<1280x16xf32>,
    return
  }
  func.func @transform_0(%arg0: i32) -> (i32, i32) {
    %c0_i32 = arith.constant 0 : i32
    %c0_i32_0 = arith.constant 0 : i32
    return %arg0, %c0_i32 : i32, i32
  }
  func.func @transform_1(%arg0: i32) -> (i32, i32) {
    %c0_i32 = arith.constant 0 : i32
    %c0_i32_0 = arith.constant 0 : i32
    return %arg0, %c0_i32 : i32, i32
  }
  func.func @transform_2(%arg0: i32) -> (i32, i32) {
    %c0_i32 = arith.constant 0 : i32
    %c0_i32_0 = arith.constant 0 : i32
    return %arg0, %c0_i32 : i32, i32
  }
  func.func @transform_3(%arg0: i32) -> (i32, i32) {
    %c0_i32 = arith.constant 0 : i32
    %c0_i32_0 = arith.constant 0 : i32
    %c0_i32_1 = arith.constant 0 : i32
    return %c0_i32, %c0_i32_0 : i32, i32
  }
  func.func @transform_4(%arg0: i32) -> (i32, i32) {
    %c0_i32 = arith.constant 0 : i32
    %c0_i32_0 = arith.constant 0 : i32
    %c0_i32_1 = arith.constant 0 : i32
    return %c0_i32, %c0_i32_0 : i32, i32
  }
  func.func @transform_5(%arg0: i32) -> (i32, i32) {
    %c0_i32 = arith.constant 0 : i32
    %c0_i32_0 = arith.constant 0 : i32
    %c0_i32_1 = arith.constant 0 : i32
    return %c0_i32, %c0_i32_0 : i32, i32
  }
  func.func @transform_6(%arg0: i32) -> (i32, i32) {
    %c0_i32 = arith.constant 0 : i32
    %c0_i32_0 = arith.constant 0 : i32
    %c0_i32_1 = arith.constant 0 : i32
    return %c0_i32, %c0_i32_0 : i32, i32
  }
  func.func @transform_7(%arg0: i32) -> (i32, i32) {
    %c0_i32 = arith.constant 0 : i32
    %c0_i32_0 = arith.constant 0 : i32
    %c0_i32_1 = arith.constant 0 : i32
    return %c0_i32, %c0_i32_0 : i32, i32
  }
  func.func @transform_8(%arg0: i32) -> (i32, i32) {
    %c0_i32 = arith.constant 0 : i32
    %c0_i32_0 = arith.constant 0 : i32
    %c0_i32_1 = arith.constant 0 : i32
    return %c0_i32, %c0_i32_0 : i32, i32
  }
  func.func @transform_9(%arg0: i32) -> (i32, i32) {
    %c0_i32 = arith.constant 0 : i32
    %c0_i32_0 = arith.constant 0 : i32
    return %arg0, %c0_i32 : i32, i32
  }
}

module attributes {stable_mosaic.version = 14 : i64} {
  func.func @_node_body(%arg0: i32, %arg1: memref<1000x144xf32, #tpu.memory_space<vmem>>, %arg2: memref<1000x16xf32, #tpu.memory_space<vmem>>, %arg3: memref<1000x16xf32, #tpu.memory_space<vmem>>, %arg4: memref<1x1000x1xi32, #tpu.memory_space<vmem>>, %arg5: memref<128x160xf32, #tpu.memory_space<vmem>>, %arg6: memref<16x160xf32, #tpu.memory_space<vmem>>, %arg7: memref<16x160xf32, #tpu.memory_space<vmem>>, %arg8: memref<1x160xf32, #tpu.memory_space<vmem>>, %arg9: memref<160x128xf32, #tpu.memory_space<vmem>>, %arg10: memref<1x128xf32, #tpu.memory_space<vmem>>, %arg11: memref<1000x128xf32, #tpu.memory_space<vmem>>, %arg12: memref<16x128xf32, #tpu.memory_space<vmem>>, %arg13: memref<16x16xf32, #tpu.memory_space<vmem>>) attributes {dimension_semantics = [#tpu.dimension_semantics<arbitrary>], iteration_bounds = array<i64: 10>, scalar_prefetch = 0 : i64, scratch_operands = 0 : i64, tpu.core_type = #tpu.core_type<tc>, window_params = [{transform_indices = @transform_0, window_bounds = array<i64: 1000, 144>}, {transform_indices = @transform_1, window_bounds = array<i64: 1000, 16>}, {transform_indices = @transform_2, window_bounds = array<i64: 1000, 16>}, {transform_indices = @transform_3, window_bounds = array<i64: 1, 1000, 1>}, {pipeline_mode = #tpu.pipeline_mode<synchronous>, transform_indices = @transform_4, window_bounds = array<i64: 128, 160>}, {pipeline_mode = #tpu.pipeline_mode<synchronous>, transform_indices = @transform_5, window_bounds = array<i64: 16, 160>}, {pipeline_mode = #tpu.pipeline_mode<synchronous>, transform_indices = @transform_6, window_bounds = array<i64: 16, 160>}, {pipeline_mode = #tpu.pipeline_mode<synchronous>, transform_indices = @transform_7, window_bounds = array<i64: 1, 160>}, {pipeline_mode = #tpu.pipeline_mode<synchronous>, transform_indices = @transform_8, window_bounds = array<i64: 160, 128>}, {pipeline_mode = #tpu.pipeline_mode<synchronous>, transform_indices = @transform_9, window_bounds = array<i64: 1, 128>}, {transform_indices = @transform_10, window_bounds = array<i64: 1000, 128>}, {pipeline_mode = #tpu.pipeline_mode<synchronous>, transform_indices = @transform_11, window_bounds = array<i64: 16, 128>}, {pipeline_mode = #tpu.pipeline_mode<synchronous>, transform_indices = @transform_12, window_bounds = array<i64: 16, 16>}]} {
    %get3A = arith.constant 0 : index
    %get3A_0 = arith.constant 0 : index
    %get3A_1 = vector.load %arg1[%get3A, %get3A_0] : memref<1000x144xf32, #tpu.memory_space<vmem>>, vector<1000x144xf32>
    %slice3A = vector.extract_strided_slice %get3A_1 {offsets = [0, 0], sizes = [1000, 128], strides = [1, 1]} : vector<1000x144xf32> to vector<1000x128xf32>
    %slice3A_2 = vector.extract_strided_slice %get3A_1 {offsets = [0, 128], sizes = [1000, 16], strides = [1, 1]} : vector<1000x144xf32> to vector<1000x16xf32>
    %get3A_3 = arith.constant 0 : index
    %get3A_4 = arith.constant 0 : index
    %get3A_5 = vector.load %arg2[%get3A_3, %get3A_4] : memref<1000x16xf32, #tpu.memory_space<vmem>>, vector<1000x16xf32>
    %get3A_6 = arith.constant 0 : index
    %get3A_7 = arith.constant 0 : index
    %get3A_8 = vector.load %arg3[%get3A_6, %get3A_7] : memref<1000x16xf32, #tpu.memory_space<vmem>>, vector<1000x16xf32>
    %add3A = arith.addf %get3A_5, %get3A_8 : vector<1000x16xf32>
    %get3A_9 = arith.constant 0 : index
    %get3A_10 = arith.constant 0 : index
    %get3A_11 = vector.load %arg5[%get3A_9, %get3A_10] : memref<128x160xf32, #tpu.memory_space<vmem>>, vector<128x160xf32>
    %dot_general3A = arith.constant dense<0.000000e+00> : vector<1000x160xf32>
    %dot_general3A_12 = tpu.matmul %slice3A, %get3A_11, %dot_general3A {dimension_numbers = #tpu.dot_dimension_numbers<[1], [0], [0], [1], [0, 0, 1, 1], [], []>, transpose_lhs_hint = false} : vector<1000x128xf32>, vector<128x160xf32>, vector<1000x160xf32> -> vector<1000x160xf32>
    %get3A_13 = arith.constant 0 : index
    %get3A_14 = arith.constant 0 : index
    %get3A_15 = vector.load %arg6[%get3A_13, %get3A_14] : memref<16x160xf32, #tpu.memory_space<vmem>>, vector<16x160xf32>
    %dot_general3A_16 = arith.constant dense<0.000000e+00> : vector<1000x160xf32>
    %dot_general3A_17 = tpu.matmul %add3A, %get3A_15, %dot_general3A_16 {dimension_numbers = #tpu.dot_dimension_numbers<[1], [0], [0], [1], [0, 0, 1, 1], [], []>, transpose_lhs_hint = false} : vector<1000x16xf32>, vector<16x160xf32>, vector<1000x160xf32> -> vector<1000x160xf32>
    %add3A_18 = arith.addf %dot_general3A_12, %dot_general3A_17 : vector<1000x160xf32>
    %get3A_19 = arith.constant 0 : index
    %get3A_20 = arith.constant 0 : index
    %get3A_21 = vector.load %arg7[%get3A_19, %get3A_20] : memref<16x160xf32, #tpu.memory_space<vmem>>, vector<16x160xf32>
    %dot_general3A_22 = arith.constant dense<0.000000e+00> : vector<1000x160xf32>
    %dot_general3A_23 = tpu.matmul %slice3A_2, %get3A_21, %dot_general3A_22 {dimension_numbers = #tpu.dot_dimension_numbers<[1], [0], [0], [1], [0, 0, 1, 1], [], []>, transpose_lhs_hint = false} : vector<1000x16xf32>, vector<16x160xf32>, vector<1000x160xf32> -> vector<1000x160xf32>
    %add3A_24 = arith.addf %add3A_18, %dot_general3A_23 : vector<1000x160xf32>
    %get3A_25 = arith.constant 0 : index
    %get3A_26 = arith.constant 0 : index
    %get3A_27 = vector.load %arg8[%get3A_25, %get3A_26] : memref<1x160xf32, #tpu.memory_space<vmem>>, vector<1x160xf32>
    %add3A_28 = vector.broadcast %get3A_27 : vector<1x160xf32> to vector<1000x160xf32>
    %add3A_29 = arith.addf %add3A_24, %add3A_28 : vector<1000x160xf32>
    %mul3A = arith.constant 5.000000e-01 : f32
    %mul3A_30 = vector.broadcast %mul3A : f32 to vector<1000x160xf32>
    %mul3A_31 = arith.mulf %mul3A_30, %add3A_29 : vector<1000x160xf32>
    %mul3A_32 = arith.constant 0.707106769 : f32
    %mul3A_33 = vector.broadcast %mul3A_32 : f32 to vector<1000x160xf32>
    %mul3A_34 = arith.mulf %add3A_29, %mul3A_33 : vector<1000x160xf32>
    %erf3A = math.erf %mul3A_34 : vector<1000x160xf32>
    %add3A_35 = arith.constant 1.000000e+00 : f32
    %add3A_36 = vector.broadcast %add3A_35 : f32 to vector<1000x160xf32>
    %add3A_37 = arith.addf %add3A_36, %erf3A : vector<1000x160xf32>
    %mul3A_38 = arith.mulf %mul3A_31, %add3A_37 : vector<1000x160xf32>
    %get3A_39 = arith.constant 0 : index
    %get3A_40 = arith.constant 0 : index
    %get3A_41 = vector.load %arg9[%get3A_39, %get3A_40] : memref<160x128xf32, #tpu.memory_space<vmem>>, vector<160x128xf32>
    %dot_general3A_42 = arith.constant dense<0.000000e+00> : vector<1000x128xf32>
    %dot_general3A_43 = tpu.matmul %mul3A_38, %get3A_41, %dot_general3A_42 {dimension_numbers = #tpu.dot_dimension_numbers<[1], [0], [0], [1], [0, 0, 1, 1], [], []>, transpose_lhs_hint = false} : vector<1000x160xf32>, vector<160x128xf32>, vector<1000x128xf32> -> vector<1000x128xf32>
    %get3A_44 = arith.constant 0 : index
    %get3A_45 = arith.constant 0 : index
    %get3A_46 = vector.load %arg10[%get3A_44, %get3A_45] : memref<1x128xf32, #tpu.memory_space<vmem>>, vector<1x128xf32>
    %add3A_47 = vector.broadcast %get3A_46 : vector<1x128xf32> to vector<1000x128xf32>
    %add3A_48 = arith.addf %dot_general3A_43, %add3A_47 : vector<1000x128xf32>
    %mul3A_49 = arith.constant 5.000000e-01 : f32
    %mul3A_50 = vector.broadcast %mul3A_49 : f32 to vector<1000x128xf32>
    %mul3A_51 = arith.mulf %mul3A_50, %add3A_48 : vector<1000x128xf32>
    %mul3A_52 = arith.constant 0.707106769 : f32
    %mul3A_53 = vector.broadcast %mul3A_52 : f32 to vector<1000x128xf32>
    %mul3A_54 = arith.mulf %add3A_48, %mul3A_53 : vector<1000x128xf32>
    %erf3A_55 = math.erf %mul3A_54 : vector<1000x128xf32>
    %add3A_56 = arith.constant 1.000000e+00 : f32
    %add3A_57 = vector.broadcast %add3A_56 : f32 to vector<1000x128xf32>
    %add3A_58 = arith.addf %add3A_57, %erf3A_55 : vector<1000x128xf32>
    %mul3A_59 = arith.mulf %mul3A_51, %add3A_58 : vector<1000x128xf32>
    %swap3A = arith.constant 0 : index
    %swap3A_60 = arith.constant 0 : index
    %swap3A_61 = vector.load %arg11[%swap3A, %swap3A_60] : memref<1000x128xf32, #tpu.memory_space<vmem>>, vector<1000x128xf32>
    tpu.vector_store %arg11[%swap3A, %swap3A_60], %mul3A_59 {strides = array<i32>} : memref<1000x128xf32, #tpu.memory_space<vmem>>, vector<1000x128xf32>,
    %eq3A = arith.constant 0 : i32
    %eq3A_62 = arith.cmpi eq, %arg0, %eq3A : i32
    %convert_element_type3A = arith.extui %eq3A_62 : i1 to i32
    %cond3A = arith.constant 0x7F800000 : f32
    %cond3A_63 = arith.constant 0 : i32
    %cond3A_64 = arith.cmpi ne, %convert_element_type3A, %cond3A_63 : i32
    scf.if %cond3A_64 {
      %broadcast_in_dim3A_384 = vector.broadcast %cond3A : f32 to vector<16x128xf32>
      %swap3A_385 = arith.constant 0 : index
      %swap3A_386 = arith.constant 0 : index
      %swap3A_387 = vector.load %arg12[%swap3A_385, %swap3A_386] : memref<16x128xf32, #tpu.memory_space<vmem>>, vector<16x128xf32>
      tpu.vector_store %arg12[%swap3A_385, %swap3A_386], %broadcast_in_dim3A_384 {strides = array<i32>} : memref<16x128xf32, #tpu.memory_space<vmem>>, vector<16x128xf32>,
      %broadcast_in_dim3A_388 = vector.broadcast %cond3A : f32 to vector<16x16xf32>
      %swap3A_389 = arith.constant 0 : index
      %swap3A_390 = arith.constant 0 : index
      %swap3A_391 = vector.load %arg13[%swap3A_389, %swap3A_390] : memref<16x16xf32, #tpu.memory_space<vmem>>, vector<16x16xf32>
      tpu.vector_store %arg13[%swap3A_389, %swap3A_390], %broadcast_in_dim3A_388 {strides = array<i32>} : memref<16x16xf32, #tpu.memory_space<vmem>>, vector<16x16xf32>,
    } else {
    }
    %get3A_65 = arith.constant 0 : index
    %get3A_66 = arith.constant 0 : index
    %get3A_67 = arith.constant 0 : index
    %get3A_68 = vector.load %arg4[%get3A_65, %get3A_66, %get3A_67] : memref<1x1000x1xi32, #tpu.memory_space<vmem>>, vector<1x1000x1xi32>
    %get3A_69 = vector.shape_cast %get3A_68 : vector<1x1000x1xi32> to vector<1000x1xi32>
    %eq3A_70 = arith.constant 0 : i32
    %eq3A_71 = vector.broadcast %eq3A_70 : i32 to vector<1000x1xi32>
    %eq3A_72 = arith.cmpi eq, %get3A_69, %eq3A_71 : vector<1000x1xi32>
    %jit3A = arith.constant 0x7F800000 : f32
    %broadcast_in_dim3A = vector.shape_cast %eq3A_72 : vector<1000x1xi1> to vector<1000x1xi1>
    %broadcast_in_dim3A_73 = vector.broadcast %broadcast_in_dim3A : vector<1000x1xi1> to vector<1000x128xi1>
    %broadcast_in_dim3A_74 = vector.broadcast %jit3A : f32 to vector<1000x128xf32>
    %select_n3A = arith.select %broadcast_in_dim3A_73, %mul3A_59, %broadcast_in_dim3A_74 : vector<1000x128xi1>, vector<1000x128xf32>
    %reduce_min3A = arith.constant dense<0x7F800000> : vector<128xf32>
    %reduce_min3A_75 = vector.multi_reduction <minimumf>, %select_n3A, %reduce_min3A [0] : vector<1000x128xf32> to vector<128xf32>
    %jit3A_76 = arith.constant 0x7F800000 : f32
    %broadcast_in_dim3A_77 = vector.shape_cast %eq3A_72 : vector<1000x1xi1> to vector<1000x1xi1>
    %broadcast_in_dim3A_78 = vector.broadcast %broadcast_in_dim3A_77 : vector<1000x1xi1> to vector<1000x16xi1>
    %broadcast_in_dim3A_79 = vector.broadcast %jit3A_76 : f32 to vector<1000x16xf32>
    %select_n3A_80 = arith.select %broadcast_in_dim3A_78, %add3A, %broadcast_in_dim3A_79 : vector<1000x16xi1>, vector<1000x16xf32>
    %reduce_min3A_81 = arith.constant dense<0x7F800000> : vector<16xf32>
    %reduce_min3A_82 = vector.multi_reduction <minimumf>, %select_n3A_80, %reduce_min3A_81 [0] : vector<1000x16xf32> to vector<16xf32>
    %eq3A_83 = arith.constant 1 : i32
    %eq3A_84 = vector.broadcast %eq3A_83 : i32 to vector<1000x1xi32>
    %eq3A_85 = arith.cmpi eq, %get3A_69, %eq3A_84 : vector<1000x1xi32>
    %jit3A_86 = arith.constant 0x7F800000 : f32
    %broadcast_in_dim3A_87 = vector.shape_cast %eq3A_85 : vector<1000x1xi1> to vector<1000x1xi1>
    %broadcast_in_dim3A_88 = vector.broadcast %broadcast_in_dim3A_87 : vector<1000x1xi1> to vector<1000x128xi1>
    %broadcast_in_dim3A_89 = vector.broadcast %jit3A_86 : f32 to vector<1000x128xf32>
    %select_n3A_90 = arith.select %broadcast_in_dim3A_88, %mul3A_59, %broadcast_in_dim3A_89 : vector<1000x128xi1>, vector<1000x128xf32>
    %reduce_min3A_91 = arith.constant dense<0x7F800000> : vector<128xf32>
    %reduce_min3A_92 = vector.multi_reduction <minimumf>, %select_n3A_90, %reduce_min3A_91 [0] : vector<1000x128xf32> to vector<128xf32>
    %jit3A_93 = arith.constant 0x7F800000 : f32
    %broadcast_in_dim3A_94 = vector.shape_cast %eq3A_85 : vector<1000x1xi1> to vector<1000x1xi1>
    %broadcast_in_dim3A_95 = vector.broadcast %broadcast_in_dim3A_94 : vector<1000x1xi1> to vector<1000x16xi1>
    %broadcast_in_dim3A_96 = vector.broadcast %jit3A_93 : f32 to vector<1000x16xf32>
    %select_n3A_97 = arith.select %broadcast_in_dim3A_95, %add3A, %broadcast_in_dim3A_96 : vector<1000x16xi1>, vector<1000x16xf32>
    %reduce_min3A_98 = arith.constant dense<0x7F800000> : vector<16xf32>
    %reduce_min3A_99 = vector.multi_reduction <minimumf>, %select_n3A_97, %reduce_min3A_98 [0] : vector<1000x16xf32> to vector<16xf32>
    %eq3A_100 = arith.constant 2 : i32
    %eq3A_101 = vector.broadcast %eq3A_100 : i32 to vector<1000x1xi32>
    %eq3A_102 = arith.cmpi eq, %get3A_69, %eq3A_101 : vector<1000x1xi32>
    %jit3A_103 = arith.constant 0x7F800000 : f32
    %broadcast_in_dim3A_104 = vector.shape_cast %eq3A_102 : vector<1000x1xi1> to vector<1000x1xi1>
    %broadcast_in_dim3A_105 = vector.broadcast %broadcast_in_dim3A_104 : vector<1000x1xi1> to vector<1000x128xi1>
    %broadcast_in_dim3A_106 = vector.broadcast %jit3A_103 : f32 to vector<1000x128xf32>
    %select_n3A_107 = arith.select %broadcast_in_dim3A_105, %mul3A_59, %broadcast_in_dim3A_106 : vector<1000x128xi1>, vector<1000x128xf32>
    %reduce_min3A_108 = arith.constant dense<0x7F800000> : vector<128xf32>
    %reduce_min3A_109 = vector.multi_reduction <minimumf>, %select_n3A_107, %reduce_min3A_108 [0] : vector<1000x128xf32> to vector<128xf32>
    %jit3A_110 = arith.constant 0x7F800000 : f32
    %broadcast_in_dim3A_111 = vector.shape_cast %eq3A_102 : vector<1000x1xi1> to vector<1000x1xi1>
    %broadcast_in_dim3A_112 = vector.broadcast %broadcast_in_dim3A_111 : vector<1000x1xi1> to vector<1000x16xi1>
    %broadcast_in_dim3A_113 = vector.broadcast %jit3A_110 : f32 to vector<1000x16xf32>
    %select_n3A_114 = arith.select %broadcast_in_dim3A_112, %add3A, %broadcast_in_dim3A_113 : vector<1000x16xi1>, vector<1000x16xf32>
    %reduce_min3A_115 = arith.constant dense<0x7F800000> : vector<16xf32>
    %reduce_min3A_116 = vector.multi_reduction <minimumf>, %select_n3A_114, %reduce_min3A_115 [0] : vector<1000x16xf32> to vector<16xf32>
    %eq3A_117 = arith.constant 3 : i32
    %eq3A_118 = vector.broadcast %eq3A_117 : i32 to vector<1000x1xi32>
    %eq3A_119 = arith.cmpi eq, %get3A_69, %eq3A_118 : vector<1000x1xi32>
    %jit3A_120 = arith.constant 0x7F800000 : f32
    %broadcast_in_dim3A_121 = vector.shape_cast %eq3A_119 : vector<1000x1xi1> to vector<1000x1xi1>
    %broadcast_in_dim3A_122 = vector.broadcast %broadcast_in_dim3A_121 : vector<1000x1xi1> to vector<1000x128xi1>
    %broadcast_in_dim3A_123 = vector.broadcast %jit3A_120 : f32 to vector<1000x128xf32>
    %select_n3A_124 = arith.select %broadcast_in_dim3A_122, %mul3A_59, %broadcast_in_dim3A_123 : vector<1000x128xi1>, vector<1000x128xf32>
    %reduce_min3A_125 = arith.constant dense<0x7F800000> : vector<128xf32>
    %reduce_min3A_126 = vector.multi_reduction <minimumf>, %select_n3A_124, %reduce_min3A_125 [0] : vector<1000x128xf32> to vector<128xf32>
    %jit3A_127 = arith.constant 0x7F800000 : f32
    %broadcast_in_dim3A_128 = vector.shape_cast %eq3A_119 : vector<1000x1xi1> to vector<1000x1xi1>
    %broadcast_in_dim3A_129 = vector.broadcast %broadcast_in_dim3A_128 : vector<1000x1xi1> to vector<1000x16xi1>
    %broadcast_in_dim3A_130 = vector.broadcast %jit3A_127 : f32 to vector<1000x16xf32>
    %select_n3A_131 = arith.select %broadcast_in_dim3A_129, %add3A, %broadcast_in_dim3A_130 : vector<1000x16xi1>, vector<1000x16xf32>
    %reduce_min3A_132 = arith.constant dense<0x7F800000> : vector<16xf32>
    %reduce_min3A_133 = vector.multi_reduction <minimumf>, %select_n3A_131, %reduce_min3A_132 [0] : vector<1000x16xf32> to vector<16xf32>
    %eq3A_134 = arith.constant 4 : i32
    %eq3A_135 = vector.broadcast %eq3A_134 : i32 to vector<1000x1xi32>
    %eq3A_136 = arith.cmpi eq, %get3A_69, %eq3A_135 : vector<1000x1xi32>
    %jit3A_137 = arith.constant 0x7F800000 : f32
    %broadcast_in_dim3A_138 = vector.shape_cast %eq3A_136 : vector<1000x1xi1> to vector<1000x1xi1>
    %broadcast_in_dim3A_139 = vector.broadcast %broadcast_in_dim3A_138 : vector<1000x1xi1> to vector<1000x128xi1>
    %broadcast_in_dim3A_140 = vector.broadcast %jit3A_137 : f32 to vector<1000x128xf32>
    %select_n3A_141 = arith.select %broadcast_in_dim3A_139, %mul3A_59, %broadcast_in_dim3A_140 : vector<1000x128xi1>, vector<1000x128xf32>
    %reduce_min3A_142 = arith.constant dense<0x7F800000> : vector<128xf32>
    %reduce_min3A_143 = vector.multi_reduction <minimumf>, %select_n3A_141, %reduce_min3A_142 [0] : vector<1000x128xf32> to vector<128xf32>
    %jit3A_144 = arith.constant 0x7F800000 : f32
    %broadcast_in_dim3A_145 = vector.shape_cast %eq3A_136 : vector<1000x1xi1> to vector<1000x1xi1>
    %broadcast_in_dim3A_146 = vector.broadcast %broadcast_in_dim3A_145 : vector<1000x1xi1> to vector<1000x16xi1>
    %broadcast_in_dim3A_147 = vector.broadcast %jit3A_144 : f32 to vector<1000x16xf32>
    %select_n3A_148 = arith.select %broadcast_in_dim3A_146, %add3A, %broadcast_in_dim3A_147 : vector<1000x16xi1>, vector<1000x16xf32>
    %reduce_min3A_149 = arith.constant dense<0x7F800000> : vector<16xf32>
    %reduce_min3A_150 = vector.multi_reduction <minimumf>, %select_n3A_148, %reduce_min3A_149 [0] : vector<1000x16xf32> to vector<16xf32>
    %eq3A_151 = arith.constant 5 : i32
    %eq3A_152 = vector.broadcast %eq3A_151 : i32 to vector<1000x1xi32>
    %eq3A_153 = arith.cmpi eq, %get3A_69, %eq3A_152 : vector<1000x1xi32>
    %jit3A_154 = arith.constant 0x7F800000 : f32
    %broadcast_in_dim3A_155 = vector.shape_cast %eq3A_153 : vector<1000x1xi1> to vector<1000x1xi1>
    %broadcast_in_dim3A_156 = vector.broadcast %broadcast_in_dim3A_155 : vector<1000x1xi1> to vector<1000x128xi1>
    %broadcast_in_dim3A_157 = vector.broadcast %jit3A_154 : f32 to vector<1000x128xf32>
    %select_n3A_158 = arith.select %broadcast_in_dim3A_156, %mul3A_59, %broadcast_in_dim3A_157 : vector<1000x128xi1>, vector<1000x128xf32>
    %reduce_min3A_159 = arith.constant dense<0x7F800000> : vector<128xf32>
    %reduce_min3A_160 = vector.multi_reduction <minimumf>, %select_n3A_158, %reduce_min3A_159 [0] : vector<1000x128xf32> to vector<128xf32>
    %jit3A_161 = arith.constant 0x7F800000 : f32
    %broadcast_in_dim3A_162 = vector.shape_cast %eq3A_153 : vector<1000x1xi1> to vector<1000x1xi1>
    %broadcast_in_dim3A_163 = vector.broadcast %broadcast_in_dim3A_162 : vector<1000x1xi1> to vector<1000x16xi1>
    %broadcast_in_dim3A_164 = vector.broadcast %jit3A_161 : f32 to vector<1000x16xf32>
    %select_n3A_165 = arith.select %broadcast_in_dim3A_163, %add3A, %broadcast_in_dim3A_164 : vector<1000x16xi1>, vector<1000x16xf32>
    %reduce_min3A_166 = arith.constant dense<0x7F800000> : vector<16xf32>
    %reduce_min3A_167 = vector.multi_reduction <minimumf>, %select_n3A_165, %reduce_min3A_166 [0] : vector<1000x16xf32> to vector<16xf32>
    %eq3A_168 = arith.constant 6 : i32
    %eq3A_169 = vector.broadcast %eq3A_168 : i32 to vector<1000x1xi32>
    %eq3A_170 = arith.cmpi eq, %get3A_69, %eq3A_169 : vector<1000x1xi32>
    %jit3A_171 = arith.constant 0x7F800000 : f32
    %broadcast_in_dim3A_172 = vector.shape_cast %eq3A_170 : vector<1000x1xi1> to vector<1000x1xi1>
    %broadcast_in_dim3A_173 = vector.broadcast %broadcast_in_dim3A_172 : vector<1000x1xi1> to vector<1000x128xi1>
    %broadcast_in_dim3A_174 = vector.broadcast %jit3A_171 : f32 to vector<1000x128xf32>
    %select_n3A_175 = arith.select %broadcast_in_dim3A_173, %mul3A_59, %broadcast_in_dim3A_174 : vector<1000x128xi1>, vector<1000x128xf32>
    %reduce_min3A_176 = arith.constant dense<0x7F800000> : vector<128xf32>
    %reduce_min3A_177 = vector.multi_reduction <minimumf>, %select_n3A_175, %reduce_min3A_176 [0] : vector<1000x128xf32> to vector<128xf32>
    %jit3A_178 = arith.constant 0x7F800000 : f32
    %broadcast_in_dim3A_179 = vector.shape_cast %eq3A_170 : vector<1000x1xi1> to vector<1000x1xi1>
    %broadcast_in_dim3A_180 = vector.broadcast %broadcast_in_dim3A_179 : vector<1000x1xi1> to vector<1000x16xi1>
    %broadcast_in_dim3A_181 = vector.broadcast %jit3A_178 : f32 to vector<1000x16xf32>
    %select_n3A_182 = arith.select %broadcast_in_dim3A_180, %add3A, %broadcast_in_dim3A_181 : vector<1000x16xi1>, vector<1000x16xf32>
    %reduce_min3A_183 = arith.constant dense<0x7F800000> : vector<16xf32>
    %reduce_min3A_184 = vector.multi_reduction <minimumf>, %select_n3A_182, %reduce_min3A_183 [0] : vector<1000x16xf32> to vector<16xf32>
    %eq3A_185 = arith.constant 7 : i32
    %eq3A_186 = vector.broadcast %eq3A_185 : i32 to vector<1000x1xi32>
    %eq3A_187 = arith.cmpi eq, %get3A_69, %eq3A_186 : vector<1000x1xi32>
    %jit3A_188 = arith.constant 0x7F800000 : f32
    %broadcast_in_dim3A_189 = vector.shape_cast %eq3A_187 : vector<1000x1xi1> to vector<1000x1xi1>
    %broadcast_in_dim3A_190 = vector.broadcast %broadcast_in_dim3A_189 : vector<1000x1xi1> to vector<1000x128xi1>
    %broadcast_in_dim3A_191 = vector.broadcast %jit3A_188 : f32 to vector<1000x128xf32>
    %select_n3A_192 = arith.select %broadcast_in_dim3A_190, %mul3A_59, %broadcast_in_dim3A_191 : vector<1000x128xi1>, vector<1000x128xf32>
    %reduce_min3A_193 = arith.constant dense<0x7F800000> : vector<128xf32>
    %reduce_min3A_194 = vector.multi_reduction <minimumf>, %select_n3A_192, %reduce_min3A_193 [0] : vector<1000x128xf32> to vector<128xf32>
    %jit3A_195 = arith.constant 0x7F800000 : f32
    %broadcast_in_dim3A_196 = vector.shape_cast %eq3A_187 : vector<1000x1xi1> to vector<1000x1xi1>
    %broadcast_in_dim3A_197 = vector.broadcast %broadcast_in_dim3A_196 : vector<1000x1xi1> to vector<1000x16xi1>
    %broadcast_in_dim3A_198 = vector.broadcast %jit3A_195 : f32 to vector<1000x16xf32>
    %select_n3A_199 = arith.select %broadcast_in_dim3A_197, %add3A, %broadcast_in_dim3A_198 : vector<1000x16xi1>, vector<1000x16xf32>
    %reduce_min3A_200 = arith.constant dense<0x7F800000> : vector<16xf32>
    %reduce_min3A_201 = vector.multi_reduction <minimumf>, %select_n3A_199, %reduce_min3A_200 [0] : vector<1000x16xf32> to vector<16xf32>
    %eq3A_202 = arith.constant 8 : i32
    %eq3A_203 = vector.broadcast %eq3A_202 : i32 to vector<1000x1xi32>
    %eq3A_204 = arith.cmpi eq, %get3A_69, %eq3A_203 : vector<1000x1xi32>
    %jit3A_205 = arith.constant 0x7F800000 : f32
    %broadcast_in_dim3A_206 = vector.shape_cast %eq3A_204 : vector<1000x1xi1> to vector<1000x1xi1>
    %broadcast_in_dim3A_207 = vector.broadcast %broadcast_in_dim3A_206 : vector<1000x1xi1> to vector<1000x128xi1>
    %broadcast_in_dim3A_208 = vector.broadcast %jit3A_205 : f32 to vector<1000x128xf32>
    %select_n3A_209 = arith.select %broadcast_in_dim3A_207, %mul3A_59, %broadcast_in_dim3A_208 : vector<1000x128xi1>, vector<1000x128xf32>
    %reduce_min3A_210 = arith.constant dense<0x7F800000> : vector<128xf32>
    %reduce_min3A_211 = vector.multi_reduction <minimumf>, %select_n3A_209, %reduce_min3A_210 [0] : vector<1000x128xf32> to vector<128xf32>
    %jit3A_212 = arith.constant 0x7F800000 : f32
    %broadcast_in_dim3A_213 = vector.shape_cast %eq3A_204 : vector<1000x1xi1> to vector<1000x1xi1>
    %broadcast_in_dim3A_214 = vector.broadcast %broadcast_in_dim3A_213 : vector<1000x1xi1> to vector<1000x16xi1>
    %broadcast_in_dim3A_215 = vector.broadcast %jit3A_212 : f32 to vector<1000x16xf32>
    %select_n3A_216 = arith.select %broadcast_in_dim3A_214, %add3A, %broadcast_in_dim3A_215 : vector<1000x16xi1>, vector<1000x16xf32>
    %reduce_min3A_217 = arith.constant dense<0x7F800000> : vector<16xf32>
    %reduce_min3A_218 = vector.multi_reduction <minimumf>, %select_n3A_216, %reduce_min3A_217 [0] : vector<1000x16xf32> to vector<16xf32>
    %eq3A_219 = arith.constant 9 : i32
    %eq3A_220 = vector.broadcast %eq3A_219 : i32 to vector<1000x1xi32>
    %eq3A_221 = arith.cmpi eq, %get3A_69, %eq3A_220 : vector<1000x1xi32>
    %jit3A_222 = arith.constant 0x7F800000 : f32
    %broadcast_in_dim3A_223 = vector.shape_cast %eq3A_221 : vector<1000x1xi1> to vector<1000x1xi1>
    %broadcast_in_dim3A_224 = vector.broadcast %broadcast_in_dim3A_223 : vector<1000x1xi1> to vector<1000x128xi1>
    %broadcast_in_dim3A_225 = vector.broadcast %jit3A_222 : f32 to vector<1000x128xf32>
    %select_n3A_226 = arith.select %broadcast_in_dim3A_224, %mul3A_59, %broadcast_in_dim3A_225 : vector<1000x128xi1>, vector<1000x128xf32>
    %reduce_min3A_227 = arith.constant dense<0x7F800000> : vector<128xf32>
    %reduce_min3A_228 = vector.multi_reduction <minimumf>, %select_n3A_226, %reduce_min3A_227 [0] : vector<1000x128xf32> to vector<128xf32>
    %jit3A_229 = arith.constant 0x7F800000 : f32
    %broadcast_in_dim3A_230 = vector.shape_cast %eq3A_221 : vector<1000x1xi1> to vector<1000x1xi1>
    %broadcast_in_dim3A_231 = vector.broadcast %broadcast_in_dim3A_230 : vector<1000x1xi1> to vector<1000x16xi1>
    %broadcast_in_dim3A_232 = vector.broadcast %jit3A_229 : f32 to vector<1000x16xf32>
    %select_n3A_233 = arith.select %broadcast_in_dim3A_231, %add3A, %broadcast_in_dim3A_232 : vector<1000x16xi1>, vector<1000x16xf32>
    %reduce_min3A_234 = arith.constant dense<0x7F800000> : vector<16xf32>
    %reduce_min3A_235 = vector.multi_reduction <minimumf>, %select_n3A_233, %reduce_min3A_234 [0] : vector<1000x16xf32> to vector<16xf32>
    %eq3A_236 = arith.constant 10 : i32
    %eq3A_237 = vector.broadcast %eq3A_236 : i32 to vector<1000x1xi32>
    %eq3A_238 = arith.cmpi eq, %get3A_69, %eq3A_237 : vector<1000x1xi32>
    %jit3A_239 = arith.constant 0x7F800000 : f32
    %broadcast_in_dim3A_240 = vector.shape_cast %eq3A_238 : vector<1000x1xi1> to vector<1000x1xi1>
    %broadcast_in_dim3A_241 = vector.broadcast %broadcast_in_dim3A_240 : vector<1000x1xi1> to vector<1000x128xi1>
    %broadcast_in_dim3A_242 = vector.broadcast %jit3A_239 : f32 to vector<1000x128xf32>
    %select_n3A_243 = arith.select %broadcast_in_dim3A_241, %mul3A_59, %broadcast_in_dim3A_242 : vector<1000x128xi1>, vector<1000x128xf32>
    %reduce_min3A_244 = arith.constant dense<0x7F800000> : vector<128xf32>
    %reduce_min3A_245 = vector.multi_reduction <minimumf>, %select_n3A_243, %reduce_min3A_244 [0] : vector<1000x128xf32> to vector<128xf32>
    %jit3A_246 = arith.constant 0x7F800000 : f32
    %broadcast_in_dim3A_247 = vector.shape_cast %eq3A_238 : vector<1000x1xi1> to vector<1000x1xi1>
    %broadcast_in_dim3A_248 = vector.broadcast %broadcast_in_dim3A_247 : vector<1000x1xi1> to vector<1000x16xi1>
    %broadcast_in_dim3A_249 = vector.broadcast %jit3A_246 : f32 to vector<1000x16xf32>
    %select_n3A_250 = arith.select %broadcast_in_dim3A_248, %add3A, %broadcast_in_dim3A_249 : vector<1000x16xi1>, vector<1000x16xf32>
    %reduce_min3A_251 = arith.constant dense<0x7F800000> : vector<16xf32>
    %reduce_min3A_252 = vector.multi_reduction <minimumf>, %select_n3A_250, %reduce_min3A_251 [0] : vector<1000x16xf32> to vector<16xf32>
    %eq3A_253 = arith.constant 11 : i32
    %eq3A_254 = vector.broadcast %eq3A_253 : i32 to vector<1000x1xi32>
    %eq3A_255 = arith.cmpi eq, %get3A_69, %eq3A_254 : vector<1000x1xi32>
    %jit3A_256 = arith.constant 0x7F800000 : f32
    %broadcast_in_dim3A_257 = vector.shape_cast %eq3A_255 : vector<1000x1xi1> to vector<1000x1xi1>
    %broadcast_in_dim3A_258 = vector.broadcast %broadcast_in_dim3A_257 : vector<1000x1xi1> to vector<1000x128xi1>
    %broadcast_in_dim3A_259 = vector.broadcast %jit3A_256 : f32 to vector<1000x128xf32>
    %select_n3A_260 = arith.select %broadcast_in_dim3A_258, %mul3A_59, %broadcast_in_dim3A_259 : vector<1000x128xi1>, vector<1000x128xf32>
    %reduce_min3A_261 = arith.constant dense<0x7F800000> : vector<128xf32>
    %reduce_min3A_262 = vector.multi_reduction <minimumf>, %select_n3A_260, %reduce_min3A_261 [0] : vector<1000x128xf32> to vector<128xf32>
    %jit3A_263 = arith.constant 0x7F800000 : f32
    %broadcast_in_dim3A_264 = vector.shape_cast %eq3A_255 : vector<1000x1xi1> to vector<1000x1xi1>
    %broadcast_in_dim3A_265 = vector.broadcast %broadcast_in_dim3A_264 : vector<1000x1xi1> to vector<1000x16xi1>
    %broadcast_in_dim3A_266 = vector.broadcast %jit3A_263 : f32 to vector<1000x16xf32>
    %select_n3A_267 = arith.select %broadcast_in_dim3A_265, %add3A, %broadcast_in_dim3A_266 : vector<1000x16xi1>, vector<1000x16xf32>
    %reduce_min3A_268 = arith.constant dense<0x7F800000> : vector<16xf32>
    %reduce_min3A_269 = vector.multi_reduction <minimumf>, %select_n3A_267, %reduce_min3A_268 [0] : vector<1000x16xf32> to vector<16xf32>
    %eq3A_270 = arith.constant 12 : i32
    %eq3A_271 = vector.broadcast %eq3A_270 : i32 to vector<1000x1xi32>
    %eq3A_272 = arith.cmpi eq, %get3A_69, %eq3A_271 : vector<1000x1xi32>
    %jit3A_273 = arith.constant 0x7F800000 : f32
    %broadcast_in_dim3A_274 = vector.shape_cast %eq3A_272 : vector<1000x1xi1> to vector<1000x1xi1>
    %broadcast_in_dim3A_275 = vector.broadcast %broadcast_in_dim3A_274 : vector<1000x1xi1> to vector<1000x128xi1>
    %broadcast_in_dim3A_276 = vector.broadcast %jit3A_273 : f32 to vector<1000x128xf32>
    %select_n3A_277 = arith.select %broadcast_in_dim3A_275, %mul3A_59, %broadcast_in_dim3A_276 : vector<1000x128xi1>, vector<1000x128xf32>
    %reduce_min3A_278 = arith.constant dense<0x7F800000> : vector<128xf32>
    %reduce_min3A_279 = vector.multi_reduction <minimumf>, %select_n3A_277, %reduce_min3A_278 [0] : vector<1000x128xf32> to vector<128xf32>
    %jit3A_280 = arith.constant 0x7F800000 : f32
    %broadcast_in_dim3A_281 = vector.shape_cast %eq3A_272 : vector<1000x1xi1> to vector<1000x1xi1>
    %broadcast_in_dim3A_282 = vector.broadcast %broadcast_in_dim3A_281 : vector<1000x1xi1> to vector<1000x16xi1>
    %broadcast_in_dim3A_283 = vector.broadcast %jit3A_280 : f32 to vector<1000x16xf32>
    %select_n3A_284 = arith.select %broadcast_in_dim3A_282, %add3A, %broadcast_in_dim3A_283 : vector<1000x16xi1>, vector<1000x16xf32>
    %reduce_min3A_285 = arith.constant dense<0x7F800000> : vector<16xf32>
    %reduce_min3A_286 = vector.multi_reduction <minimumf>, %select_n3A_284, %reduce_min3A_285 [0] : vector<1000x16xf32> to vector<16xf32>
    %eq3A_287 = arith.constant 13 : i32
    %eq3A_288 = vector.broadcast %eq3A_287 : i32 to vector<1000x1xi32>
    %eq3A_289 = arith.cmpi eq, %get3A_69, %eq3A_288 : vector<1000x1xi32>
    %jit3A_290 = arith.constant 0x7F800000 : f32
    %broadcast_in_dim3A_291 = vector.shape_cast %eq3A_289 : vector<1000x1xi1> to vector<1000x1xi1>
    %broadcast_in_dim3A_292 = vector.broadcast %broadcast_in_dim3A_291 : vector<1000x1xi1> to vector<1000x128xi1>
    %broadcast_in_dim3A_293 = vector.broadcast %jit3A_290 : f32 to vector<1000x128xf32>
    %select_n3A_294 = arith.select %broadcast_in_dim3A_292, %mul3A_59, %broadcast_in_dim3A_293 : vector<1000x128xi1>, vector<1000x128xf32>
    %reduce_min3A_295 = arith.constant dense<0x7F800000> : vector<128xf32>
    %reduce_min3A_296 = vector.multi_reduction <minimumf>, %select_n3A_294, %reduce_min3A_295 [0] : vector<1000x128xf32> to vector<128xf32>
    %jit3A_297 = arith.constant 0x7F800000 : f32
    %broadcast_in_dim3A_298 = vector.shape_cast %eq3A_289 : vector<1000x1xi1> to vector<1000x1xi1>
    %broadcast_in_dim3A_299 = vector.broadcast %broadcast_in_dim3A_298 : vector<1000x1xi1> to vector<1000x16xi1>
    %broadcast_in_dim3A_300 = vector.broadcast %jit3A_297 : f32 to vector<1000x16xf32>
    %select_n3A_301 = arith.select %broadcast_in_dim3A_299, %add3A, %broadcast_in_dim3A_300 : vector<1000x16xi1>, vector<1000x16xf32>
    %reduce_min3A_302 = arith.constant dense<0x7F800000> : vector<16xf32>
    %reduce_min3A_303 = vector.multi_reduction <minimumf>, %select_n3A_301, %reduce_min3A_302 [0] : vector<1000x16xf32> to vector<16xf32>
    %eq3A_304 = arith.constant 14 : i32
    %eq3A_305 = vector.broadcast %eq3A_304 : i32 to vector<1000x1xi32>
    %eq3A_306 = arith.cmpi eq, %get3A_69, %eq3A_305 : vector<1000x1xi32>
    %jit3A_307 = arith.constant 0x7F800000 : f32
    %broadcast_in_dim3A_308 = vector.shape_cast %eq3A_306 : vector<1000x1xi1> to vector<1000x1xi1>
    %broadcast_in_dim3A_309 = vector.broadcast %broadcast_in_dim3A_308 : vector<1000x1xi1> to vector<1000x128xi1>
    %broadcast_in_dim3A_310 = vector.broadcast %jit3A_307 : f32 to vector<1000x128xf32>
    %select_n3A_311 = arith.select %broadcast_in_dim3A_309, %mul3A_59, %broadcast_in_dim3A_310 : vector<1000x128xi1>, vector<1000x128xf32>
    %reduce_min3A_312 = arith.constant dense<0x7F800000> : vector<128xf32>
    %reduce_min3A_313 = vector.multi_reduction <minimumf>, %select_n3A_311, %reduce_min3A_312 [0] : vector<1000x128xf32> to vector<128xf32>
    %jit3A_314 = arith.constant 0x7F800000 : f32
    %broadcast_in_dim3A_315 = vector.shape_cast %eq3A_306 : vector<1000x1xi1> to vector<1000x1xi1>
    %broadcast_in_dim3A_316 = vector.broadcast %broadcast_in_dim3A_315 : vector<1000x1xi1> to vector<1000x16xi1>
    %broadcast_in_dim3A_317 = vector.broadcast %jit3A_314 : f32 to vector<1000x16xf32>
    %select_n3A_318 = arith.select %broadcast_in_dim3A_316, %add3A, %broadcast_in_dim3A_317 : vector<1000x16xi1>, vector<1000x16xf32>
    %reduce_min3A_319 = arith.constant dense<0x7F800000> : vector<16xf32>
    %reduce_min3A_320 = vector.multi_reduction <minimumf>, %select_n3A_318, %reduce_min3A_319 [0] : vector<1000x16xf32> to vector<16xf32>
    %eq3A_321 = arith.constant 15 : i32
    %eq3A_322 = vector.broadcast %eq3A_321 : i32 to vector<1000x1xi32>
    %eq3A_323 = arith.cmpi eq, %get3A_69, %eq3A_322 : vector<1000x1xi32>
    %jit3A_324 = arith.constant 0x7F800000 : f32
    %broadcast_in_dim3A_325 = vector.shape_cast %eq3A_323 : vector<1000x1xi1> to vector<1000x1xi1>
    %broadcast_in_dim3A_326 = vector.broadcast %broadcast_in_dim3A_325 : vector<1000x1xi1> to vector<1000x128xi1>
    %broadcast_in_dim3A_327 = vector.broadcast %jit3A_324 : f32 to vector<1000x128xf32>
    %select_n3A_328 = arith.select %broadcast_in_dim3A_326, %mul3A_59, %broadcast_in_dim3A_327 : vector<1000x128xi1>, vector<1000x128xf32>
    %reduce_min3A_329 = arith.constant dense<0x7F800000> : vector<128xf32>
    %reduce_min3A_330 = vector.multi_reduction <minimumf>, %select_n3A_328, %reduce_min3A_329 [0] : vector<1000x128xf32> to vector<128xf32>
    %jit3A_331 = arith.constant 0x7F800000 : f32
    %broadcast_in_dim3A_332 = vector.shape_cast %eq3A_323 : vector<1000x1xi1> to vector<1000x1xi1>
    %broadcast_in_dim3A_333 = vector.broadcast %broadcast_in_dim3A_332 : vector<1000x1xi1> to vector<1000x16xi1>
    %broadcast_in_dim3A_334 = vector.broadcast %jit3A_331 : f32 to vector<1000x16xf32>
    %select_n3A_335 = arith.select %broadcast_in_dim3A_333, %add3A, %broadcast_in_dim3A_334 : vector<1000x16xi1>, vector<1000x16xf32>
    %reduce_min3A_336 = arith.constant dense<0x7F800000> : vector<16xf32>
    %reduce_min3A_337 = vector.multi_reduction <minimumf>, %select_n3A_335, %reduce_min3A_336 [0] : vector<1000x16xf32> to vector<16xf32>
    %get3A_338 = arith.constant 0 : index
    %get3A_339 = arith.constant 0 : index
    %get3A_340 = vector.load %arg12[%get3A_338, %get3A_339] : memref<16x128xf32, #tpu.memory_space<vmem>>, vector<16x128xf32>
    %stack3A = vector.shape_cast %reduce_min3A_75 : vector<128xf32> to vector<1x128xf32>
    %stack3A_341 = vector.shape_cast %reduce_min3A_92 : vector<128xf32> to vector<1x128xf32>
    %stack3A_342 = vector.shape_cast %reduce_min3A_109 : vector<128xf32> to vector<1x128xf32>
    %stack3A_343 = vector.shape_cast %reduce_min3A_126 : vector<128xf32> to vector<1x128xf32>
    %stack3A_344 = vector.shape_cast %reduce_min3A_143 : vector<128xf32> to vector<1x128xf32>
    %stack3A_345 = vector.shape_cast %reduce_min3A_160 : vector<128xf32> to vector<1x128xf32>
    %stack3A_346 = vector.shape_cast %reduce_min3A_177 : vector<128xf32> to vector<1x128xf32>
    %stack3A_347 = vector.shape_cast %reduce_min3A_194 : vector<128xf32> to vector<1x128xf32>
    %stack3A_348 = vector.shape_cast %reduce_min3A_211 : vector<128xf32> to vector<1x128xf32>
    %stack3A_349 = vector.shape_cast %reduce_min3A_228 : vector<128xf32> to vector<1x128xf32>
    %stack3A_350 = vector.shape_cast %reduce_min3A_245 : vector<128xf32> to vector<1x128xf32>
    %stack3A_351 = vector.shape_cast %reduce_min3A_262 : vector<128xf32> to vector<1x128xf32>
    %stack3A_352 = vector.shape_cast %reduce_min3A_279 : vector<128xf32> to vector<1x128xf32>
    %stack3A_353 = vector.shape_cast %reduce_min3A_296 : vector<128xf32> to vector<1x128xf32>
    %stack3A_354 = vector.shape_cast %reduce_min3A_313 : vector<128xf32> to vector<1x128xf32>
    %stack3A_355 = vector.shape_cast %reduce_min3A_330 : vector<128xf32> to vector<1x128xf32>
    %stack3A_356 = tpu.concatenate %stack3A, %stack3A_341, %stack3A_342, %stack3A_343, %stack3A_344, %stack3A_345, %stack3A_346, %stack3A_347, %stack3A_348, %stack3A_349, %stack3A_350, %stack3A_351, %stack3A_352, %stack3A_353, %stack3A_354, %stack3A_355 in 0 : vector<1x128xf32>, vector<1x128xf32>, vector<1x128xf32>, vector<1x128xf32>, vector<1x128xf32>, vector<1x128xf32>, vector<1x128xf32>, vector<1x128xf32>, vector<1x128xf32>, vector<1x128xf32>, vector<1x128xf32>, vector<1x128xf32>, vector<1x128xf32>, vector<1x128xf32>, vector<1x128xf32>, vector<1x128xf32> -> vector<16x128xf32>
    %min3A = arith.minimumf %get3A_340, %stack3A_356 : vector<16x128xf32>
    %swap3A_357 = arith.constant 0 : index
    %swap3A_358 = arith.constant 0 : index
    %swap3A_359 = vector.load %arg12[%swap3A_357, %swap3A_358] : memref<16x128xf32, #tpu.memory_space<vmem>>, vector<16x128xf32>
    tpu.vector_store %arg12[%swap3A_357, %swap3A_358], %min3A {strides = array<i32>} : memref<16x128xf32, #tpu.memory_space<vmem>>, vector<16x128xf32>,
    %get3A_360 = arith.constant 0 : index
    %get3A_361 = arith.constant 0 : index
    %get3A_362 = vector.load %arg13[%get3A_360, %get3A_361] : memref<16x16xf32, #tpu.memory_space<vmem>>, vector<16x16xf32>
    %stack3A_363 = vector.shape_cast %reduce_min3A_82 : vector<16xf32> to vector<1x16xf32>
    %stack3A_364 = vector.shape_cast %reduce_min3A_99 : vector<16xf32> to vector<1x16xf32>
    %stack3A_365 = vector.shape_cast %reduce_min3A_116 : vector<16xf32> to vector<1x16xf32>
    %stack3A_366 = vector.shape_cast %reduce_min3A_133 : vector<16xf32> to vector<1x16xf32>
    %stack3A_367 = vector.shape_cast %reduce_min3A_150 : vector<16xf32> to vector<1x16xf32>
    %stack3A_368 = vector.shape_cast %reduce_min3A_167 : vector<16xf32> to vector<1x16xf32>
    %stack3A_369 = vector.shape_cast %reduce_min3A_184 : vector<16xf32> to vector<1x16xf32>
    %stack3A_370 = vector.shape_cast %reduce_min3A_201 : vector<16xf32> to vector<1x16xf32>
    %stack3A_371 = vector.shape_cast %reduce_min3A_218 : vector<16xf32> to vector<1x16xf32>
    %stack3A_372 = vector.shape_cast %reduce_min3A_235 : vector<16xf32> to vector<1x16xf32>
    %stack3A_373 = vector.shape_cast %reduce_min3A_252 : vector<16xf32> to vector<1x16xf32>
    %stack3A_374 = vector.shape_cast %reduce_min3A_269 : vector<16xf32> to vector<1x16xf32>
    %stack3A_375 = vector.shape_cast %reduce_min3A_286 : vector<16xf32> to vector<1x16xf32>
    %stack3A_376 = vector.shape_cast %reduce_min3A_303 : vector<16xf32> to vector<1x16xf32>
    %stack3A_377 = vector.shape_cast %reduce_min3A_320 : vector<16xf32> to vector<1x16xf32>
    %stack3A_378 = vector.shape_cast %reduce_min3A_337 : vector<16xf32> to vector<1x16xf32>
    %stack3A_379 = tpu.concatenate %stack3A_363, %stack3A_364, %stack3A_365, %stack3A_366, %stack3A_367, %stack3A_368, %stack3A_369, %stack3A_370, %stack3A_371, %stack3A_372, %stack3A_373, %stack3A_374, %stack3A_375, %stack3A_376, %stack3A_377, %stack3A_378 in 0 : vector<1x16xf32>, vector<1x16xf32>, vector<1x16xf32>, vector<1x16xf32>, vector<1x16xf32>, vector<1x16xf32>, vector<1x16xf32>, vector<1x16xf32>, vector<1x16xf32>, vector<1x16xf32>, vector<1x16xf32>, vector<1x16xf32>, vector<1x16xf32>, vector<1x16xf32>, vector<1x16xf32>, vector<1x16xf32> -> vector<16x16xf32>
    %min3A_380 = arith.minimumf %get3A_362, %stack3A_379 : vector<16x16xf32>
    %swap3A_381 = arith.constant 0 : index
    %swap3A_382 = arith.constant 0 : index
    %swap3A_383 = vector.load %arg13[%swap3A_381, %swap3A_382] : memref<16x16xf32, #tpu.memory_space<vmem>>, vector<16x16xf32>
    tpu.vector_store %arg13[%swap3A_381, %swap3A_382], %min3A_380 {strides = array<i32>} : memref<16x16xf32, #tpu.memory_space<vmem>>, vector<16x16xf32>,
    return
  }
  func.func @transform_0(%arg0: i32) -> (i32, i32) {
    %c0_i32 = arith.constant 0 : i32
    %c0_i32_0 = arith.constant 0 : i32
    return %arg0, %c0_i32 : i32, i32
  }
  func.func @transform_1(%arg0: i32) -> (i32, i32) {
    %c0_i32 = arith.constant 0 : i32
    %c0_i32_0 = arith.constant 0 : i32
    return %arg0, %c0_i32 : i32, i32
  }
  func.func @transform_2(%arg0: i32) -> (i32, i32) {
    %c0_i32 = arith.constant 0 : i32
    %c0_i32_0 = arith.constant 0 : i32
    return %arg0, %c0_i32 : i32, i32
  }
  func.func @transform_3(%arg0: i32) -> (i32, i32, i32) {
    %c0_i32 = arith.constant 0 : i32
    %c0_i32_0 = arith.constant 0 : i32
    %c0_i32_1 = arith.constant 0 : i32
    return %arg0, %c0_i32, %c0_i32_0 : i32, i32, i32
  }
  func.func @transform_4(%arg0: i32) -> (i32, i32) {
    %c0_i32 = arith.constant 0 : i32
    %c0_i32_0 = arith.constant 0 : i32
    %c0_i32_1 = arith.constant 0 : i32
    return %c0_i32, %c0_i32_0 : i32, i32
  }
  func.func @transform_5(%arg0: i32) -> (i32, i32) {
    %c0_i32 = arith.constant 0 : i32
    %c0_i32_0 = arith.constant 0 : i32
    %c0_i32_1 = arith.constant 0 : i32
    return %c0_i32, %c0_i32_0 : i32, i32
  }
  func.func @transform_6(%arg0: i32) -> (i32, i32) {
    %c0_i32 = arith.constant 0 : i32
    %c0_i32_0 = arith.constant 0 : i32
    %c0_i32_1 = arith.constant 0 : i32
    return %c0_i32, %c0_i32_0 : i32, i32
  }
  func.func @transform_7(%arg0: i32) -> (i32, i32) {
    %c0_i32 = arith.constant 0 : i32
    %c0_i32_0 = arith.constant 0 : i32
    %c0_i32_1 = arith.constant 0 : i32
    return %c0_i32, %c0_i32_0 : i32, i32
  }
  func.func @transform_8(%arg0: i32) -> (i32, i32) {
    %c0_i32 = arith.constant 0 : i32
    %c0_i32_0 = arith.constant 0 : i32
    %c0_i32_1 = arith.constant 0 : i32
    return %c0_i32, %c0_i32_0 : i32, i32
  }
  func.func @transform_9(%arg0: i32) -> (i32, i32) {
    %c0_i32 = arith.constant 0 : i32
    %c0_i32_0 = arith.constant 0 : i32
    %c0_i32_1 = arith.constant 0 : i32
    return %c0_i32, %c0_i32_0 : i32, i32
  }
  func.func @transform_10(%arg0: i32) -> (i32, i32) {
    %c0_i32 = arith.constant 0 : i32
    %c0_i32_0 = arith.constant 0 : i32
    return %arg0, %c0_i32 : i32, i32
  }
  func.func @transform_11(%arg0: i32) -> (i32, i32) {
    %c0_i32 = arith.constant 0 : i32
    %c0_i32_0 = arith.constant 0 : i32
    %c0_i32_1 = arith.constant 0 : i32
    return %c0_i32, %c0_i32_0 : i32, i32
  }
  func.func @transform_12(%arg0: i32) -> (i32, i32) {
    %c0_i32 = arith.constant 0 : i32
    %c0_i32_0 = arith.constant 0 : i32
    %c0_i32_1 = arith.constant 0 : i32
    return %c0_i32, %c0_i32_0 : i32, i32
  }
}

module attributes {stable_mosaic.version = 14 : i64} {
  func.func @_glob_body(%arg0: memref<16x128xf32, #tpu.memory_space<vmem>>, %arg1: memref<16x16xf32, #tpu.memory_space<vmem>>, %arg2: memref<16x16xf32, #tpu.memory_space<vmem>>, %arg3: memref<128x160xf32, #tpu.memory_space<vmem>>, %arg4: memref<16x160xf32, #tpu.memory_space<vmem>>, %arg5: memref<16x160xf32, #tpu.memory_space<vmem>>, %arg6: memref<1x160xf32, #tpu.memory_space<vmem>>, %arg7: memref<160x16xf32, #tpu.memory_space<vmem>>, %arg8: memref<1x16xf32, #tpu.memory_space<vmem>>, %arg9: memref<16x16xf32, #tpu.memory_space<vmem>>) attributes {dimension_semantics = [], scalar_prefetch = 0 : i64, scratch_operands = 0 : i64, tpu.core_type = #tpu.core_type<tc>} {
    %get3A = arith.constant 0 : index
    %get3A_0 = arith.constant 0 : index
    %get3A_1 = vector.load %arg0[%get3A, %get3A_0] : memref<16x128xf32, #tpu.memory_space<vmem>>, vector<16x128xf32>
    %get3A_2 = arith.constant 0 : index
    %get3A_3 = arith.constant 0 : index
    %get3A_4 = vector.load %arg3[%get3A_2, %get3A_3] : memref<128x160xf32, #tpu.memory_space<vmem>>, vector<128x160xf32>
    %dot_general3A = arith.constant dense<0.000000e+00> : vector<16x160xf32>
    %dot_general3A_5 = tpu.matmul %get3A_1, %get3A_4, %dot_general3A {dimension_numbers = #tpu.dot_dimension_numbers<[1], [0], [0], [1], [0, 0, 1, 1], [], []>, transpose_lhs_hint = false} : vector<16x128xf32>, vector<128x160xf32>, vector<16x160xf32> -> vector<16x160xf32>
    %get3A_6 = arith.constant 0 : index
    %get3A_7 = arith.constant 0 : index
    %get3A_8 = vector.load %arg1[%get3A_6, %get3A_7] : memref<16x16xf32, #tpu.memory_space<vmem>>, vector<16x16xf32>
    %get3A_9 = arith.constant 0 : index
    %get3A_10 = arith.constant 0 : index
    %get3A_11 = vector.load %arg4[%get3A_9, %get3A_10] : memref<16x160xf32, #tpu.memory_space<vmem>>, vector<16x160xf32>
    %dot_general3A_12 = arith.constant dense<0.000000e+00> : vector<16x160xf32>
    %dot_general3A_13 = tpu.matmul %get3A_8, %get3A_11, %dot_general3A_12 {dimension_numbers = #tpu.dot_dimension_numbers<[1], [0], [0], [1], [0, 0, 1, 1], [], []>, transpose_lhs_hint = false} : vector<16x16xf32>, vector<16x160xf32>, vector<16x160xf32> -> vector<16x160xf32>
    %add3A = arith.addf %dot_general3A_5, %dot_general3A_13 : vector<16x160xf32>
    %get3A_14 = arith.constant 0 : index
    %get3A_15 = arith.constant 0 : index
    %get3A_16 = vector.load %arg2[%get3A_14, %get3A_15] : memref<16x16xf32, #tpu.memory_space<vmem>>, vector<16x16xf32>
    %get3A_17 = arith.constant 0 : index
    %get3A_18 = arith.constant 0 : index
    %get3A_19 = vector.load %arg5[%get3A_17, %get3A_18] : memref<16x160xf32, #tpu.memory_space<vmem>>, vector<16x160xf32>
    %dot_general3A_20 = arith.constant dense<0.000000e+00> : vector<16x160xf32>
    %dot_general3A_21 = tpu.matmul %get3A_16, %get3A_19, %dot_general3A_20 {dimension_numbers = #tpu.dot_dimension_numbers<[1], [0], [0], [1], [0, 0, 1, 1], [], []>, transpose_lhs_hint = false} : vector<16x16xf32>, vector<16x160xf32>, vector<16x160xf32> -> vector<16x160xf32>
    %add3A_22 = arith.addf %add3A, %dot_general3A_21 : vector<16x160xf32>
    %get3A_23 = arith.constant 0 : index
    %get3A_24 = arith.constant 0 : index
    %get3A_25 = vector.load %arg6[%get3A_23, %get3A_24] : memref<1x160xf32, #tpu.memory_space<vmem>>, vector<1x160xf32>
    %add3A_26 = vector.broadcast %get3A_25 : vector<1x160xf32> to vector<16x160xf32>
    %add3A_27 = arith.addf %add3A_22, %add3A_26 : vector<16x160xf32>
    %mul3A = arith.constant 5.000000e-01 : f32
    %mul3A_28 = vector.broadcast %mul3A : f32 to vector<16x160xf32>
    %mul3A_29 = arith.mulf %mul3A_28, %add3A_27 : vector<16x160xf32>
    %mul3A_30 = arith.constant 0.707106769 : f32
    %mul3A_31 = vector.broadcast %mul3A_30 : f32 to vector<16x160xf32>
    %mul3A_32 = arith.mulf %add3A_27, %mul3A_31 : vector<16x160xf32>
    %erf3A = math.erf %mul3A_32 : vector<16x160xf32>
    %add3A_33 = arith.constant 1.000000e+00 : f32
    %add3A_34 = vector.broadcast %add3A_33 : f32 to vector<16x160xf32>
    %add3A_35 = arith.addf %add3A_34, %erf3A : vector<16x160xf32>
    %mul3A_36 = arith.mulf %mul3A_29, %add3A_35 : vector<16x160xf32>
    %get3A_37 = arith.constant 0 : index
    %get3A_38 = arith.constant 0 : index
    %get3A_39 = vector.load %arg7[%get3A_37, %get3A_38] : memref<160x16xf32, #tpu.memory_space<vmem>>, vector<160x16xf32>
    %dot_general3A_40 = arith.constant dense<0.000000e+00> : vector<16x16xf32>
    %dot_general3A_41 = tpu.matmul %mul3A_36, %get3A_39, %dot_general3A_40 {dimension_numbers = #tpu.dot_dimension_numbers<[1], [0], [0], [1], [0, 0, 1, 1], [], []>, transpose_lhs_hint = false} : vector<16x160xf32>, vector<160x16xf32>, vector<16x16xf32> -> vector<16x16xf32>
    %get3A_42 = arith.constant 0 : index
    %get3A_43 = arith.constant 0 : index
    %get3A_44 = vector.load %arg8[%get3A_42, %get3A_43] : memref<1x16xf32, #tpu.memory_space<vmem>>, vector<1x16xf32>
    %add3A_45 = vector.broadcast %get3A_44 : vector<1x16xf32> to vector<16x16xf32>
    %add3A_46 = arith.addf %dot_general3A_41, %add3A_45 : vector<16x16xf32>
    %mul3A_47 = arith.constant 5.000000e-01 : f32
    %mul3A_48 = vector.broadcast %mul3A_47 : f32 to vector<16x16xf32>
    %mul3A_49 = arith.mulf %mul3A_48, %add3A_46 : vector<16x16xf32>
    %mul3A_50 = arith.constant 0.707106769 : f32
    %mul3A_51 = vector.broadcast %mul3A_50 : f32 to vector<16x16xf32>
    %mul3A_52 = arith.mulf %add3A_46, %mul3A_51 : vector<16x16xf32>
    %erf3A_53 = math.erf %mul3A_52 : vector<16x16xf32>
    %add3A_54 = arith.constant 1.000000e+00 : f32
    %add3A_55 = vector.broadcast %add3A_54 : f32 to vector<16x16xf32>
    %add3A_56 = arith.addf %add3A_55, %erf3A_53 : vector<16x16xf32>
    %mul3A_57 = arith.mulf %mul3A_49, %add3A_56 : vector<16x16xf32>
    %swap3A = arith.constant 0 : index
    %swap3A_58 = arith.constant 0 : index
    %swap3A_59 = vector.load %arg9[%swap3A, %swap3A_58] : memref<16x16xf32, #tpu.memory_space<vmem>>, vector<16x16xf32>
    tpu.vector_store %arg9[%swap3A, %swap3A_58], %mul3A_57 {strides = array<i32>} : memref<16x16xf32, #tpu.memory_space<vmem>>, vector<16x16xf32>,
    return
  }
}

</mosaic_0001>

<sc_bundles>
// kernel: kernel.11.cloned.1.call-start
scs
__scs_entry_jumppad:
0x0: {  	(pc) =	sbr.rel $0x88, $3  }
0x1: {  	(tag) =	ssettag $0x0;
	lr =	simm.s32 $0x1  }
0x2: {  	[smem:$0x3F90] =	sst lr;
	_ =	strace $0xD0000000  }
0x3: {  	_ = 	snop  }
0x4: {  	_ = 	snop  }
0x5: {  	_ = 	snop  }
0x6: {  	_ = 	snop  }
0x7: {  	_ = 	snop  }
__scs_overlays_trampoline_lowered:
0x8: {  	[smem:$0x3F9F] =	sst s0  }
0x9: {  	[smem:$0x3FA0] =	sst s1  }
0xa: {  	[smem:$0x3FA1] =	sst s2  }
0xb: {  	[smem:$0x3FA2] =	sst s3  }
0xc: {  	[smem:$0x3FA3] =	sst s4  }
0xd: {  	[smem:$0x3FA4] =	sst s5  }
0xe: {  	[smem:$0x3FA5] =	sst s6  }
0xf: {  	[smem:$0x3FA6] =	sst s7  }
0x10: {  	[smem:$0x3FA7] =	sst s8  }
0x11: {  	[smem:$0x3FA8] =	sst s9;
	s0 =	simm.s32 @!p0 $0x0  }
0x12: {  	s1 =	sld [smem:$0x3F8E];
	s0 =	simm.s32 @p0 $0x1  }
0x13: {  	[smem:$0x3FA9] =	sst s0;
	s0 =	simm.s32 @!p1 $0x0  }
0x14: {  	s2 =	sld [smem:$0x3F8D];
	s0 =	simm.s32 @p1 $0x1  }
0x15: {  	[smem:$0x3FAA] =	sst s0;
	s0 =	simm.s32 @!p2 $0x0  }
0x16: {  	s3 =	sld [smem:$0x3FDB];
	s0 =	simm.s32 @p2 $0x1  }
0x17: {  	s4 =	simm.s32 $0x1BF5;
	[smem:$0x3FAC] =	sst s0  }
0x18: {  	s0 =	sld [smem:$0x3F8F];
	_ =	swait.ge [sflag:s4], $0x0  }
0x19: {  	s7 =	sld [smem:$0x3F90]  }
0x1a: {  	s8 =	sadd.s32 $0xFFFFE003, lr  }
0x1b: {  	s9 =	sadd.s32 $0xFFFFFEF7, lr;
	s5 =	simm.s32 $0xFFFFFFFF;
	p2 =	slt.u32 s8, $0xFFFFF086  }
0x1c: {  	p1 =	slt.u32 s9, $0xF7A;
	s5 =	simm.s32 @!p2 $0x0  }
0x1d: {  	s5 =	simm.s32 @p1 $0x1;
	p0 =	seq.s32 s7, s2  }
0x1e: {  	s7 =	smul.u32 @!p0 $0xF7A, s2;
	p2 =	seq.s32 @!p0 s5, $0x0  }
0x1f: {  	s9 =	smul.u32 $0xF7A, s1;
	s8 =	simm.s32 @!p0 $0x1BF5;
	p2 =	por !p2, p0  }
0x20: {  	[sflag:s8] =	ssyncset.s32 @!p0 $0xFFFFF086;
	s6 =	sadd.s32 @!p0 s3, s7;
	s7 =	simm.s32 @!p0 $0x108  }
0x21: {  	s3 =	sadd.s32 s3, s9;
	s6 =	sadd.s32 @!p0 $0x88, s6;
	s7 =	simm.s32 @p2 $0x1082  }
0x22: {  	[simem:s7], [sflag:s8] =	dma.local @!p0 [hbm:s6], $0xF7A  }
0x23: {  	s9 =	sor.u32 $0xD0000000, s2;
	s6 =	simm.s32 $0x108;
	_ =	swait.ge @!p0 [sflag:s8], $0x0  }
0x24: {  	s3 =	sadd.s32 $0x88, s3;
	s6 =	simm.s32 @!p1 $0x1082;
	[sflag:s4] =	ssyncset.s32 $0xFFFFF086  }
0x25: {  	[simem:s6], [sflag:s4] =	dma.local [hbm:s3], $0xF7A  }
0x26: {  	[smem:$0x3F90] =	sst s1;
	(tag) =	ssettag s2;
	_ =	strace s9  }
0x27: {  	s1 =	sld [smem:$0x3FA0]  }
0x28: {  	s2 =	sld [smem:$0x3FA1]  }
0x29: {  	s4 =	sld [smem:$0x3FA3]  }
0x2a: {  	p0 =	seq.s32 s5, $0x0;
	s5 =	sld [smem:$0x3FA4]  }
0x2b: {  	s6 =	sld [smem:$0x3FA5]  }
0x2c: {  	s7 =	sld [smem:$0x3FA6]  }
0x2d: {  	s3 =	simm.s32 $0x108;
	s8 =	sld [smem:$0x3FA7]  }
0x2e: {  	s3 =	simm.s32 @!p0 $0x1082;
	s9 =	sld [smem:$0x3FA8]  }
0x2f: {  	lr =	sadd.s32 s0, s3;
	s0 =	sld [smem:$0x3F9F]  }
0x30: {  	s3 =	sld [smem:$0x3FA2]  }
0x31: {  	[smem:$0x3FAB] =	sst s10  }
0x32: {  	s10 =	sld [smem:$0x3FA9];
	_ =	sdelay $0x3  }
0x33: {  	p0 =	seq.s32 s10, $0x1;
	s10 =	sld [smem:$0x3FAB];
	_ =	sdelay $0x3  }
0x34: {  	[smem:$0x3FAB] =	sst s10  }
0x35: {  	s10 =	sld [smem:$0x3FAA];
	_ =	sdelay $0x3  }
0x36: {  	p1 =	seq.s32 s10, $0x1;
	s10 =	sld [smem:$0x3FAB];
	_ =	sdelay $0x3  }
0x37: {  	[smem:$0x3FAB] =	sst s10  }
0x38: {  	s10 =	sld [smem:$0x3FAC]  }
0x39: {  	_ = 	snop;
	(pc) =	sbr.ind lr, $3  }
0x3a: {  	_ = 	snop  }
0x3b: {  	_ = 	snop  }
0x3c: {  	p2 =	seq.s32 s10, $0x1;
	s10 =	sld [smem:$0x3FAB]  }
0x3d: {  	_ =	shalt  }
0x3e: {  	_ =	shalt  }
0x3f: {  	_ =	shalt  }
0x40: {  	_ =	shalt  }
0x41: {  	_ =	shalt  }
0x42: {  	_ =	shalt  }
0x43: {  	_ =	shalt  }
0x44: {  	_ =	shalt  }
0x45: {  	_ =	shalt  }
0x46: {  	_ =	shalt  }
0x47: {  	_ =	shalt  }
0x48: {  	_ =	shalt  }
0x49: {  	_ =	shalt  }
0x4a: {  	_ =	shalt  }
0x4b: {  	_ =	shalt  }
0x4c: {  	_ =	shalt  }
0x4d: {  	_ =	shalt  }
0x4e: {  	_ =	shalt  }
0x4f: {  	_ =	shalt  }
0x50: {  	_ =	shalt  }
0x51: {  	_ =	shalt  }
0x52: {  	_ =	shalt  }
0x53: {  	_ =	shalt  }
0x54: {  	_ =	shalt  }
0x55: {  	_ =	shalt  }
0x56: {  	_ =	shalt  }
0x57: {  	_ =	shalt  }
0x58: {  	_ =	shalt  }
0x59: {  	_ =	shalt  }
0x5a: {  	_ =	shalt  }
0x5b: {  	_ =	shalt  }
0x5c: {  	_ =	shalt  }
0x5d: {  	_ =	shalt  }
0x5e: {  	_ =	shalt  }
0x5f: {  	_ =	shalt  }
0x60: {  	_ =	shalt  }
0x61: {  	_ =	shalt  }
0x62: {  	_ =	shalt  }
0x63: {  	_ =	shalt  }
0x64: {  	_ =	shalt  }
0x65: {  	_ =	shalt  }
0x66: {  	_ =	shalt  }
0x67: {  	_ =	shalt  }
0x68: {  	_ =	shalt  }
0x69: {  	_ =	shalt  }
0x6a: {  	_ =	shalt  }
0x6b: {  	_ =	shalt  }
0x6c: {  	_ =	shalt  }
0x6d: {  	_ =	shalt  }
0x6e: {  	_ =	shalt  }
0x6f: {  	_ =	shalt  }
0x70: {  	_ =	shalt  }
0x71: {  	_ =	shalt  }
0x72: {  	_ =	shalt  }
0x73: {  	_ =	shalt  }
0x74: {  	_ =	shalt  }
0x75: {  	_ =	shalt  }
0x76: {  	_ =	shalt  }
0x77: {  	_ =	shalt  }
0x78: {  	_ =	shalt  }
0x79: {  	_ =	shalt  }
0x7a: {  	_ =	shalt  }
0x7b: {  	_ =	shalt  }
0x7c: {  	_ =	shalt  }
0x7d: {  	_ =	shalt  }
0x7e: {  	_ =	shalt  }
0x7f: {  	_ =	shalt  }
0x80: {  	_ =	shalt  }
0x81: {  	_ =	shalt  }
0x82: {  	_ =	shalt  }
0x83: {  	_ =	shalt  }
0x84: {  	_ =	shalt  }
0x85: {  	_ =	shalt  }
0x86: {  	_ =	shalt  }
0x87: {  	_ =	shalt  }
.Lfunc_end0:
.L_simem_size_0:
called_computation.1_lowered:
.L_overlay_start_0:
0x88: {  	s2 =	sld [smem:$0x3FD9]  }
0x89: {  	s3 =	sld [smem:$0x3FFE];
	_ =	sdelay $0x1  }
0x8a: {  	s1 =	srdreg.scid  }
0x8b: {  	s0 =	sand.u32 $0x1, s1  }
0x8c: {  	s16 =	sshll.u32 s0, $0xA;
	s2 =	sadd.s32 s3, s2  }
0x8d: {  	s2 =	sadd.s32 s2, s16  }
0x8e: {  	[smem:$0x3FB7] =	sst s2  }
0x8f: {  	_ = 	snop  }
0x90: {  	(tm) =	ssettm $0x1  }
0x91: {  	s17 =	sld [smem:$0x3FFB];
	_ =	sdelay $0x3  }
0x92: {  	_ =	strace s17  }
0x93: {  	s2 =	sld [smem:$0x3FFC];
	_ =	sdelay $0x3  }
0x94: {  	_ =	strace s2  }
0x95: {  	s2 =	sld [smem:$0x3FFD];
	_ =	sdelay $0x3  }
0x96: {  	_ =	strace s2  }
0x97: {  	_ =	strace $0x8FFFFFFF  }
0x98: {  	s18 =	sld [smem:$0x3FDB];
	_ =	sdelay $0x1  }
0x99: {  	s19 =	simm.s32 $_scs_section_size  }
0x9a: {  	s4 =	simm.s32 $_size__tile_overlayer_lowered;
	s5 =	simm.s32 $_tile_overlayer_lowered  }
0x9b: {  	s22 =	simm.s32 $0x1BFF;
	s21 =	sshll.u32 s5, $0x1;
	s2 =	sadd.s32 s19, s18  }
0x9c: {  	s6 =	simm.s32 $0x0;
	s20 =	sshll.u32 s4, $0x1;
	s4 =	sadd.s32 s21, s2  }
0x9d: {  	[timem:s6], [sflag:s22] =	dma.local [hbm:s4], s20  }
0x9e: {  	_ =	swait.ge [sflag:s22], s20  }
0x9f: {  	s3 =	ssub.s32 $0x0, s20;
	[sflag:s22] =	ssyncset.done $0x0  }
0xa0: {  	[sflag:s22] =	ssyncadd.s32 s3;
	_ =	sdelay $0x1  }
0xa1: {  	s23 =	simm.s32 $0x1B8B  }
0xa2: {  	_ =	swait.ge [sflag:s23], $0x1  }
0xa3: {  	[sflag:s23] =	ssyncset.done $0x0  }
0xa4: {  	s25 =	simm.s32 $0x1B8E;
	s24 =	sld [smem:$0x3FFE];
	[sflag:s23] =	ssyncadd.s32 $0xFFFFFFFF  }
0xa5: {  	s26 =	simm.s32 $execute0_lowered;
	[smem:$0x3FD2] =	sst s25  }
0xa6: {  	s4 =	sshll.u32 s26, $0x1;
	_ =	strace $0x80000049;
	[dreg:$0x1] =	wrdreg $0xFFFFFFFF  }
0xa7: {  	s28 =	simm.s32 $_size_execute0_lowered;
	s2 =	sadd.s32 s2, s4;
	[dreg:$0x0] =	wrdreg $0x0  }
0xa8: {  	s4 =	sshll.u32 s28, $0x1;
	[dreg:$0x2] =	wrdreg s2  }
0xa9: {  	[dreg:$0x3] =	wrdreg s4  }
0xaa: {  	[dreg:$0x4] =	wrdreg $0xC0  }
0xab: {  	_ =	task [dreg:s6], $0x5FFFF  }
0xac: {  	[dreg:$0x1] =	wrdreg $0xFFFFFFFF  }
0xad: {  	[dreg:$0x0] =	wrdreg $0x60  }
0xae: {  	[dreg:$0x2] =	wrdreg s24  }
0xaf: {  	[dreg:$0x3] =	wrdreg $0x149100  }
0xb0: {  	[dreg:$0x4] =	wrdreg $0x9  }
0xb1: {  	_ =	task.clear_ibuf [dreg:s6], $0x5FFFF;
	_ =	strace $0x90000049  }
0xb2: {  	s29 =	simm.s32 $0x9;
	_ =	strace $0x8000004B  }
0xb3: {  	_ =	swait.ge [sflag:s29], $0x1  }
0xb4: {  	[sflag:s29] =	ssyncadd.s32 $0xFFFFFFFF  }
0xb5: {  	_ =	strace $0x9000004B  }
0xb6: {  	_ =	sfence  }
0xb7: {  	s30 =	sld [smem:$0x0];
	_ =	sdelay $0x2  }
0xb8: {  	s31 =	sshll.u32 s1, $0xD;
	s1 =	sshrl.u32 s1, $0x2  }
0xb9: {  	s3 =	sand.u32 $0x4000, s31;
	s1 =	sadd.s32 s1, s30  }
0xba: {  	s0 =	sor.u32 s3, s0;
	s1 =	sshll.u32 s1, $0x11  }
0xbb: {  	s0 =	sor.u32 s1, s0  }
0xbc: {  	s0 =	sadd.s32 $0x8F2B, s0  }
0xbd: {  	[sflag:s0] =	ssyncadd.remote.s32 $0x1  }
0xbe: {  	_ =	sfence.sel $0xFFFF  }
0xbf: {  	[dreg:$0x0] =	wrdreg $0xFFFFFFFF;
	(pc) =	sbr.abs _section_cstart, $3  }
0xc0: {  	[dreg:$0x1] =	wrdreg $0xFFFFFFFF  }
0xc1: {  	_ =	task.clear_ibuf [dreg:s6], $0x2FFFF;
	_ =	strace $0x9FFFFFFF  }
0xc2: {  	(tm) =	ssettm $0x7FFFFFFF  }
0xc3: {  	_ =	shalt  }
tec
execute0_lowered:
.L_overlay_start_1:
0x0: {  	(tag) =	ssettag $0x1  }
0x1: {  	s1 =	srdreg.scid;
	s4 =	rddreg [dreg:$0x0]  }
0x2: {  	s0 =	stileid.u32;
	s2 =	rddreg [dreg:$0x1]  }
0x3: {  	s3 =	simm.s32 $0x0;
	s13 =	simm.s32 $0x50;
	s14 =	simm.s32 $0x3  }
0x4: {  	s15 =	simm.s32 $0x4;
	s16 =	simm.s32 $0x0;
	s5 =	sand.u32 $0x1, s1  }
0x5: {  	s29 =	sshll.u32 s0, $0x1;
	s1 =	rddreg [dreg:$0x2];
	s9 =	smul.u32 $0xA000, s0  }
0x6: {  	[smem:$0x7FF] =	sst s3;
	s10 =	sadd.s32 $0x548E00, s4;
	s11 =	smul.u32 $0x4E20, s0  }
0x7: {  	p0 =	seq.s32 s0, $0x0;
	s6 =	sor.u32 s5, s29;
	s8 =	smul.u32 $0x5000, s5  }
0x8: {  	_ =	strace $0x8000004A;
	s30 =	ssub.s32 $0x2, s5;
	s5 =	smul.u32 $0x2710, s5  }
0x9: {  	s7 =	smul.u32 $0x2710, s6;
	s12 =	sshrl.u32 s30, $0x1;
	s9 =	sshrl.u32 s9, $0x2  }
0xa: {  	s6 =	smul.u32 $0x4E20, s6;
	s8 =	sadd.s32 s8, s4;
	s12 =	ssub.s32 s30, s12  }
.Ltmp0:
0xb: {  	s31 =	sadd.s32 s5, s11;
	s7 =	sshrl.u32 s7, $0x3;
	(pc) =	sbr.rel .LBB2_1-.Ltmp0, $4  }
0xc: {  	s11 =	simm.s32 $0x5;
	s6 =	sadd.s32 s10, s6;
	s7 =	sadd.s32 s7, s4  }
0xd: {  	s4 =	sadd.s32 s9, s2;
	s9 =	sshll.u32 s31, $0x1;
	s5 =	sadd.s32 $0x5D000, s7  }
0xe: {  	s7 =	sadd.s32 $0x5E5200, s8;
	s8 =	smax.u32 s12, $0x1;
	s9 =	sadd.s32 s10, s9  }
0xf: {  	v0 =	vimm.f32 $0.0e+00;
	s10 =	simm.s32 $0x12110;
	s12 =	simm.s32 $0x2710;
	s9 =	sadd.s32 $0xFA0, s9  }
.LBB2_9:
0x10: {  	_ =	swait.ge [sflag:s14], $0x500  }
0x11: {  	[sflag:s14] =	ssyncset.done $0x0  }
0x12: {  	[sflag:s14] =	ssyncadd.s32 $0xFFFFFB00  }
0x13: {  	_ =	swait.ge [sflag:s14], $0x500  }
0x14: {  	[sflag:s14] =	ssyncset.done $0x0  }
0x15: {  	[sflag:s14] =	ssyncadd.s32 $0xFFFFFB00  }
0x16: {  	_ =	swait.ge [sflag:s14], $0x500  }
0x17: {  	[sflag:s14] =	ssyncset.done $0x0  }
0x18: {  	[sflag:s14] =	ssyncadd.s32 $0xFFFFFB00  }
0x19: {  	_ =	swait.ge [sflag:s14], $0x500  }
0x1a: {  	[sflag:s14] =	ssyncset.done $0x0  }
0x1b: {  	[sflag:s14] =	ssyncadd.s32 $0xFFFFFB00  }
0x1c: {  	_ =	swait.ge [sflag:s14], $0x500  }
0x1d: {  	[sflag:s14] =	ssyncset.done $0x0  }
0x1e: {  	[sflag:s14] =	ssyncadd.s32 $0xFFFFFB00  }
0x1f: {  	_ =	swait.ge [sflag:s14], $0x500  }
0x20: {  	[sflag:s14] =	ssyncset.done $0x0  }
0x21: {  	[sflag:s14] =	ssyncadd.s32 $0xFFFFFB00  }
0x22: {  	_ =	swait.ge [sflag:s14], $0x500  }
0x23: {  	[sflag:s14] =	ssyncset.done $0x0  }
0x24: {  	[sflag:s14] =	ssyncadd.s32 $0xFFFFFB00  }
0x25: {  	_ =	swait.ge [sflag:s14], $0x500  }
0x26: {  	[sflag:s14] =	ssyncset.done $0x0  }
0x27: {  	[sflag:s14] =	ssyncadd.s32 $0xFFFFFB00  }
0x28: {  	_ =	swait.ge [sflag:s14], $0x500  }
0x29: {  	[sflag:s14] =	ssyncset.done $0x0  }
0x2a: {  	[sflag:s14] =	ssyncadd.s32 $0xFFFFFB00  }
0x2b: {  	_ =	swait.ge [sflag:s14], $0x500  }
0x2c: {  	[sflag:s14] =	ssyncset.done $0x0  }
0x2d: {  	[sflag:s14] =	ssyncadd.s32 $0xFFFFFB00  }
0x2e: {  	_ =	swait.ge [sflag:s14], $0x500  }
0x2f: {  	[sflag:s14] =	ssyncset.done $0x0  }
0x30: {  	[sflag:s14] =	ssyncadd.s32 $0xFFFFFB00  }
0x31: {  	_ =	swait.ge [sflag:s14], $0x500  }
0x32: {  	[sflag:s14] =	ssyncset.done $0x0  }
0x33: {  	[sflag:s14] =	ssyncadd.s32 $0xFFFFFB00  }
0x34: {  	_ =	swait.ge [sflag:s14], $0x500  }
0x35: {  	[sflag:s14] =	ssyncset.done $0x0  }
0x36: {  	[sflag:s14] =	ssyncadd.s32 $0xFFFFFB00  }
0x37: {  	_ =	swait.ge [sflag:s14], $0x500  }
0x38: {  	[sflag:s14] =	ssyncset.done $0x0  }
0x39: {  	[sflag:s14] =	ssyncadd.s32 $0xFFFFFB00  }
0x3a: {  	_ =	swait.ge [sflag:s14], $0x500  }
0x3b: {  	[sflag:s14] =	ssyncset.done $0x0  }
0x3c: {  	[sflag:s14] =	ssyncadd.s32 $0xFFFFFB00  }
0x3d: {  	_ =	swait.ge [sflag:s14], $0x500  }
0x3e: {  	[sflag:s14] =	ssyncset.done $0x0  }
0x3f: {  	[sflag:s14] =	ssyncadd.s32 $0xFFFFFB00  }
0x40: {  	_ =	swait.ge [sflag:s14], $0x500  }
0x41: {  	[sflag:s14] =	ssyncset.done $0x0  }
0x42: {  	[sflag:s14] =	ssyncadd.s32 $0xFFFFFB00  }
0x43: {  	_ =	swait.ge [sflag:s14], $0x500  }
0x44: {  	[sflag:s14] =	ssyncset.done $0x0  }
0x45: {  	[sflag:s14] =	ssyncadd.s32 $0xFFFFFB00  }
0x46: {  	_ =	swait.ge [sflag:s14], $0x500  }
0x47: {  	[sflag:s14] =	ssyncset.done $0x0  }
0x48: {  	[sflag:s14] =	ssyncadd.s32 $0xFFFFFB00  }
0x49: {  	_ =	swait.ge [sflag:s14], $0x500  }
0x4a: {  	[sflag:s14] =	ssyncset.done $0x0  }
0x4b: {  	[sflag:s14] =	ssyncadd.s32 $0xFFFFFB00  }
0x4c: {  	_ =	swait.ge [sflag:s14], $0x500  }
0x4d: {  	[sflag:s14] =	ssyncset.done $0x0  }
0x4e: {  	[sflag:s14] =	ssyncadd.s32 $0xFFFFFB00  }
0x4f: {  	_ =	swait.ge [sflag:s14], $0x500  }
0x50: {  	[sflag:s14] =	ssyncset.done $0x0  }
0x51: {  	[sflag:s14] =	ssyncadd.s32 $0xFFFFFB00  }
0x52: {  	_ =	swait.ge [sflag:s14], $0x500  }
0x53: {  	[sflag:s14] =	ssyncset.done $0x0  }
0x54: {  	[sflag:s14] =	ssyncadd.s32 $0xFFFFFB00  }
0x55: {  	_ =	swait.ge [sflag:s14], $0x500  }
0x56: {  	[sflag:s14] =	ssyncset.done $0x0  }
0x57: {  	[sflag:s14] =	ssyncadd.s32 $0xFFFFFB00  }
0x58: {  	_ =	swait.ge [sflag:s14], $0x500  }
0x59: {  	[sflag:s14] =	ssyncset.done $0x0  }
0x5a: {  	[sflag:s14] =	ssyncadd.s32 $0xFFFFFB00  }
0x5b: {  	_ =	swait.ge [sflag:s15], $0x500  }
0x5c: {  	[sflag:s15] =	ssyncset.done $0x0  }
0x5d: {  	[sflag:s15] =	ssyncadd.s32 $0xFFFFFB00  }
0x5e: {  	_ =	swait.ge [sflag:s15], $0x500  }
0x5f: {  	[sflag:s15] =	ssyncset.done $0x0  }
0x60: {  	[sflag:s15] =	ssyncadd.s32 $0xFFFFFB00  }
0x61: {  	_ =	swait.ge [sflag:s15], $0x500  }
0x62: {  	[sflag:s15] =	ssyncset.done $0x0  }
0x63: {  	[sflag:s15] =	ssyncadd.s32 $0xFFFFFB00  }
0x64: {  	_ =	swait.ge [sflag:s15], $0x500  }
0x65: {  	[sflag:s15] =	ssyncset.done $0x0  }
0x66: {  	[sflag:s15] =	ssyncadd.s32 $0xFFFFFB00  }
0x67: {  	_ =	swait.ge [sflag:s15], $0x500  }
0x68: {  	[sflag:s15] =	ssyncset.done $0x0  }
0x69: {  	[sflag:s15] =	ssyncadd.s32 $0xFFFFFB00  }
0x6a: {  	_ =	swait.ge [sflag:s15], $0x500  }
0x6b: {  	[sflag:s15] =	ssyncset.done $0x0  }
0x6c: {  	[sflag:s15] =	ssyncadd.s32 $0xFFFFFB00  }
0x6d: {  	_ =	swait.ge [sflag:s15], $0x500  }
0x6e: {  	[sflag:s15] =	ssyncset.done $0x0  }
0x6f: {  	[sflag:s15] =	ssyncadd.s32 $0xFFFFFB00  }
0x70: {  	_ =	swait.ge [sflag:s15], $0x500  }
0x71: {  	[sflag:s15] =	ssyncset.done $0x0  }
0x72: {  	[sflag:s15] =	ssyncadd.s32 $0xFFFFFB00  }
0x73: {  	_ =	swait.ge [sflag:s15], $0x500  }
0x74: {  	[sflag:s15] =	ssyncset.done $0x0  }
0x75: {  	[sflag:s15] =	ssyncadd.s32 $0xFFFFFB00  }
0x76: {  	_ =	swait.ge [sflag:s15], $0x500  }
0x77: {  	[sflag:s15] =	ssyncset.done $0x0  }
0x78: {  	[sflag:s15] =	ssyncadd.s32 $0xFFFFFB00  }
0x79: {  	_ =	swait.ge [sflag:s15], $0x500  }
0x7a: {  	[sflag:s15] =	ssyncset.done $0x0  }
0x7b: {  	[sflag:s15] =	ssyncadd.s32 $0xFFFFFB00  }
0x7c: {  	_ =	swait.ge [sflag:s15], $0x500  }
0x7d: {  	[sflag:s15] =	ssyncset.done $0x0  }
0x7e: {  	[sflag:s15] =	ssyncadd.s32 $0xFFFFFB00  }
0x7f: {  	_ =	swait.ge [sflag:s15], $0x500  }
0x80: {  	[sflag:s15] =	ssyncset.done $0x0  }
0x81: {  	[sflag:s15] =	ssyncadd.s32 $0xFFFFFB00  }
0x82: {  	_ =	swait.ge [sflag:s15], $0x500  }
0x83: {  	[sflag:s15] =	ssyncset.done $0x0  }
0x84: {  	[sflag:s15] =	ssyncadd.s32 $0xFFFFFB00  }
0x85: {  	_ =	swait.ge [sflag:s15], $0x500  }
0x86: {  	[sflag:s15] =	ssyncset.done $0x0  }
0x87: {  	[sflag:s15] =	ssyncadd.s32 $0xFFFFFB00  }
0x88: {  	_ =	swait.ge [sflag:s15], $0x500  }
0x89: {  	[sflag:s15] =	ssyncset.done $0x0  }
0x8a: {  	[sflag:s15] =	ssyncadd.s32 $0xFFFFFB00  }
0x8b: {  	_ =	swait.ge [sflag:s15], $0x500  }
0x8c: {  	[sflag:s15] =	ssyncset.done $0x0  }
0x8d: {  	[sflag:s15] =	ssyncadd.s32 $0xFFFFFB00  }
0x8e: {  	_ =	swait.ge [sflag:s15], $0x500  }
0x8f: {  	[sflag:s15] =	ssyncset.done $0x0  }
0x90: {  	[sflag:s15] =	ssyncadd.s32 $0xFFFFFB00  }
0x91: {  	_ =	swait.ge [sflag:s15], $0x500  }
0x92: {  	[sflag:s15] =	ssyncset.done $0x0  }
0x93: {  	[sflag:s15] =	ssyncadd.s32 $0xFFFFFB00  }
0x94: {  	_ =	swait.ge [sflag:s15], $0x500  }
0x95: {  	[sflag:s15] =	ssyncset.done $0x0  }
0x96: {  	[sflag:s15] =	ssyncadd.s32 $0xFFFFFB00  }
0x97: {  	_ =	swait.ge [sflag:s15], $0x500  }
0x98: {  	[sflag:s15] =	ssyncset.done $0x0  }
0x99: {  	[sflag:s15] =	ssyncadd.s32 $0xFFFFFB00  }
0x9a: {  	_ =	swait.ge [sflag:s15], $0x500  }
0x9b: {  	[sflag:s15] =	ssyncset.done $0x0  }
0x9c: {  	[sflag:s15] =	ssyncadd.s32 $0xFFFFFB00  }
0x9d: {  	_ =	swait.ge [sflag:s15], $0x500  }
0x9e: {  	[sflag:s15] =	ssyncset.done $0x0  }
0x9f: {  	[sflag:s15] =	ssyncadd.s32 $0xFFFFFB00  }
0xa0: {  	_ =	swait.ge [sflag:s15], $0x500  }
0xa1: {  	[sflag:s15] =	ssyncset.done $0x0  }
0xa2: {  	[sflag:s15] =	ssyncadd.s32 $0xFFFFFB00  }
0xa3: {  	_ =	swait.ge [sflag:s15], $0x500  }
0xa4: {  	[sflag:s15] =	ssyncset.done $0x0  }
0xa5: {  	s17 =	sshrl.u32 @p0 s2, $0x3;
	s16 =	sadd.s32 $0x1, s16;
	[sflag:s15] =	ssyncadd.s32 $0xFFFFFB00  }
0xa6: {  	s18 =	simm.s32 @p0 $0x1C05;
	p1 =	sne.s32 s16, s8;
	[bflag:$0x0] =	sbarrier.arrive $0xFFFF  }
0xa7: {  	[hbm:s7], [sflag:s18] =	dma.local @p0 [spmem:s17], $0x5000  }
.Ltmp1:
0xa8: {  	_ = 	snop;
	(pc) =	sbr.rel @!p1 .LBB2_10-.Ltmp1, $4  }
0xa9: {  	s17 =	simm.s32 @p0 $0x5  }
0xaa: {  	_ =	swait.ge @p0 [sflag:s17], $0x5000  }
0xab: {  	[sflag:s17] =	ssyncset.done @p0 $0x0  }
0xac: {  	[sflag:s17] =	ssyncadd.s32 @p0 $0xFFFFB000  }
.LBB2_1:
0xad: {  	s17 =	simm.s32 $0x40;
	s18 =	simm.s32 $0x0  }
.LBB2_2:
0xae: {  	p1 =	sne.s32 s17, $0x9FC0;
	[tilespmem:s18+$0x12110] =	vst v0;
	s18 =	smov.u32 s17;
	s17 =	sadd.s32 $0x40, s17  }
.Ltmp2:
0xaf: {  	(pc) =	sbr.rel @p1 .LBB2_2-.Ltmp2, $2  }
0xb0: {  	_ =	sdelay $0x2  }
0xb1: {  	s18 =	sshra.s32 s18, $0x2  }
0xb2: {  	[tilespmem:s18+$0x12110] =	vst v0  }
0xb3: {  	[spmem:s4] =	stream.linear.scatter [tilespmem:s10], [sflag:$0x5], $0x2800, $0x38;
	[tilespmem:$0x17110] =	vst v63  }
0xb4: {  	_ =	swait.ge [sflag:s11], $0x2800  }
0xb5: {  	[sflag:s11] =	ssyncset.done $0x0  }
0xb6: {  	s17 =	simm.s32 $0x0;
	[sflag:s11] =	ssyncadd.s32 $0xFFFFD800  }
0xb7: {  	[tilespmem:s17], [sflag:$0x5] =	stream.linear.gather [hbm4b:s5+s17], $0x2710, $0x38;
	[tilespmem:$0x17110] =	vst v63  }
.Ltmp3:
0xb8: {  	_ =	swait.ge [sflag:s11], $0x2710;
	(pc) =	sbr.rel .LBB2_4-.Ltmp3, $4  }
0xb9: {  	[sflag:s11] =	ssyncset.done $0x0  }
0xba: {  	[sflag:s11] =	ssyncadd.s32 $0xFFFFD8F0  }
0xbb: {  	s18 =	simm.s32 $0x1;
	s19 =	smov.u32 s9;
	[bflag:$0x0] =	sbarrier.arrive $0xFFFF  }
0xbc: {  	[tilespmem:s12], [sflag:$0x1] =	stream.linear.gather [hbm4b:s6+s17], $0x7D00, $0x38;
	[tilespmem:$0x17110] =	vst v63  }
.LBB2_7:
0xbd: {  	s22 =	smul.u32 $0x1F400, s21;
	_ =	sdelay $0x1  }
0xbe: {  	s22 =	sshrl.u32 s22, $0x2  }
0xbf: {  	s31 =	sadd.s32 $0x1, s21;
	s22 =	sadd.s32 $0x2710, s22  }
0xc0: {  	[tilespmem:s22], [sflag:s31] =	stream.linear.gather [hbm4b:s19+s3], $0x7D00, $0x38;
	[tilespmem:$0x17110] =	vst v63  }
.LBB2_8:
0xc1: {  	s21 =	sand.u32 $0x1, s20  }
0xc2: {  	s20 =	smul.u32 $0x1F400, s21;
	s22 =	sadd.s32 $0x1, s21  }
0xc3: {  	_ =	swait.ge [sflag:s22], $0x7D00  }
0xc4: {  	s21 =	sadd.s32 $0x3, s21;
	s20 =	sshrl.u32 s20, $0x2;
	[sflag:s22] =	ssyncset.done $0x0  }
0xc5: {  	s23 =	sadd.s32 $0x2710, s20;
	[sflag:s22] =	ssyncadd.s32 $0xFFFF8300;
	s22 =	sshra.s32 s17, $0x2  }
0xc6: {  	[spmem:s2] =	stream.indirect.scatter.add.f32 [tilespmem:s23], [sflag:s21], $0x10, s22, s13, $0xb8;
	[tilespmem:$0x17110] =	vst v63  }
0xc7: {  	s29 =	sadd.s32 $0x2C10, s20;
	s24 =	sadd.s32 $0x50, s22  }
0xc8: {  	[spmem:s2] =	stream.indirect.scatter.add.f32 [tilespmem:s29], [sflag:s21], $0x10, s24, s13, $0xb8;
	[tilespmem:$0x17110] =	vst v63  }
0xc9: {  	s30 =	sadd.s32 $0x3110, s20;
	s31 =	sadd.s32 $0xA0, s22  }
0xca: {  	[spmem:s2] =	stream.indirect.scatter.add.f32 [tilespmem:s30], [sflag:s21], $0x10, s31, s13, $0xb8;
	[tilespmem:$0x17110] =	vst v63  }
0xcb: {  	s25 =	sadd.s32 $0x3610, s20;
	s26 =	sadd.s32 $0xF0, s22  }
0xcc: {  	[spmem:s2] =	stream.indirect.scatter.add.f32 [tilespmem:s25], [sflag:s21], $0x10, s26, s13, $0xb8;
	[tilespmem:$0x17110] =	vst v63  }
0xcd: {  	s28 =	sadd.s32 $0x3B10, s20;
	s29 =	sadd.s32 $0x140, s22  }
0xce: {  	[spmem:s2] =	stream.indirect.scatter.add.f32 [tilespmem:s28], [sflag:s21], $0x10, s29, s13, $0xb8;
	[tilespmem:$0x17110] =	vst v63  }
0xcf: {  	s30 =	sadd.s32 $0x4010, s20;
	s31 =	sadd.s32 $0x190, s22  }
0xd0: {  	[spmem:s2] =	stream.indirect.scatter.add.f32 [tilespmem:s30], [sflag:s21], $0x10, s31, s13, $0xb8;
	[tilespmem:$0x17110] =	vst v63  }
0xd1: {  	s25 =	sadd.s32 $0x4510, s20;
	s26 =	sadd.s32 $0x1E0, s22  }
0xd2: {  	[spmem:s2] =	stream.indirect.scatter.add.f32 [tilespmem:s25], [sflag:s21], $0x10, s26, s13, $0xb8;
	[tilespmem:$0x17110] =	vst v63  }
0xd3: {  	s28 =	sadd.s32 $0x4A10, s20;
	s29 =	sadd.s32 $0x230, s22  }
0xd4: {  	[spmem:s2] =	stream.indirect.scatter.add.f32 [tilespmem:s28], [sflag:s21], $0x10, s29, s13, $0xb8;
	[tilespmem:$0x17110] =	vst v63  }
0xd5: {  	s30 =	sadd.s32 $0x4F10, s20;
	s31 =	sadd.s32 $0x280, s22  }
0xd6: {  	[spmem:s2] =	stream.indirect.scatter.add.f32 [tilespmem:s30], [sflag:s21], $0x10, s31, s13, $0xb8;
	[tilespmem:$0x17110] =	vst v63  }
0xd7: {  	s25 =	sadd.s32 $0x5410, s20;
	s26 =	sadd.s32 $0x2D0, s22  }
0xd8: {  	[spmem:s2] =	stream.indirect.scatter.add.f32 [tilespmem:s25], [sflag:s21], $0x10, s26, s13, $0xb8;
	[tilespmem:$0x17110] =	vst v63  }
0xd9: {  	s28 =	sadd.s32 $0x5910, s20;
	s29 =	sadd.s32 $0x320, s22  }
0xda: {  	[spmem:s2] =	stream.indirect.scatter.add.f32 [tilespmem:s28], [sflag:s21], $0x10, s29, s13, $0xb8;
	[tilespmem:$0x17110] =	vst v63  }
0xdb: {  	s30 =	sadd.s32 $0x5E10, s20;
	s31 =	sadd.s32 $0x370, s22  }
0xdc: {  	[spmem:s2] =	stream.indirect.scatter.add.f32 [tilespmem:s30], [sflag:s21], $0x10, s31, s13, $0xb8;
	[tilespmem:$0x17110] =	vst v63  }
0xdd: {  	s25 =	sadd.s32 $0x6310, s20;
	s26 =	sadd.s32 $0x3C0, s22  }
0xde: {  	[spmem:s2] =	stream.indirect.scatter.add.f32 [tilespmem:s25], [sflag:s21], $0x10, s26, s13, $0xb8;
	[tilespmem:$0x17110] =	vst v63  }
0xdf: {  	s28 =	sadd.s32 $0x6810, s20;
	s29 =	sadd.s32 $0x410, s22  }
0xe0: {  	[spmem:s2] =	stream.indirect.scatter.add.f32 [tilespmem:s28], [sflag:s21], $0x10, s29, s13, $0xb8;
	[tilespmem:$0x17110] =	vst v63  }
0xe1: {  	s30 =	sadd.s32 $0x6D10, s20;
	s31 =	sadd.s32 $0x460, s22  }
0xe2: {  	[spmem:s2] =	stream.indirect.scatter.add.f32 [tilespmem:s30], [sflag:s21], $0x10, s31, s13, $0xb8;
	[tilespmem:$0x17110] =	vst v63  }
0xe3: {  	s25 =	sadd.s32 $0x7210, s20;
	s26 =	sadd.s32 $0x4B0, s22  }
0xe4: {  	[spmem:s2] =	stream.indirect.scatter.add.f32 [tilespmem:s25], [sflag:s21], $0x10, s26, s13, $0xb8;
	[tilespmem:$0x17110] =	vst v63  }
0xe5: {  	s28 =	sadd.s32 $0x7710, s20;
	s29 =	sadd.s32 $0x500, s22  }
0xe6: {  	[spmem:s2] =	stream.indirect.scatter.add.f32 [tilespmem:s28], [sflag:s21], $0x10, s29, s13, $0xb8;
	[tilespmem:$0x17110] =	vst v63  }
0xe7: {  	s30 =	sadd.s32 $0x7C10, s20;
	s31 =	sadd.s32 $0x550, s22  }
0xe8: {  	[spmem:s2] =	stream.indirect.scatter.add.f32 [tilespmem:s30], [sflag:s21], $0x10, s31, s13, $0xb8;
	[tilespmem:$0x17110] =	vst v63  }
0xe9: {  	s25 =	sadd.s32 $0x8110, s20;
	s26 =	sadd.s32 $0x5A0, s22  }
0xea: {  	[spmem:s2] =	stream.indirect.scatter.add.f32 [tilespmem:s25], [sflag:s21], $0x10, s26, s13, $0xb8;
	[tilespmem:$0x17110] =	vst v63  }
0xeb: {  	s28 =	sadd.s32 $0x8610, s20;
	s29 =	sadd.s32 $0x5F0, s22  }
0xec: {  	[spmem:s2] =	stream.indirect.scatter.add.f32 [tilespmem:s28], [sflag:s21], $0x10, s29, s13, $0xb8;
	[tilespmem:$0x17110] =	vst v63  }
0xed: {  	s30 =	sadd.s32 $0x8B10, s20;
	s31 =	sadd.s32 $0x640, s22  }
0xee: {  	[spmem:s2] =	stream.indirect.scatter.add.f32 [tilespmem:s30], [sflag:s21], $0x10, s31, s13, $0xb8;
	[tilespmem:$0x17110] =	vst v63  }
0xef: {  	s17 =	sadd.s32 $0x1F40, s17;
	s25 =	sadd.s32 $0x9010, s20;
	s26 =	sadd.s32 $0x690, s22  }
0xf0: {  	[spmem:s2] =	stream.indirect.scatter.add.f32 [tilespmem:s25], [sflag:s21], $0x10, s26, s13, $0xb8;
	[tilespmem:$0x17110] =	vst v63  }
0xf1: {  	p1 =	seq.s32 s17, $0x9C40;
	s28 =	sadd.s32 $0x9510, s20;
	s29 =	sadd.s32 $0x6E0, s22  }
0xf2: {  	[spmem:s2] =	stream.indirect.scatter.add.f32 [tilespmem:s28], [sflag:s21], $0x10, s29, s13, $0xb8;
	[tilespmem:$0x17110] =	vst v63  }
.Ltmp4:
0xf3: {  	_ = 	snop;
	(pc) =	sbr.rel @p1 .LBB2_9-.Ltmp4, $4  }
0xf4: {  	s19 =	sadd.s32 $0xFA0, s19;
	s30 =	sadd.s32 $0x9A10, s20;
	s31 =	sadd.s32 $0x730, s22  }
0xf5: {  	[spmem:s2] =	stream.indirect.scatter.add.f32 [tilespmem:s30], [sflag:s21], $0x10, s31, s13, $0xb8;
	[tilespmem:$0x17110] =	vst v63  }
0xf6: {  	s18 =	sadd.s32 $0x1, s18;
	s20 =	sadd.s32 $0x9F10, s20;
	s22 =	sadd.s32 $0x780, s22  }
0xf7: {  	[spmem:s2] =	stream.indirect.scatter.add.f32 [tilespmem:s20], [sflag:s21], $0x10, s22, s13, $0xb8;
	[tilespmem:$0x17110] =	vst v63  }
.LBB2_4:
0xf8: {  	s20 =	sadd.s32 $0xFFFFFFFF, s18  }
0xf9: {  	p1 =	seq.s32 s20, $0x0  }
.Ltmp5:
0xfa: {  	_ = 	snop;
	(pc) =	sbr.rel @p1 .LBB2_7-.Ltmp5, $2  }
0xfb: {  	_ =	sdelay $0x2  }
0xfc: {  	s21 =	sand.u32 $0x1, s18  }
0xfd: {  	p1 =	seq.s32 s20, $0x4  }
.Ltmp6:
0xfe: {  	_ = 	snop;
	(pc) =	sbr.rel @p1 .LBB2_8-.Ltmp6, $1  }
0xff: {  	_ =	sdelay $0x3  }
0x100: {  	s22 =	sadd.s32 $0x3, s21  }
0x101: {  	_ =	swait.ge [sflag:s22], $0x500  }
0x102: {  	[sflag:s22] =	ssyncset.done $0x0  }
0x103: {  	[sflag:s22] =	ssyncadd.s32 $0xFFFFFB00  }
0x104: {  	_ =	swait.ge [sflag:s22], $0x500  }
0x105: {  	[sflag:s22] =	ssyncset.done $0x0  }
0x106: {  	[sflag:s22] =	ssyncadd.s32 $0xFFFFFB00  }
0x107: {  	_ =	swait.ge [sflag:s22], $0x500  }
0x108: {  	[sflag:s22] =	ssyncset.done $0x0  }
0x109: {  	[sflag:s22] =	ssyncadd.s32 $0xFFFFFB00  }
0x10a: {  	_ =	swait.ge [sflag:s22], $0x500  }
0x10b: {  	[sflag:s22] =	ssyncset.done $0x0  }
0x10c: {  	[sflag:s22] =	ssyncadd.s32 $0xFFFFFB00  }
0x10d: {  	_ =	swait.ge [sflag:s22], $0x500  }
0x10e: {  	[sflag:s22] =	ssyncset.done $0x0  }
0x10f: {  	[sflag:s22] =	ssyncadd.s32 $0xFFFFFB00  }
0x110: {  	_ =	swait.ge [sflag:s22], $0x500  }
0x111: {  	[sflag:s22] =	ssyncset.done $0x0  }
0x112: {  	[sflag:s22] =	ssyncadd.s32 $0xFFFFFB00  }
0x113: {  	_ =	swait.ge [sflag:s22], $0x500  }
0x114: {  	[sflag:s22] =	ssyncset.done $0x0  }
0x115: {  	[sflag:s22] =	ssyncadd.s32 $0xFFFFFB00  }
0x116: {  	_ =	swait.ge [sflag:s22], $0x500  }
0x117: {  	[sflag:s22] =	ssyncset.done $0x0  }
0x118: {  	[sflag:s22] =	ssyncadd.s32 $0xFFFFFB00  }
0x119: {  	_ =	swait.ge [sflag:s22], $0x500  }
0x11a: {  	[sflag:s22] =	ssyncset.done $0x0  }
0x11b: {  	[sflag:s22] =	ssyncadd.s32 $0xFFFFFB00  }
0x11c: {  	_ =	swait.ge [sflag:s22], $0x500  }
0x11d: {  	[sflag:s22] =	ssyncset.done $0x0  }
0x11e: {  	[sflag:s22] =	ssyncadd.s32 $0xFFFFFB00  }
0x11f: {  	_ =	swait.ge [sflag:s22], $0x500  }
0x120: {  	[sflag:s22] =	ssyncset.done $0x0  }
0x121: {  	[sflag:s22] =	ssyncadd.s32 $0xFFFFFB00  }
0x122: {  	_ =	swait.ge [sflag:s22], $0x500  }
0x123: {  	[sflag:s22] =	ssyncset.done $0x0  }
0x124: {  	[sflag:s22] =	ssyncadd.s32 $0xFFFFFB00  }
0x125: {  	_ =	swait.ge [sflag:s22], $0x500  }
0x126: {  	[sflag:s22] =	ssyncset.done $0x0  }
0x127: {  	[sflag:s22] =	ssyncadd.s32 $0xFFFFFB00  }
0x128: {  	_ =	swait.ge [sflag:s22], $0x500  }
0x129: {  	[sflag:s22] =	ssyncset.done $0x0  }
0x12a: {  	[sflag:s22] =	ssyncadd.s32 $0xFFFFFB00  }
0x12b: {  	_ =	swait.ge [sflag:s22], $0x500  }
0x12c: {  	[sflag:s22] =	ssyncset.done $0x0  }
0x12d: {  	[sflag:s22] =	ssyncadd.s32 $0xFFFFFB00  }
0x12e: {  	_ =	swait.ge [sflag:s22], $0x500  }
0x12f: {  	[sflag:s22] =	ssyncset.done $0x0  }
0x130: {  	[sflag:s22] =	ssyncadd.s32 $0xFFFFFB00  }
0x131: {  	_ =	swait.ge [sflag:s22], $0x500  }
0x132: {  	[sflag:s22] =	ssyncset.done $0x0  }
0x133: {  	[sflag:s22] =	ssyncadd.s32 $0xFFFFFB00  }
0x134: {  	_ =	swait.ge [sflag:s22], $0x500  }
0x135: {  	[sflag:s22] =	ssyncset.done $0x0  }
0x136: {  	[sflag:s22] =	ssyncadd.s32 $0xFFFFFB00  }
0x137: {  	_ =	swait.ge [sflag:s22], $0x500  }
0x138: {  	[sflag:s22] =	ssyncset.done $0x0  }
0x139: {  	[sflag:s22] =	ssyncadd.s32 $0xFFFFFB00  }
0x13a: {  	_ =	swait.ge [sflag:s22], $0x500  }
0x13b: {  	[sflag:s22] =	ssyncset.done $0x0  }
0x13c: {  	[sflag:s22] =	ssyncadd.s32 $0xFFFFFB00  }
0x13d: {  	_ =	swait.ge [sflag:s22], $0x500  }
0x13e: {  	[sflag:s22] =	ssyncset.done $0x0  }
0x13f: {  	[sflag:s22] =	ssyncadd.s32 $0xFFFFFB00  }
0x140: {  	_ =	swait.ge [sflag:s22], $0x500  }
0x141: {  	[sflag:s22] =	ssyncset.done $0x0  }
0x142: {  	[sflag:s22] =	ssyncadd.s32 $0xFFFFFB00  }
0x143: {  	_ =	swait.ge [sflag:s22], $0x500  }
0x144: {  	[sflag:s22] =	ssyncset.done $0x0  }
0x145: {  	[sflag:s22] =	ssyncadd.s32 $0xFFFFFB00  }
0x146: {  	_ =	swait.ge [sflag:s22], $0x500  }
.Ltmp7:
0x147: {  	[sflag:s22] =	ssyncset.done $0x0;
	(pc) =	sbr.rel .LBB2_7-.Ltmp7, $4  }
0x148: {  	[sflag:s22] =	ssyncadd.s32 $0xFFFFFB00  }
0x149: {  	_ =	swait.ge [sflag:s22], $0x500  }
0x14a: {  	[sflag:s22] =	ssyncset.done $0x0  }
0x14b: {  	[sflag:s22] =	ssyncadd.s32 $0xFFFFFB00  }
.LBB2_10:
0x14c: {  	_ =	sfence.sel $0x180000  }
0x14d: {  	[bflag:$0x0] =	sbarrier.arrive $0xFFFF  }
0x14e: {  	p0 =	sne.s32 s0, $0x0;
	_ =	strace $0x9000004A  }
0x14f: {  	s0 =	sadd.s32 @!p0 $0x100000, s1;
	[bflag:$0x2] =	sbarrier.arrive $0xFFFF  }
0x150: {  	[sflag:s0] =	ssyncadd.tile.s32 @!p0 $0x1;
	_ =	shalt  }
.Lfunc_end2:
_tile_overlayer_lowered:
.L_overlay_start_2:
0x151: {  	(tag) =	ssettag $0x2  }
0x152: {  	s0 =	rddreg [dreg:$0x0];
	s2 =	stileid.u32  }
0x153: {  	s1 =	rddreg [dreg:$0x1];
	p0 =	sne.s32 s2, $0x0  }
0x154: {  	s3 =	rddreg [dreg:$0x2];
	[bflag:$0x3] =	sbarrier.arrive $0xFFFF;
	s2 =	simm.s32 @!p0 $0x1C05  }
0x155: {  	[timem:s3], [sflag:s2] =	dma.local @!p0 [hbm:s0], s1  }
0x156: {  	s0 =	simm.s32 @!p0 $0x5  }
0x157: {  	_ =	swait.ge @!p0 [sflag:s0], s1  }
0x158: {  	s1 =	ssub.s32 @!p0 $0x0, s1;
	[sflag:s0] =	ssyncset.done @!p0 $0x0  }
0x159: {  	[sflag:s0] =	ssyncadd.s32 @!p0 s1  }
0x15a: {  	[bflag:$0x3] =	sbarrier.arrive $0xFFFF  }
0x15b: {  	_ =	shalt  }

// kernel: kernel.8.cloned.1.call-start
scs
__scs_entry_jumppad:
0x0: {  	(pc) =	sbr.rel $0x88, $3  }
0x1: {  	(tag) =	ssettag $0x0;
	lr =	simm.s32 $0x1  }
0x2: {  	[smem:$0x3F90] =	sst lr;
	_ =	strace $0xD0000000  }
0x3: {  	_ = 	snop  }
0x4: {  	_ = 	snop  }
0x5: {  	_ = 	snop  }
0x6: {  	_ = 	snop  }
0x7: {  	_ = 	snop  }
__scs_overlays_trampoline_lowered:
0x8: {  	[smem:$0x3F9F] =	sst s0  }
0x9: {  	[smem:$0x3FA0] =	sst s1  }
0xa: {  	[smem:$0x3FA1] =	sst s2  }
0xb: {  	[smem:$0x3FA2] =	sst s3  }
0xc: {  	[smem:$0x3FA3] =	sst s4  }
0xd: {  	[smem:$0x3FA4] =	sst s5  }
0xe: {  	[smem:$0x3FA5] =	sst s6  }
0xf: {  	[smem:$0x3FA6] =	sst s7  }
0x10: {  	[smem:$0x3FA7] =	sst s8  }
0x11: {  	[smem:$0x3FA8] =	sst s9;
	s0 =	simm.s32 @!p0 $0x0  }
0x12: {  	s1 =	sld [smem:$0x3F8E];
	s0 =	simm.s32 @p0 $0x1  }
0x13: {  	[smem:$0x3FA9] =	sst s0;
	s0 =	simm.s32 @!p1 $0x0  }
0x14: {  	s2 =	sld [smem:$0x3F8D];
	s0 =	simm.s32 @p1 $0x1  }
0x15: {  	[smem:$0x3FAA] =	sst s0;
	s0 =	simm.s32 @!p2 $0x0  }
0x16: {  	s3 =	sld [smem:$0x3FDB];
	s0 =	simm.s32 @p2 $0x1  }
0x17: {  	s4 =	simm.s32 $0x1BF5;
	[smem:$0x3FAC] =	sst s0  }
0x18: {  	s0 =	sld [smem:$0x3F8F];
	_ =	swait.ge [sflag:s4], $0x0  }
0x19: {  	s7 =	sld [smem:$0x3F90]  }
0x1a: {  	s8 =	sadd.s32 $0xFFFFE003, lr  }
0x1b: {  	s9 =	sadd.s32 $0xFFFFFEF7, lr;
	s5 =	simm.s32 $0xFFFFFFFF;
	p2 =	slt.u32 s8, $0xFFFFF086  }
0x1c: {  	p1 =	slt.u32 s9, $0xF7A;
	s5 =	simm.s32 @!p2 $0x0  }
0x1d: {  	s5 =	simm.s32 @p1 $0x1;
	p0 =	seq.s32 s7, s2  }
0x1e: {  	s7 =	smul.u32 @!p0 $0xF7A, s2;
	p2 =	seq.s32 @!p0 s5, $0x0  }
0x1f: {  	s9 =	smul.u32 $0xF7A, s1;
	s8 =	simm.s32 @!p0 $0x1BF5;
	p2 =	por !p2, p0  }
0x20: {  	[sflag:s8] =	ssyncset.s32 @!p0 $0xFFFFF086;
	s6 =	sadd.s32 @!p0 s3, s7;
	s7 =	simm.s32 @!p0 $0x108  }
0x21: {  	s3 =	sadd.s32 s3, s9;
	s6 =	sadd.s32 @!p0 $0x88, s6;
	s7 =	simm.s32 @p2 $0x1082  }
0x22: {  	[simem:s7], [sflag:s8] =	dma.local @!p0 [hbm:s6], $0xF7A  }
0x23: {  	s9 =	sor.u32 $0xD0000000, s2;
	s6 =	simm.s32 $0x108;
	_ =	swait.ge @!p0 [sflag:s8], $0x0  }
0x24: {  	s3 =	sadd.s32 $0x88, s3;
	s6 =	simm.s32 @!p1 $0x1082;
	[sflag:s4] =	ssyncset.s32 $0xFFFFF086  }
0x25: {  	[simem:s6], [sflag:s4] =	dma.local [hbm:s3], $0xF7A  }
0x26: {  	[smem:$0x3F90] =	sst s1;
	(tag) =	ssettag s2;
	_ =	strace s9  }
0x27: {  	s1 =	sld [smem:$0x3FA0]  }
0x28: {  	s2 =	sld [smem:$0x3FA1]  }
0x29: {  	s4 =	sld [smem:$0x3FA3]  }
0x2a: {  	p0 =	seq.s32 s5, $0x0;
	s5 =	sld [smem:$0x3FA4]  }
0x2b: {  	s6 =	sld [smem:$0x3FA5]  }
0x2c: {  	s7 =	sld [smem:$0x3FA6]  }
0x2d: {  	s3 =	simm.s32 $0x108;
	s8 =	sld [smem:$0x3FA7]  }
0x2e: {  	s3 =	simm.s32 @!p0 $0x1082;
	s9 =	sld [smem:$0x3FA8]  }
0x2f: {  	lr =	sadd.s32 s0, s3;
	s0 =	sld [smem:$0x3F9F]  }
0x30: {  	s3 =	sld [smem:$0x3FA2]  }
0x31: {  	[smem:$0x3FAB] =	sst s10  }
0x32: {  	s10 =	sld [smem:$0x3FA9];
	_ =	sdelay $0x3  }
0x33: {  	p0 =	seq.s32 s10, $0x1;
	s10 =	sld [smem:$0x3FAB];
	_ =	sdelay $0x3  }
0x34: {  	[smem:$0x3FAB] =	sst s10  }
0x35: {  	s10 =	sld [smem:$0x3FAA];
	_ =	sdelay $0x3  }
0x36: {  	p1 =	seq.s32 s10, $0x1;
	s10 =	sld [smem:$0x3FAB];
	_ =	sdelay $0x3  }
0x37: {  	[smem:$0x3FAB] =	sst s10  }
0x38: {  	s10 =	sld [smem:$0x3FAC]  }
0x39: {  	_ = 	snop;
	(pc) =	sbr.ind lr, $3  }
0x3a: {  	_ = 	snop  }
0x3b: {  	_ = 	snop  }
0x3c: {  	p2 =	seq.s32 s10, $0x1;
	s10 =	sld [smem:$0x3FAB]  }
0x3d: {  	_ =	shalt  }
0x3e: {  	_ =	shalt  }
0x3f: {  	_ =	shalt  }
0x40: {  	_ =	shalt  }
0x41: {  	_ =	shalt  }
0x42: {  	_ =	shalt  }
0x43: {  	_ =	shalt  }
0x44: {  	_ =	shalt  }
0x45: {  	_ =	shalt  }
0x46: {  	_ =	shalt  }
0x47: {  	_ =	shalt  }
0x48: {  	_ =	shalt  }
0x49: {  	_ =	shalt  }
0x4a: {  	_ =	shalt  }
0x4b: {  	_ =	shalt  }
0x4c: {  	_ =	shalt  }
0x4d: {  	_ =	shalt  }
0x4e: {  	_ =	shalt  }
0x4f: {  	_ =	shalt  }
0x50: {  	_ =	shalt  }
0x51: {  	_ =	shalt  }
0x52: {  	_ =	shalt  }
0x53: {  	_ =	shalt  }
0x54: {  	_ =	shalt  }
0x55: {  	_ =	shalt  }
0x56: {  	_ =	shalt  }
0x57: {  	_ =	shalt  }
0x58: {  	_ =	shalt  }
0x59: {  	_ =	shalt  }
0x5a: {  	_ =	shalt  }
0x5b: {  	_ =	shalt  }
0x5c: {  	_ =	shalt  }
0x5d: {  	_ =	shalt  }
0x5e: {  	_ =	shalt  }
0x5f: {  	_ =	shalt  }
0x60: {  	_ =	shalt  }
0x61: {  	_ =	shalt  }
0x62: {  	_ =	shalt  }
0x63: {  	_ =	shalt  }
0x64: {  	_ =	shalt  }
0x65: {  	_ =	shalt  }
0x66: {  	_ =	shalt  }
0x67: {  	_ =	shalt  }
0x68: {  	_ =	shalt  }
0x69: {  	_ =	shalt  }
0x6a: {  	_ =	shalt  }
0x6b: {  	_ =	shalt  }
0x6c: {  	_ =	shalt  }
0x6d: {  	_ =	shalt  }
0x6e: {  	_ =	shalt  }
0x6f: {  	_ =	shalt  }
0x70: {  	_ =	shalt  }
0x71: {  	_ =	shalt  }
0x72: {  	_ =	shalt  }
0x73: {  	_ =	shalt  }
0x74: {  	_ =	shalt  }
0x75: {  	_ =	shalt  }
0x76: {  	_ =	shalt  }
0x77: {  	_ =	shalt  }
0x78: {  	_ =	shalt  }
0x79: {  	_ =	shalt  }
0x7a: {  	_ =	shalt  }
0x7b: {  	_ =	shalt  }
0x7c: {  	_ =	shalt  }
0x7d: {  	_ =	shalt  }
0x7e: {  	_ =	shalt  }
0x7f: {  	_ =	shalt  }
0x80: {  	_ =	shalt  }
0x81: {  	_ =	shalt  }
0x82: {  	_ =	shalt  }
0x83: {  	_ =	shalt  }
0x84: {  	_ =	shalt  }
0x85: {  	_ =	shalt  }
0x86: {  	_ =	shalt  }
0x87: {  	_ =	shalt  }
.Lfunc_end0:
.L_simem_size_0:
called_computation_lowered:
.L_overlay_start_0:
0x88: {  	s2 =	sld [smem:$0x3FD9]  }
0x89: {  	s3 =	sld [smem:$0x3FFE];
	_ =	sdelay $0x1  }
0x8a: {  	s1 =	srdreg.scid  }
0x8b: {  	s0 =	sand.u32 $0x1, s1  }
0x8c: {  	s14 =	sshll.u32 s0, $0xA;
	s2 =	sadd.s32 s3, s2  }
0x8d: {  	s2 =	sadd.s32 s2, s14  }
0x8e: {  	[smem:$0x3FB7] =	sst s2  }
0x8f: {  	_ = 	snop  }
0x90: {  	s2 =	sld [smem:$0x3FD0];
	_ =	sdelay $0x2  }
0x91: {  	s4 =	simm.s32 $0xA;
	s5 =	simm.s32 $0x10;
	s15 =	sld [smem:$0x3FC9]  }
0x92: {  	[smem:s5], [sflag:s4] =	dma.local [hbm:s2], $0x1  }
0x93: {  	_ =	swait.eq [sflag:s4], $0x1  }
0x94: {  	[sflag:s4] =	ssyncset.done $0x0  }
0x95: {  	[sflag:s4] =	ssyncadd.s32 $0xFFFFFFFF  }
0x96: {  	s16 =	sld [smem:$0x11];
	(tm) =	ssettm $0x1  }
0x97: {  	s17 =	sld [smem:$0x3FFB];
	_ =	sdelay $0x3  }
0x98: {  	_ =	strace s17  }
0x99: {  	s4 =	sld [smem:$0x3FFC];
	_ =	sdelay $0x3  }
0x9a: {  	_ =	strace s4  }
0x9b: {  	s4 =	sld [smem:$0x3FFD];
	_ =	sdelay $0x3  }
0x9c: {  	_ =	strace s4  }
0x9d: {  	_ =	strace $0x8FFFFFFF  }
0x9e: {  	s18 =	sld [smem:$0x3FDB];
	_ =	sdelay $0x1  }
0x9f: {  	s19 =	simm.s32 $_scs_section_size  }
0xa0: {  	s6 =	simm.s32 $_size__tile_overlayer_lowered;
	s7 =	simm.s32 $_tile_overlayer_lowered  }
0xa1: {  	s22 =	simm.s32 $0x1BFF;
	s21 =	sshll.u32 s7, $0x1;
	s4 =	sadd.s32 s19, s18  }
0xa2: {  	s8 =	simm.s32 $0x0;
	s20 =	sshll.u32 s6, $0x1;
	s6 =	sadd.s32 s21, s4  }
0xa3: {  	[timem:s8], [sflag:s22] =	dma.local [hbm:s6], s20  }
0xa4: {  	_ =	swait.ge [sflag:s22], s20  }
0xa5: {  	s5 =	ssub.s32 $0x0, s20;
	[sflag:s22] =	ssyncset.done $0x0  }
0xa6: {  	[sflag:s22] =	ssyncadd.s32 s5;
	_ =	sdelay $0x1  }
0xa7: {  	s23 =	simm.s32 $0x1B8B  }
0xa8: {  	_ =	swait.ge [sflag:s23], $0x1  }
0xa9: {  	[sflag:s23] =	ssyncset.done $0x0  }
0xaa: {  	s25 =	simm.s32 $0x1B8E;
	s24 =	sld [smem:$0x3FFE];
	[sflag:s23] =	ssyncadd.s32 $0xFFFFFFFF  }
0xab: {  	s26 =	simm.s32 $execute0_lowered;
	[smem:$0x3FD2] =	sst s25  }
0xac: {  	s6 =	sshll.u32 s26, $0x1;
	_ =	strace $0x80000046;
	[dreg:$0x1] =	wrdreg $0xFFFFFFFF  }
0xad: {  	s28 =	simm.s32 $_size_execute0_lowered;
	s4 =	sadd.s32 s4, s6;
	[dreg:$0x0] =	wrdreg $0x0  }
0xae: {  	s6 =	sshll.u32 s28, $0x1;
	[dreg:$0x2] =	wrdreg s4  }
0xaf: {  	[dreg:$0x3] =	wrdreg s6  }
0xb0: {  	[dreg:$0x4] =	wrdreg $0xC0  }
0xb1: {  	_ =	task [dreg:s8], $0x5FFFF  }
0xb2: {  	[dreg:$0x1] =	wrdreg $0xFFFFFFFF  }
0xb3: {  	[dreg:$0x0] =	wrdreg $0x60  }
0xb4: {  	[dreg:$0x2] =	wrdreg s16  }
0xb5: {  	[dreg:$0x3] =	wrdreg s15  }
0xb6: {  	[dreg:$0x4] =	wrdreg s24  }
0xb7: {  	[dreg:$0x5] =	wrdreg $0x9  }
0xb8: {  	_ =	task.clear_ibuf [dreg:s8], $0x6FFFF;
	_ =	strace $0x90000046  }
0xb9: {  	s29 =	simm.s32 $0x9;
	_ =	strace $0x80000048  }
0xba: {  	_ =	swait.ge [sflag:s29], $0x1  }
0xbb: {  	[sflag:s29] =	ssyncadd.s32 $0xFFFFFFFF  }
0xbc: {  	_ =	strace $0x90000048  }
0xbd: {  	_ =	sfence  }
0xbe: {  	s30 =	sld [smem:$0x0];
	_ =	sdelay $0x2  }
0xbf: {  	s31 =	sshll.u32 s1, $0xD;
	s1 =	sshrl.u32 s1, $0x2  }
0xc0: {  	s3 =	sand.u32 $0x4000, s31;
	s1 =	sadd.s32 s1, s30  }
0xc1: {  	s0 =	sor.u32 s3, s0;
	s1 =	sshll.u32 s1, $0x11  }
0xc2: {  	s0 =	sor.u32 s1, s0  }
0xc3: {  	s0 =	sadd.s32 $0x8F2B, s0  }
0xc4: {  	[sflag:s0] =	ssyncadd.remote.s32 $0x1  }
0xc5: {  	_ =	sfence.sel $0xFFFF  }
0xc6: {  	[dreg:$0x0] =	wrdreg $0xFFFFFFFF;
	(pc) =	sbr.abs _section_cstart, $3  }
0xc7: {  	[dreg:$0x1] =	wrdreg $0xFFFFFFFF  }
0xc8: {  	_ =	task.clear_ibuf [dreg:s8], $0x2FFFF;
	_ =	strace $0x9FFFFFFF  }
0xc9: {  	(tm) =	ssettm $0x7FFFFFFF  }
tec
execute0_lowered:
.L_overlay_start_1:
0x0: {  	(tag) =	ssettag $0x1  }
0x1: {  	s13 =	stileid.u32  }
0x2: {  	s0 =	srdreg.scid;
	s8 =	smul.u32 $0xFA, s13  }
0x3: {  	s2 =	rddreg [dreg:$0x0];
	s20 =	smul.u32 $0x4E200, s13  }
0x4: {  	s3 =	rddreg [dreg:$0x1];
	s0 =	sand.u32 $0x1, s0;
	s23 =	smul.u32 $0x57E40, s13  }
0x5: {  	s6 =	rddreg [dreg:$0x2];
	s9 =	smul.u32 $0x7D, s0  }
0x6: {  	s4 =	simm.s32 $0x0;
	s1 =	sshll.u32 s13, $0x1;
	s21 =	smul.u32 $0x27100, s0  }
0x7: {  	s1 =	sor.u32 s0, s1;
	s18 =	ssub.s32 $0x2, s0;
	s0 =	smul.u32 $0x2BF20, s0  }
0x8: {  	s28 =	simm.s32 $0x2;
	s29 =	simm.s32 $0x7;
	s5 =	smul.u32 $0x4E2, s1  }
0x9: {  	s31 =	simm.s32 $0x1A720;
	[smem:$0x7FF] =	sst s4;
	s7 =	smul.u32 $0x2710, s1  }
0xa: {  	_ =	strace $0x80000047;
	s1 =	smul.u32 $0x7D, s1;
	s12 =	sshrl.u32 s18, $0x1  }
0xb: {  	s8 =	sadd.s32 s9, s8;
	s9 =	ssub.s32 s18, s12;
	s18 =	simm.s32 $0x50  }
0xc: {  	s10 =	sadd.s32 s5, s6;
	s5 =	sadd.s32 $0x66E00, s6;
	s7 =	sadd.s32 $0x26C0, s7  }
0xd: {  	s8 =	sadd.s32 $0xFFFFFFFF, s8;
	s6 =	sadd.s32 $0x5E5200, s6;
	[dreg:$0x4] =	wrdreg s1  }
0xe: {  	s24 =	smax.u32 s9, $0x1;
	s9 =	simm.s32 $0x4;
	s11 =	smul.u32 $0x12, s7  }
0xf: {  	s14 =	smul.u32 $0x2800, s8;
	s19 =	sadd.s32 $0x53200, s10;
	[dreg:$0xa] =	wrdreg s24  }
0x10: {  	s10 =	sadd.s32 $0x5D000, s10;
	s7 =	sshll.u32 s7, $0x4;
	[dreg:$0x6] =	wrdreg s19  }
0x11: {  	s25 =	smul.u32 $0x2D00, s8;
	s26 =	sadd.s32 s20, s6;
	[dreg:$0x7] =	wrdreg s10  }
0x12: {  	s30 =	sadd.s32 s23, s5;
	s7 =	sadd.s32 s6, s7;
	[dreg:$0x5] =	wrdreg s14  }
0x13: {  	s24 =	simm.s32 $0x6;
	s20 =	simm.s32 $0x1A720;
	[dreg:$0x9] =	wrdreg s7  }
0x14: {  	s1 =	sadd.s32 s21, s26;
	s0 =	sadd.s32 s0, s30;
	[dreg:$0xb] =	wrdreg s25  }
0x15: {  	s21 =	simm.s32 $0x1;
	s10 =	simm.s32 $0x9;
	[dreg:$0xc] =	wrdreg s1  }
0x16: {  	s22 =	sadd.s32 s5, s11;
	[dreg:$0xd] =	wrdreg s0;
	s1 =	simm.s32 $0x3  }
0x17: {  	s0 =	simm.s32 $0x8;
	s11 =	simm.s32 $0x0;
	[dreg:$0x8] =	wrdreg s22  }
.LBB2_1:
0x18: {  	[dreg:$0xe] =	wrdreg s11  }
0x19: {  	s7 =	rddreg [dreg:$0x6];
	s8 =	simm.s32 $0x15  }
0x1a: {  	[tilespmem:s4], [sflag:$0x15] =	stream.linear.gather [hbm4b:s7+s4], $0x2710, $0x38;
	[tilespmem:$0x1F720] =	vst v63  }
0x1b: {  	_ =	swait.ge [sflag:s8], $0x2710  }
0x1c: {  	[sflag:s8] =	ssyncset.done $0x0  }
0x1d: {  	s19 =	simm.s32 $0x2710;
	s17 =	rddreg [dreg:$0x7];
	[sflag:s8] =	ssyncadd.s32 $0xFFFFD8F0  }
0x1e: {  	[tilespmem:s19], [sflag:$0x15] =	stream.linear.gather [hbm4b:s17+s4], $0x2710, $0x38;
	[tilespmem:$0x1F720] =	vst v63  }
0x1f: {  	_ =	swait.ge [sflag:s8], $0x2710  }
0x20: {  	p0 =	por $0x1, $0x1;
	[sflag:s8] =	ssyncset.done $0x0  }
0x21: {  	s7 =	simm.s32 @!p0 $0xB;
	[sflag:s8] =	ssyncadd.s32 $0xFFFFD8F0  }
0x22: {  	_ =	swait.ge @!p0 [sflag:s7], $0x2D00  }
0x23: {  	[sflag:s7] =	ssyncset.done @!p0 $0x0  }
0x24: {  	[sflag:s7] =	ssyncadd.s32 @!p0 $0xFFFFD300;
	s7 =	simm.s32 @!p0 $0x10  }
0x25: {  	_ =	swait.ge @!p0 [sflag:s7], $0x2800  }
0x26: {  	[sflag:s7] =	ssyncset.done @!p0 $0x0  }
0x27: {  	s22 =	simm.s32 $0x0;
	s15 =	simm.s32 $0x4E20;
	[sflag:s7] =	ssyncadd.s32 @!p0 $0xFFFFD800  }
0x28: {  	[tilespmem:s15], [sflag:$0x1] =	stream.indirect.gather [hbm4b:s2+s18], $0x90, s22, s18, $0xb8;
	[tilespmem:$0x1F720] =	vst v63  }
0x29: {  	s23 =	simm.s32 $0x2710;
	s17 =	simm.s32 $0x12F20;
	s8 =	simm.s32 @!p0 $0x5  }
0x2a: {  	[tilespmem:s17], [sflag:$0x6] =	stream.indirect.gather [hbm4b:s3+s18], $0x80, s23, s18, $0xb8;
	[tilespmem:$0x1F720] =	vst v63  }
0x2b: {  	_ =	swait.ge @!p0 [sflag:s8], $0x2D00  }
0x2c: {  	[sflag:s8] =	ssyncset.done @!p0 $0x0  }
0x2d: {  	s7 =	simm.s32 @!p0 $0xA;
	s14 =	rddreg [dreg:$0xb];
	[sflag:s8] =	ssyncadd.s32 @!p0 $0xFFFFD300  }
0x2e: {  	s12 =	simm.s32 @!p0 $0x10220;
	s8 =	sshrl.u32 @!p0 s14, $0x3;
	_ =	swait.ge @!p0 [sflag:s7], $0x2800  }
0x2f: {  	s8 =	sadd.s32 @!p0 s5, s8;
	s13 =	rddreg [dreg:$0x5];
	[sflag:s7] =	ssyncset.done @!p0 $0x0  }
0x30: {  	s11 =	sshrl.u32 @!p0 s13, $0x3;
	[sflag:s7] =	ssyncadd.s32 @!p0 $0xFFFFD800;
	s7 =	simm.s32 @!p0 $0x0  }
0x31: {  	[hbm4b:s8+s7] =	stream.linear.scatter @!p0 [tilespmem:s12], [sflag:$0xF], $0x2D00, $0x38;
	[tilespmem:$0x1F720] =	vst v63  }
0x32: {  	s8 =	sadd.s32 @!p0 s6, s11;
	s11 =	simm.s32 @!p0 $0x1CF20;
	s12 =	simm.s32 @!p0 $0xC  }
0x33: {  	[hbm4b:s8+s7] =	stream.linear.scatter @!p0 [tilespmem:s11], [sflag:$0x14], $0x2800, $0x38;
	[tilespmem:$0x1F720] =	vst v63  }
0x34: {  	_ =	swait.ge @!p0 [sflag:s12], $0x2D00  }
0x35: {  	[sflag:s12] =	ssyncset.done @!p0 $0x0  }
0x36: {  	s7 =	simm.s32 @!p0 $0x11;
	s8 =	simm.s32 $0x1;
	[sflag:s12] =	ssyncadd.s32 @!p0 $0xFFFFD300  }
0x37: {  	s8 =	simm.s32 @p0 $0x1;
	_ =	swait.ge @!p0 [sflag:s7], $0x2800  }
0x38: {  	s25 =	smul.u32 $0x50, s8;
	[sflag:s7] =	ssyncset.done @!p0 $0x0  }
0x39: {  	s19 =	simm.s32 $0x7B20;
	[sflag:s7] =	ssyncadd.s32 @!p0 $0xFFFFD800  }
0x3a: {  	[tilespmem:s19], [sflag:$0x2] =	stream.indirect.gather [hbm4b:s2+s18], $0x90, s25, s18, $0xb8;
	[tilespmem:$0x1F720] =	vst v63  }
0x3b: {  	s30 =	simm.s32 $0x15720;
	s26 =	sadd.s32 $0x2710, s25  }
0x3c: {  	[tilespmem:s30], [sflag:$0x7] =	stream.indirect.gather [hbm4b:s3+s18], $0x80, s26, s18, $0xb8;
	[tilespmem:$0x1F720] =	vst v63  }
0x3d: {  	_ =	swait.ge [sflag:s21], $0x2D00  }
0x3e: {  	[sflag:s21] =	ssyncset.done $0x0  }
0x3f: {  	[sflag:s21] =	ssyncadd.s32 $0xFFFFD300  }
0x40: {  	_ =	swait.ge [sflag:s24], $0x2800  }
0x41: {  	[sflag:s24] =	ssyncset.done $0x0  }
0x42: {  	s12 =	rddreg [dreg:$0xd];
	[sflag:s24] =	ssyncadd.s32 $0xFFFFD800  }
0x43: {  	[hbm4b:s12+s4] =	stream.linear.scatter [tilespmem:s15], [sflag:$0xB], $0x2D00, $0x38;
	[tilespmem:$0x1F720] =	vst v63  }
0x44: {  	s7 =	simm.s32 @!p0 $0xD;
	s16 =	rddreg [dreg:$0xc]  }
0x45: {  	[hbm4b:s16+s4] =	stream.linear.scatter [tilespmem:s17], [sflag:$0x10], $0x2800, $0x38;
	[tilespmem:$0x1F720] =	vst v63  }
0x46: {  	_ =	swait.ge @!p0 [sflag:s7], $0x2D00  }
0x47: {  	[sflag:s7] =	ssyncset.done @!p0 $0x0  }
0x48: {  	[sflag:s7] =	ssyncadd.s32 @!p0 $0xFFFFD300;
	s7 =	simm.s32 @!p0 $0x12  }
0x49: {  	_ =	swait.ge @!p0 [sflag:s7], $0x2800  }
0x4a: {  	[sflag:s7] =	ssyncset.done @!p0 $0x0  }
0x4b: {  	s22 =	simm.s32 $0xA820;
	s17 =	simm.s32 $0xA0;
	[sflag:s7] =	ssyncadd.s32 @!p0 $0xFFFFD800  }
0x4c: {  	[tilespmem:s22], [sflag:$0x3] =	stream.indirect.gather [hbm4b:s2+s18], $0x90, s17, s18, $0xb8;
	[tilespmem:$0x1F720] =	vst v63  }
0x4d: {  	s23 =	simm.s32 $0x27B0;
	s25 =	simm.s32 $0x17F20  }
0x4e: {  	[tilespmem:s25], [sflag:$0x8] =	stream.indirect.gather [hbm4b:s3+s18], $0x80, s23, s18, $0xb8;
	[tilespmem:$0x1F720] =	vst v63  }
0x4f: {  	_ =	swait.ge [sflag:s28], $0x2D00  }
0x50: {  	[sflag:s28] =	ssyncset.done $0x0  }
0x51: {  	[sflag:s28] =	ssyncadd.s32 $0xFFFFD300  }
0x52: {  	_ =	swait.ge [sflag:s29], $0x2800  }
0x53: {  	s26 =	rddreg [dreg:$0x4]  }
0x54: {  	s7 =	sadd.s32 s26, s8  }
0x55: {  	s8 =	smul.u32 $0x5A0, s7  }
0x56: {  	[sflag:s29] =	ssyncset.done $0x0  }
0x57: {  	[sflag:s29] =	ssyncadd.s32 $0xFFFFD800;
	s7 =	smul.u32 $0x500, s7;
	s8 =	sadd.s32 s5, s8  }
0x58: {  	[hbm4b:s8+s4] =	stream.linear.scatter [tilespmem:s19], [sflag:$0xC], $0x2D00, $0x38;
	[tilespmem:$0x1F720] =	vst v63  }
0x59: {  	s7 =	sadd.s32 s6, s7;
	s8 =	simm.s32 @!p0 $0xE  }
0x5a: {  	[hbm4b:s7+s4] =	stream.linear.scatter [tilespmem:s30], [sflag:$0x11], $0x2800, $0x38;
	[tilespmem:$0x1F720] =	vst v63  }
0x5b: {  	_ =	swait.ge @!p0 [sflag:s8], $0x2D00  }
0x5c: {  	[sflag:s8] =	ssyncset.done @!p0 $0x0  }
0x5d: {  	s7 =	simm.s32 @!p0 $0x13;
	[sflag:s8] =	ssyncadd.s32 @!p0 $0xFFFFD300  }
0x5e: {  	_ =	swait.ge @!p0 [sflag:s7], $0x2800  }
0x5f: {  	[sflag:s7] =	ssyncset.done @!p0 $0x0  }
0x60: {  	s19 =	simm.s32 $0xD520;
	s30 =	simm.s32 $0xF0;
	[sflag:s7] =	ssyncadd.s32 @!p0 $0xFFFFD800  }
0x61: {  	[tilespmem:s19], [sflag:$0x4] =	stream.indirect.gather [hbm4b:s2+s18], $0x90, s30, s18, $0xb8;
	[tilespmem:$0x1F720] =	vst v63  }
0x62: {  	s8 =	simm.s32 $0x2800  }
0x63: {  	[tilespmem:s20], [sflag:$0x9] =	stream.indirect.gather [hbm4b:s3+s18], $0x80, s8, s18, $0xb8;
	[tilespmem:$0x1F720] =	vst v63  }
0x64: {  	_ =	swait.ge [sflag:s1], $0x2D00  }
0x65: {  	[sflag:s1] =	ssyncset.done $0x0  }
0x66: {  	[sflag:s1] =	ssyncadd.s32 $0xFFFFD300  }
0x67: {  	_ =	swait.ge [sflag:s0], $0x2800  }
0x68: {  	[sflag:s0] =	ssyncset.done $0x0  }
0x69: {  	s11 =	sadd.s32 $0xB40, s12;
	[sflag:s0] =	ssyncadd.s32 $0xFFFFD800  }
0x6a: {  	[hbm4b:s11+s4] =	stream.linear.scatter [tilespmem:s22], [sflag:$0xD], $0x2D00, $0x38;
	[tilespmem:$0x1F720] =	vst v63  }
0x6b: {  	s20 =	sadd.s32 $0xA00, s16;
	s8 =	simm.s32 @!p0 $0xF  }
0x6c: {  	[hbm4b:s20+s4] =	stream.linear.scatter [tilespmem:s25], [sflag:$0x12], $0x2800, $0x38;
	[tilespmem:$0x1F720] =	vst v63  }
0x6d: {  	_ =	swait.ge @!p0 [sflag:s8], $0x2D00  }
0x6e: {  	[sflag:s8] =	ssyncset.done @!p0 $0x0  }
0x6f: {  	s7 =	simm.s32 @!p0 $0x14;
	[sflag:s8] =	ssyncadd.s32 @!p0 $0xFFFFD300  }
0x70: {  	_ =	swait.ge @!p0 [sflag:s7], $0x2800  }
0x71: {  	[sflag:s7] =	ssyncset.done @!p0 $0x0  }
0x72: {  	s23 =	simm.s32 $0x10220;
	s22 =	simm.s32 $0x140;
	[sflag:s7] =	ssyncadd.s32 @!p0 $0xFFFFD800  }
0x73: {  	[tilespmem:s23], [sflag:$0x5] =	stream.indirect.gather [hbm4b:s2+s18], $0x90, s22, s18, $0xb8;
	[tilespmem:$0x1F720] =	vst v63  }
0x74: {  	s26 =	simm.s32 $0x1CF20;
	s25 =	simm.s32 $0x2850  }
0x75: {  	[tilespmem:s26], [sflag:$0xA] =	stream.indirect.gather [hbm4b:s3+s18], $0x80, s25, s18, $0xb8;
	[tilespmem:$0x1F720] =	vst v63  }
0x76: {  	_ =	swait.ge [sflag:s9], $0x2D00  }
0x77: {  	s14 =	sadd.s32 $0xE100, s14;
	s15 =	simm.s32 $0x640;
	[sflag:s9] =	ssyncset.done $0x0  }
0x78: {  	s30 =	sadd.s32 $0x10E0, s12;
	s12 =	sadd.s32 $0x1C20, s12;
	[sflag:s9] =	ssyncadd.s32 $0xFFFFD300  }
0x79: {  	s11 =	simm.s32 $0xC80;
	s20 =	simm.s32 $0x6;
	_ =	swait.ge [sflag:s10], $0x2800  }
0x7a: {  	s8 =	sadd.s32 $0xF00, s16;
	s7 =	sadd.s32 $0x1900, s16;
	[sflag:s10] =	ssyncset.done $0x0  }
0x7b: {  	s16 =	sadd.s32 $0xC800, s13;
	p0 =	por $0x0, $0x0;
	[sflag:s10] =	ssyncadd.s32 $0xFFFFD800  }
0x7c: {  	[hbm4b:s30+s4] =	stream.linear.scatter [tilespmem:s19], [sflag:$0xE], $0x2D00, $0x38;
	[tilespmem:$0x1F720] =	vst v63  }
.LBB2_2:
0x7d: {  	s13 =	simm.s32 @!p0 $0xB  }
0x7e: {  	[hbm4b:s8+s4] =	stream.linear.scatter [tilespmem:s31], [sflag:$0x13], $0x2800, $0x38;
	[tilespmem:$0x1F720] =	vst v63  }
0x7f: {  	_ =	swait.ge @!p0 [sflag:s13], $0x2D00  }
0x80: {  	[sflag:s13] =	ssyncset.done @!p0 $0x0  }
0x81: {  	[sflag:s13] =	ssyncadd.s32 @!p0 $0xFFFFD300;
	s13 =	simm.s32 @!p0 $0x10  }
0x82: {  	s19 =	sshrl.u32 @!p0 s16, $0x3;
	s25 =	smov.u32 s11;
	_ =	swait.ge @!p0 [sflag:s13], $0x2800  }
0x83: {  	s26 =	simm.s32 $0x4E20;
	s30 =	simm.s32 $0x12F20;
	[sflag:s13] =	ssyncset.done @!p0 $0x0  }
0x84: {  	s23 =	sadd.s32 @!p0 s6, s19;
	s19 =	sshra.s32 s15, $0x2;
	[sflag:s13] =	ssyncadd.s32 @!p0 $0xFFFFD800  }
0x85: {  	[tilespmem:s26], [sflag:$0x1] =	stream.indirect.gather [hbm4b:s2+s18], $0x90, s19, s18, $0xb8;
	[tilespmem:$0x1F720] =	vst v63  }
0x86: {  	s15 =	smov.u32 s25;
	s25 =	simm.s32 @!p0 $0x5;
	s13 =	sadd.s32 $0x2710, s19  }
0x87: {  	[tilespmem:s30], [sflag:$0x6] =	stream.indirect.gather [hbm4b:s3+s18], $0x80, s13, s18, $0xb8;
	[tilespmem:$0x1F720] =	vst v63  }
0x88: {  	_ =	swait.ge @!p0 [sflag:s25], $0x2D00  }
0x89: {  	[sflag:s25] =	ssyncset.done @!p0 $0x0  }
0x8a: {  	s13 =	simm.s32 @!p0 $0xA;
	[sflag:s25] =	ssyncadd.s32 @!p0 $0xFFFFD300  }
0x8b: {  	s17 =	sshrl.u32 @!p0 s14, $0x3;
	_ =	swait.ge @!p0 [sflag:s13], $0x2800  }
0x8c: {  	s22 =	sadd.s32 @!p0 s5, s17;
	[sflag:s13] =	ssyncset.done @!p0 $0x0  }
0x8d: {  	s25 =	simm.s32 @!p0 $0x10220;
	[sflag:s13] =	ssyncadd.s32 @!p0 $0xFFFFD800;
	s13 =	simm.s32 @!p0 $0x0  }
0x8e: {  	[hbm4b:s22+s13] =	stream.linear.scatter @!p0 [tilespmem:s25], [sflag:$0xF], $0x2D00, $0x38;
	[tilespmem:$0x1F720] =	vst v63  }
0x8f: {  	s22 =	simm.s32 @!p0 $0x1CF20;
	s25 =	simm.s32 @!p0 $0xC  }
0x90: {  	[hbm4b:s23+s13] =	stream.linear.scatter @!p0 [tilespmem:s22], [sflag:$0x14], $0x2800, $0x38;
	[tilespmem:$0x1F720] =	vst v63  }
0x91: {  	_ =	swait.ge @!p0 [sflag:s25], $0x2D00  }
0x92: {  	[sflag:s25] =	ssyncset.done @!p0 $0x0  }
0x93: {  	s22 =	simm.s32 @!p0 $0x11;
	s13 =	smov.u32 s20;
	[sflag:s25] =	ssyncadd.s32 @!p0 $0xFFFFD300  }
0x94: {  	s13 =	simm.s32 @p0 $0x1;
	_ =	swait.ge @!p0 [sflag:s22], $0x2800  }
0x95: {  	s23 =	smul.u32 $0x50, s13;
	[sflag:s22] =	ssyncset.done @!p0 $0x0  }
0x96: {  	s25 =	simm.s32 $0x7B20;
	[sflag:s22] =	ssyncadd.s32 @!p0 $0xFFFFD800  }
0x97: {  	[tilespmem:s25], [sflag:$0x2] =	stream.indirect.gather [hbm4b:s2+s18], $0x90, s23, s18, $0xb8;
	[tilespmem:$0x1F720] =	vst v63  }
0x98: {  	s22 =	sadd.s32 $0x2710, s23;
	s23 =	simm.s32 $0x15720  }
0x99: {  	[tilespmem:s23], [sflag:$0x7] =	stream.indirect.gather [hbm4b:s3+s18], $0x80, s22, s18, $0xb8;
	[tilespmem:$0x1F720] =	vst v63  }
0x9a: {  	_ =	swait.ge [sflag:s21], $0x2D00  }
0x9b: {  	[sflag:s21] =	ssyncset.done $0x0  }
0x9c: {  	[sflag:s21] =	ssyncadd.s32 $0xFFFFD300  }
0x9d: {  	_ =	swait.ge [sflag:s24], $0x2800  }
0x9e: {  	[sflag:s24] =	ssyncset.done $0x0  }
0x9f: {  	[sflag:s24] =	ssyncadd.s32 $0xFFFFD800  }
0xa0: {  	[hbm4b:s12+s4] =	stream.linear.scatter [tilespmem:s26], [sflag:$0xB], $0x2D00, $0x38;
	[tilespmem:$0x1F720] =	vst v63  }
0xa1: {  	s22 =	simm.s32 @!p0 $0xD  }
0xa2: {  	[hbm4b:s7+s4] =	stream.linear.scatter [tilespmem:s30], [sflag:$0x10], $0x2800, $0x38;
	[tilespmem:$0x1F720] =	vst v63  }
0xa3: {  	_ =	swait.ge @!p0 [sflag:s22], $0x2D00  }
0xa4: {  	[sflag:s22] =	ssyncset.done @!p0 $0x0  }
0xa5: {  	[sflag:s22] =	ssyncadd.s32 @!p0 $0xFFFFD300;
	s22 =	simm.s32 @!p0 $0x12  }
0xa6: {  	_ =	swait.ge @!p0 [sflag:s22], $0x2800  }
0xa7: {  	[sflag:s22] =	ssyncset.done @!p0 $0x0  }
0xa8: {  	s26 =	simm.s32 $0xA820;
	s30 =	sadd.s32 $0xA0, s19;
	[sflag:s22] =	ssyncadd.s32 @!p0 $0xFFFFD800  }
0xa9: {  	[tilespmem:s26], [sflag:$0x3] =	stream.indirect.gather [hbm4b:s2+s18], $0x90, s30, s18, $0xb8;
	[tilespmem:$0x1F720] =	vst v63  }
0xaa: {  	s22 =	sadd.s32 $0x27B0, s19;
	s30 =	simm.s32 $0x17F20  }
0xab: {  	[tilespmem:s30], [sflag:$0x8] =	stream.indirect.gather [hbm4b:s3+s18], $0x80, s22, s18, $0xb8;
	[tilespmem:$0x1F720] =	vst v63  }
0xac: {  	_ =	swait.ge [sflag:s28], $0x2D00  }
0xad: {  	[sflag:s28] =	ssyncset.done $0x0  }
0xae: {  	[sflag:s28] =	ssyncadd.s32 $0xFFFFD300  }
0xaf: {  	_ =	swait.ge [sflag:s29], $0x2800  }
0xb0: {  	s22 =	rddreg [dreg:$0x4]  }
0xb1: {  	s13 =	sadd.s32 s22, s13  }
0xb2: {  	s22 =	smul.u32 $0x5A0, s13  }
0xb3: {  	[sflag:s29] =	ssyncset.done $0x0  }
0xb4: {  	[sflag:s29] =	ssyncadd.s32 $0xFFFFD800;
	s13 =	smul.u32 $0x500, s13;
	s22 =	sadd.s32 s5, s22  }
0xb5: {  	[hbm4b:s22+s4] =	stream.linear.scatter [tilespmem:s25], [sflag:$0xC], $0x2D00, $0x38;
	[tilespmem:$0x1F720] =	vst v63  }
0xb6: {  	s13 =	sadd.s32 s6, s13;
	s22 =	simm.s32 @!p0 $0xE  }
0xb7: {  	[hbm4b:s13+s4] =	stream.linear.scatter [tilespmem:s23], [sflag:$0x11], $0x2800, $0x38;
	[tilespmem:$0x1F720] =	vst v63  }
0xb8: {  	_ =	swait.ge @!p0 [sflag:s22], $0x2D00  }
0xb9: {  	[sflag:s22] =	ssyncset.done @!p0 $0x0  }
0xba: {  	s13 =	simm.s32 @!p0 $0x13;
	[sflag:s22] =	ssyncadd.s32 @!p0 $0xFFFFD300  }
0xbb: {  	_ =	swait.ge @!p0 [sflag:s13], $0x2800  }
0xbc: {  	[sflag:s13] =	ssyncset.done @!p0 $0x0  }
0xbd: {  	s23 =	simm.s32 $0xD520;
	s22 =	sadd.s32 $0xF0, s19;
	[sflag:s13] =	ssyncadd.s32 @!p0 $0xFFFFD800  }
0xbe: {  	[tilespmem:s23], [sflag:$0x4] =	stream.indirect.gather [hbm4b:s2+s18], $0x90, s22, s18, $0xb8;
	[tilespmem:$0x1F720] =	vst v63  }
0xbf: {  	s25 =	sadd.s32 $0x2800, s19  }
0xc0: {  	[tilespmem:s31], [sflag:$0x9] =	stream.indirect.gather [hbm4b:s3+s18], $0x80, s25, s18, $0xb8;
	[tilespmem:$0x1F720] =	vst v63  }
0xc1: {  	_ =	swait.ge [sflag:s1], $0x2D00  }
0xc2: {  	[sflag:s1] =	ssyncset.done $0x0  }
0xc3: {  	[sflag:s1] =	ssyncadd.s32 $0xFFFFD300  }
0xc4: {  	_ =	swait.ge [sflag:s0], $0x2800  }
0xc5: {  	[sflag:s0] =	ssyncset.done $0x0  }
0xc6: {  	s22 =	sadd.s32 $0xB40, s12;
	[sflag:s0] =	ssyncadd.s32 $0xFFFFD800  }
0xc7: {  	[hbm4b:s22+s4] =	stream.linear.scatter [tilespmem:s26], [sflag:$0xD], $0x2D00, $0x38;
	[tilespmem:$0x1F720] =	vst v63  }
0xc8: {  	s25 =	sadd.s32 $0xA00, s7;
	s22 =	simm.s32 @!p0 $0xF  }
0xc9: {  	[hbm4b:s25+s4] =	stream.linear.scatter [tilespmem:s30], [sflag:$0x12], $0x2800, $0x38;
	[tilespmem:$0x1F720] =	vst v63  }
0xca: {  	_ =	swait.ge @!p0 [sflag:s22], $0x2D00  }
0xcb: {  	[sflag:s22] =	ssyncset.done @!p0 $0x0  }
0xcc: {  	s13 =	simm.s32 @!p0 $0x14;
	[sflag:s22] =	ssyncadd.s32 @!p0 $0xFFFFD300  }
0xcd: {  	_ =	swait.ge @!p0 [sflag:s13], $0x2800  }
0xce: {  	[sflag:s13] =	ssyncset.done @!p0 $0x0  }
0xcf: {  	s26 =	sadd.s32 $0x140, s19;
	s30 =	simm.s32 $0x10220;
	[sflag:s13] =	ssyncadd.s32 @!p0 $0xFFFFD800  }
0xd0: {  	[tilespmem:s30], [sflag:$0x5] =	stream.indirect.gather [hbm4b:s2+s18], $0x90, s26, s18, $0xb8;
	[tilespmem:$0x1F720] =	vst v63  }
0xd1: {  	s11 =	sadd.s32 $0x640, s11;
	s25 =	sadd.s32 $0x2850, s19;
	s26 =	simm.s32 $0x1CF20  }
0xd2: {  	[tilespmem:s26], [sflag:$0xA] =	stream.indirect.gather [hbm4b:s3+s18], $0x80, s25, s18, $0xb8;
	[tilespmem:$0x1F720] =	vst v63  }
0xd3: {  	s8 =	smov.u32 s7;
	s14 =	sadd.s32 $0xE100, s14;
	_ =	swait.ge [sflag:s9], $0x2D00  }
0xd4: {  	s16 =	sadd.s32 $0xC800, s16;
	p1 =	sne.s32 s11, $0x9C40;
	[sflag:s9] =	ssyncset.done $0x0  }
.Ltmp0:
0xd5: {  	s17 =	smov.u32 s12;
	[sflag:s9] =	ssyncadd.s32 $0xFFFFD300;
	(pc) =	sbr.rel @p1 .LBB2_2-.Ltmp0, $4  }
0xd6: {  	s8 =	sadd.s32 $0xF00, s8;
	s20 =	sadd.s32 $0x5, s20;
	_ =	swait.ge [sflag:s10], $0x2800  }
0xd7: {  	s12 =	sadd.s32 $0x1C20, s12;
	s7 =	sadd.s32 $0x1900, s7;
	[sflag:s10] =	ssyncset.done $0x0  }
0xd8: {  	p0 =	seq.s32 s15, $0x0;
	s30 =	sadd.s32 $0x10E0, s17;
	[sflag:s10] =	ssyncadd.s32 $0xFFFFD800  }
0xd9: {  	[hbm4b:s30+s4] =	stream.linear.scatter [tilespmem:s23], [sflag:$0xE], $0x2D00, $0x38;
	[tilespmem:$0x1F720] =	vst v63  }
0xda: {  	s11 =	simm.s32 @!p0 $0xB;
	s19 =	simm.s32 $0x1A720  }
0xdb: {  	[hbm4b:s8+s4] =	stream.linear.scatter [tilespmem:s19], [sflag:$0x13], $0x2800, $0x38;
	[tilespmem:$0x1F720] =	vst v63  }
0xdc: {  	_ =	swait.ge @!p0 [sflag:s11], $0x2D00  }
0xdd: {  	[sflag:s11] =	ssyncset.done @!p0 $0x0  }
0xde: {  	s8 =	simm.s32 @!p0 $0x10;
	[sflag:s11] =	ssyncadd.s32 @!p0 $0xFFFFD300  }
0xdf: {  	_ =	swait.ge @!p0 [sflag:s8], $0x2800  }
0xe0: {  	[sflag:s8] =	ssyncset.done @!p0 $0x0  }
0xe1: {  	s26 =	simm.s32 $0x4E20;
	[sflag:s8] =	ssyncadd.s32 @!p0 $0xFFFFD800;
	s8 =	sshra.s32 s15, $0x2  }
0xe2: {  	[tilespmem:s26], [sflag:$0x1] =	stream.indirect.gather [hbm4b:s2+s18], $0x90, s8, s18, $0xb8;
	[tilespmem:$0x1F720] =	vst v63  }
0xe3: {  	s13 =	simm.s32 @!p0 $0x5;
	s17 =	simm.s32 $0x12F20;
	s30 =	sadd.s32 $0x2710, s8  }
0xe4: {  	[tilespmem:s17], [sflag:$0x6] =	stream.indirect.gather [hbm4b:s3+s18], $0x80, s30, s18, $0xb8;
	[tilespmem:$0x1F720] =	vst v63  }
0xe5: {  	_ =	swait.ge @!p0 [sflag:s13], $0x2D00  }
0xe6: {  	[sflag:s13] =	ssyncset.done @!p0 $0x0  }
0xe7: {  	s11 =	simm.s32 @!p0 $0xA;
	[sflag:s13] =	ssyncadd.s32 @!p0 $0xFFFFD300  }
0xe8: {  	_ =	swait.ge @!p0 [sflag:s11], $0x2800  }
0xe9: {  	s13 =	sshrl.u32 @!p0 s14, $0x3;
	s14 =	simm.s32 @!p0 $0x10220;
	[sflag:s11] =	ssyncset.done @!p0 $0x0  }
0xea: {  	s13 =	sadd.s32 @!p0 s5, s13;
	[sflag:s11] =	ssyncadd.s32 @!p0 $0xFFFFD800;
	s11 =	simm.s32 @!p0 $0x0  }
0xeb: {  	[hbm4b:s13+s11] =	stream.linear.scatter @!p0 [tilespmem:s14], [sflag:$0xF], $0x2D00, $0x38;
	[tilespmem:$0x1F720] =	vst v63  }
0xec: {  	s13 =	sshrl.u32 @!p0 s16, $0x3  }
0xed: {  	s14 =	simm.s32 @!p0 $0x1CF20;
	s13 =	sadd.s32 @!p0 s6, s13  }
0xee: {  	[hbm4b:s13+s11] =	stream.linear.scatter @!p0 [tilespmem:s14], [sflag:$0x14], $0x2800, $0x38;
	[tilespmem:$0x1F720] =	vst v63  }
0xef: {  	s11 =	simm.s32 @!p0 $0xC  }
0xf0: {  	_ =	swait.ge @!p0 [sflag:s11], $0x2D00  }
0xf1: {  	[sflag:s11] =	ssyncset.done @!p0 $0x0  }
0xf2: {  	[sflag:s11] =	ssyncadd.s32 @!p0 $0xFFFFD300;
	s11 =	simm.s32 @!p0 $0x11  }
0xf3: {  	s20 =	simm.s32 @p0 $0x1;
	_ =	swait.ge @!p0 [sflag:s11], $0x2800  }
0xf4: {  	s14 =	smul.u32 $0x50, s20;
	[sflag:s11] =	ssyncset.done @!p0 $0x0  }
0xf5: {  	s16 =	simm.s32 $0x7B20;
	[sflag:s11] =	ssyncadd.s32 @!p0 $0xFFFFD800  }
0xf6: {  	[tilespmem:s16], [sflag:$0x2] =	stream.indirect.gather [hbm4b:s2+s18], $0x90, s14, s18, $0xb8;
	[tilespmem:$0x1F720] =	vst v63  }
0xf7: {  	s25 =	simm.s32 $0x15720;
	s23 =	sadd.s32 $0x2710, s14  }
0xf8: {  	[tilespmem:s25], [sflag:$0x7] =	stream.indirect.gather [hbm4b:s3+s18], $0x80, s23, s18, $0xb8;
	[tilespmem:$0x1F720] =	vst v63  }
0xf9: {  	_ =	swait.ge [sflag:s21], $0x2D00  }
0xfa: {  	[sflag:s21] =	ssyncset.done $0x0  }
0xfb: {  	[sflag:s21] =	ssyncadd.s32 $0xFFFFD300  }
0xfc: {  	_ =	swait.ge [sflag:s24], $0x2800  }
0xfd: {  	[sflag:s24] =	ssyncset.done $0x0  }
0xfe: {  	[sflag:s24] =	ssyncadd.s32 $0xFFFFD800  }
0xff: {  	[hbm4b:s12+s4] =	stream.linear.scatter [tilespmem:s26], [sflag:$0xB], $0x2D00, $0x38;
	[tilespmem:$0x1F720] =	vst v63  }
0x100: {  	s11 =	simm.s32 @!p0 $0xD  }
0x101: {  	[hbm4b:s7+s4] =	stream.linear.scatter [tilespmem:s17], [sflag:$0x10], $0x2800, $0x38;
	[tilespmem:$0x1F720] =	vst v63  }
0x102: {  	_ =	swait.ge @!p0 [sflag:s11], $0x2D00  }
0x103: {  	[sflag:s11] =	ssyncset.done @!p0 $0x0  }
0x104: {  	[sflag:s11] =	ssyncadd.s32 @!p0 $0xFFFFD300;
	s11 =	simm.s32 @!p0 $0x12  }
0x105: {  	_ =	swait.ge @!p0 [sflag:s11], $0x2800  }
0x106: {  	[sflag:s11] =	ssyncset.done @!p0 $0x0  }
0x107: {  	s15 =	simm.s32 $0xA820;
	s26 =	sadd.s32 $0xA0, s8;
	[sflag:s11] =	ssyncadd.s32 @!p0 $0xFFFFD800  }
0x108: {  	[tilespmem:s15], [sflag:$0x3] =	stream.indirect.gather [hbm4b:s2+s18], $0x90, s26, s18, $0xb8;
	[tilespmem:$0x1F720] =	vst v63  }
0x109: {  	s30 =	sadd.s32 $0x27B0, s8;
	s17 =	simm.s32 $0x17F20  }
0x10a: {  	[tilespmem:s17], [sflag:$0x8] =	stream.indirect.gather [hbm4b:s3+s18], $0x80, s30, s18, $0xb8;
	[tilespmem:$0x1F720] =	vst v63  }
0x10b: {  	_ =	swait.ge [sflag:s28], $0x2D00  }
0x10c: {  	[sflag:s28] =	ssyncset.done $0x0  }
0x10d: {  	[sflag:s28] =	ssyncadd.s32 $0xFFFFD300  }
0x10e: {  	_ =	swait.ge [sflag:s29], $0x2800  }
0x10f: {  	s13 =	rddreg [dreg:$0x4]  }
0x110: {  	s11 =	sadd.s32 s13, s20  }
0x111: {  	s22 =	smul.u32 $0x5A0, s11  }
0x112: {  	[sflag:s29] =	ssyncset.done $0x0  }
0x113: {  	[sflag:s29] =	ssyncadd.s32 $0xFFFFD800;
	s11 =	smul.u32 $0x500, s11;
	s13 =	sadd.s32 s5, s22  }
0x114: {  	[hbm4b:s13+s4] =	stream.linear.scatter [tilespmem:s16], [sflag:$0xC], $0x2D00, $0x38;
	[tilespmem:$0x1F720] =	vst v63  }
0x115: {  	s11 =	sadd.s32 s6, s11  }
0x116: {  	[hbm4b:s11+s4] =	stream.linear.scatter [tilespmem:s25], [sflag:$0x11], $0x2800, $0x38;
	[tilespmem:$0x1F720] =	vst v63  }
0x117: {  	s11 =	simm.s32 @!p0 $0xE  }
0x118: {  	_ =	swait.ge @!p0 [sflag:s11], $0x2D00  }
0x119: {  	[sflag:s11] =	ssyncset.done @!p0 $0x0  }
0x11a: {  	[sflag:s11] =	ssyncadd.s32 @!p0 $0xFFFFD300;
	s11 =	simm.s32 @!p0 $0x13  }
0x11b: {  	_ =	swait.ge @!p0 [sflag:s11], $0x2800  }
0x11c: {  	[sflag:s11] =	ssyncset.done @!p0 $0x0  }
0x11d: {  	s23 =	sadd.s32 $0xF0, s8;
	s25 =	simm.s32 $0xD520;
	[sflag:s11] =	ssyncadd.s32 @!p0 $0xFFFFD800  }
0x11e: {  	[tilespmem:s25], [sflag:$0x4] =	stream.indirect.gather [hbm4b:s2+s18], $0x90, s23, s18, $0xb8;
	[tilespmem:$0x1F720] =	vst v63  }
0x11f: {  	s26 =	sadd.s32 $0x2800, s8  }
0x120: {  	[tilespmem:s19], [sflag:$0x9] =	stream.indirect.gather [hbm4b:s3+s18], $0x80, s26, s18, $0xb8;
	[tilespmem:$0x1F720] =	vst v63  }
0x121: {  	_ =	swait.ge [sflag:s1], $0x2D00  }
0x122: {  	[sflag:s1] =	ssyncset.done $0x0  }
0x123: {  	[sflag:s1] =	ssyncadd.s32 $0xFFFFD300  }
0x124: {  	_ =	swait.ge [sflag:s0], $0x2800  }
0x125: {  	[sflag:s0] =	ssyncset.done $0x0  }
0x126: {  	s30 =	sadd.s32 $0xB40, s12;
	[sflag:s0] =	ssyncadd.s32 $0xFFFFD800  }
0x127: {  	[hbm4b:s30+s4] =	stream.linear.scatter [tilespmem:s15], [sflag:$0xD], $0x2D00, $0x38;
	[tilespmem:$0x1F720] =	vst v63  }
0x128: {  	s14 =	sadd.s32 $0xA00, s7;
	s11 =	simm.s32 @!p0 $0xF  }
0x129: {  	[hbm4b:s14+s4] =	stream.linear.scatter [tilespmem:s17], [sflag:$0x12], $0x2800, $0x38;
	[tilespmem:$0x1F720] =	vst v63  }
0x12a: {  	_ =	swait.ge @!p0 [sflag:s11], $0x2D00  }
0x12b: {  	[sflag:s11] =	ssyncset.done @!p0 $0x0  }
0x12c: {  	[sflag:s11] =	ssyncadd.s32 @!p0 $0xFFFFD300;
	s11 =	simm.s32 @!p0 $0x14  }
0x12d: {  	_ =	swait.ge @!p0 [sflag:s11], $0x2800  }
0x12e: {  	[sflag:s11] =	ssyncset.done @!p0 $0x0  }
0x12f: {  	s16 =	simm.s32 $0x10220;
	s15 =	sadd.s32 $0x140, s8;
	[sflag:s11] =	ssyncadd.s32 @!p0 $0xFFFFD800  }
0x130: {  	[tilespmem:s16], [sflag:$0x5] =	stream.indirect.gather [hbm4b:s2+s18], $0x90, s15, s18, $0xb8;
	[tilespmem:$0x1F720] =	vst v63  }
0x131: {  	s8 =	sadd.s32 $0x2850, s8;
	s17 =	simm.s32 $0x1CF20  }
0x132: {  	[tilespmem:s17], [sflag:$0xA] =	stream.indirect.gather [hbm4b:s3+s18], $0x80, s8, s18, $0xb8;
	[tilespmem:$0x1F720] =	vst v63  }
0x133: {  	_ =	swait.ge [sflag:s9], $0x2D00  }
0x134: {  	[sflag:s9] =	ssyncset.done $0x0  }
0x135: {  	[sflag:s9] =	ssyncadd.s32 $0xFFFFD300  }
0x136: {  	_ =	swait.ge [sflag:s10], $0x2800  }
0x137: {  	[sflag:s10] =	ssyncset.done $0x0  }
0x138: {  	s22 =	sadd.s32 $0x10E0, s12;
	[sflag:s10] =	ssyncadd.s32 $0xFFFFD800  }
0x139: {  	[hbm4b:s22+s4] =	stream.linear.scatter [tilespmem:s25], [sflag:$0xE], $0x2D00, $0x38;
	[tilespmem:$0x1F720] =	vst v63  }
0x13a: {  	s23 =	sadd.s32 $0xF00, s7;
	s25 =	simm.s32 $0x5  }
0x13b: {  	[hbm4b:s23+s4] =	stream.linear.scatter [tilespmem:s19], [sflag:$0x13], $0x2800, $0x38;
	[tilespmem:$0x1F720] =	vst v63  }
0x13c: {  	_ =	swait.ge [sflag:s25], $0x2D00  }
0x13d: {  	[sflag:s25] =	ssyncset.done $0x0  }
0x13e: {  	s26 =	simm.s32 $0xA;
	[sflag:s25] =	ssyncadd.s32 $0xFFFFD300  }
0x13f: {  	_ =	swait.ge [sflag:s26], $0x2800  }
0x140: {  	[sflag:s26] =	ssyncset.done $0x0  }
0x141: {  	s30 =	rddreg [dreg:$0x8];
	[sflag:s26] =	ssyncadd.s32 $0xFFFFD800  }
0x142: {  	[hbm4b:s30+s4] =	stream.linear.scatter [tilespmem:s16], [sflag:$0xF], $0x2D00, $0x38;
	[tilespmem:$0x1F720] =	vst v63  }
0x143: {  	s12 =	simm.s32 $0xB;
	s8 =	rddreg [dreg:$0x9]  }
0x144: {  	[hbm4b:s8+s4] =	stream.linear.scatter [tilespmem:s17], [sflag:$0x14], $0x2800, $0x38;
	[tilespmem:$0x1F720] =	vst v63  }
0x145: {  	_ =	swait.ge [sflag:s12], $0x2D00  }
0x146: {  	[sflag:s12] =	ssyncset.done $0x0  }
0x147: {  	s13 =	simm.s32 $0x10;
	[sflag:s12] =	ssyncadd.s32 $0xFFFFD300  }
0x148: {  	_ =	swait.ge [sflag:s13], $0x2800  }
0x149: {  	[sflag:s13] =	ssyncset.done $0x0  }
0x14a: {  	s14 =	simm.s32 $0xC;
	[sflag:s13] =	ssyncadd.s32 $0xFFFFD800  }
0x14b: {  	_ =	swait.ge [sflag:s14], $0x2D00  }
0x14c: {  	[sflag:s14] =	ssyncset.done $0x0  }
0x14d: {  	s15 =	simm.s32 $0x11;
	[sflag:s14] =	ssyncadd.s32 $0xFFFFD300  }
0x14e: {  	_ =	swait.ge [sflag:s15], $0x2800  }
0x14f: {  	[sflag:s15] =	ssyncset.done $0x0  }
0x150: {  	s16 =	simm.s32 $0xD;
	[sflag:s15] =	ssyncadd.s32 $0xFFFFD800  }
0x151: {  	_ =	swait.ge [sflag:s16], $0x2D00  }
0x152: {  	[sflag:s16] =	ssyncset.done $0x0  }
0x153: {  	s17 =	simm.s32 $0x12;
	[sflag:s16] =	ssyncadd.s32 $0xFFFFD300  }
0x154: {  	_ =	swait.ge [sflag:s17], $0x2800  }
0x155: {  	[sflag:s17] =	ssyncset.done $0x0  }
0x156: {  	s19 =	simm.s32 $0xE;
	[sflag:s17] =	ssyncadd.s32 $0xFFFFD800  }
0x157: {  	_ =	swait.ge [sflag:s19], $0x2D00  }
0x158: {  	[sflag:s19] =	ssyncset.done $0x0  }
0x159: {  	s22 =	simm.s32 $0x13;
	[sflag:s19] =	ssyncadd.s32 $0xFFFFD300  }
0x15a: {  	_ =	swait.ge [sflag:s22], $0x2800  }
0x15b: {  	[sflag:s22] =	ssyncset.done $0x0  }
0x15c: {  	s23 =	simm.s32 $0xF;
	[sflag:s22] =	ssyncadd.s32 $0xFFFFD800  }
0x15d: {  	_ =	swait.ge [sflag:s23], $0x2D00  }
0x15e: {  	[sflag:s23] =	ssyncset.done $0x0  }
0x15f: {  	s25 =	simm.s32 $0x14;
	[sflag:s23] =	ssyncadd.s32 $0xFFFFD300  }
0x160: {  	_ =	swait.ge [sflag:s25], $0x2800  }
0x161: {  	s26 =	rddreg [dreg:$0xe]  }
0x162: {  	s30 =	rddreg [dreg:$0xa];
	s11 =	sadd.s32 $0x1, s26  }
0x163: {  	p0 =	sne.s32 s11, s30  }
.Ltmp1:
0x164: {  	_ = 	snop;
	(pc) =	sbr.rel @p0 .LBB2_1-.Ltmp1, $3  }
0x165: {  	_ =	sdelay $0x1  }
0x166: {  	[sflag:s25] =	ssyncset.done $0x0  }
0x167: {  	s20 =	simm.s32 $0x1A720;
	[sflag:s25] =	ssyncadd.s32 $0xFFFFD800  }
0x168: {  	_ =	sfence.sel $0x180000  }
0x169: {  	[bflag:$0x0] =	sbarrier.arrive $0xFFFF  }
0x16a: {  	_ =	strace $0x90000047  }
0x16b: {  	s0 =	stileid.u32;
	[bflag:$0x2] =	sbarrier.arrive $0xFFFF  }
0x16c: {  	p0 =	sne.s32 s0, $0x0;
	s0 =	rddreg [dreg:$0x3]  }
0x16d: {  	s0 =	sadd.s32 @!p0 $0x100000, s0  }
0x16e: {  	[sflag:s0] =	ssyncadd.tile.s32 @!p0 $0x1;
	_ =	shalt  }
.Lfunc_end2:
_tile_overlayer_lowered:
.L_overlay_start_2:
0x16f: {  	(tag) =	ssettag $0x2  }
0x170: {  	s0 =	rddreg [dreg:$0x0];
	s2 =	stileid.u32  }
0x171: {  	s1 =	rddreg [dreg:$0x1];
	p0 =	sne.s32 s2, $0x0  }
0x172: {  	s3 =	rddreg [dreg:$0x2];
	[bflag:$0x3] =	sbarrier.arrive $0xFFFF;
	s2 =	simm.s32 @!p0 $0x1C15  }
0x173: {  	[timem:s3], [sflag:s2] =	dma.local @!p0 [hbm:s0], s1  }
0x174: {  	s0 =	simm.s32 @!p0 $0x15  }
0x175: {  	_ =	swait.ge @!p0 [sflag:s0], s1  }
0x176: {  	s1 =	ssub.s32 @!p0 $0x0, s1;
	[sflag:s0] =	ssyncset.done @!p0 $0x0  }
0x177: {  	[sflag:s0] =	ssyncadd.s32 @!p0 s1  }
0x178: {  	[bflag:$0x3] =	sbarrier.arrive $0xFFFF  }
0x179: {  	_ =	shalt  }

</sc_bundles>
